<compile_context>
chip_gen: v7x
topology: tpu7x:2x2x1
jax: 0.10.2.dev20260603
libtpu: 0.0.44.dev20260713+nightly
codegen_flags: <defaults>
</compile_context>

<pallas_src>
import functools

import numpy as np
import jax
import jax.numpy as jnp
from jax import lax
from jax.experimental import pallas as pl
from jax.experimental.pallas import tpu as pltpu
from jax.experimental.pallas import tpu_sc as plsc

_N = 10000
_E = 320000
_B = 8
_HID = 128
_NG = 50
_NGP = 64
_TDIM = 64
_LAYERS = 2
_CUTOFF = 5.0
_DELTA = _CUTOFF / (_NG - 1)
_COEFF = -0.5 / (_DELTA * _DELTA)

_NPAD = 10240
_NTILE = 256
_ETILE = 1024
_NCORE = 2
_NSUB = 16
_NWORK = _NCORE * _NSUB
_CH = 128
_CPW = 80
_EP = _NWORK * _CH * _CPW
_RPT = _NPAD // _NSUB

_f32 = jnp.float32


def _dot(a, b):
    return jnp.dot(a, b, preferred_element_type=_f32,
                   precision=jax.lax.Precision.HIGHEST)


def _silu(x):
    return x * jax.nn.sigmoid(x)



def _full(shape):
    return pl.BlockSpec(shape, lambda i: (0,) * len(shape))


def _row(w, t=_NTILE):
    return pl.BlockSpec((t, w), lambda i: (i, 0))


def _h0_body(temb, batch, posp, tw1, tb1, tw2, tb2, pw1, pb1, pw2, pb2, out):
    tf = _dot(_silu(_dot(temb[...], tw1[...]) + tb1[...]), tw2[...]) + tb2[...]
    hp = _dot(_silu(_dot(posp[...], pw1[...]) + pb1[...]), pw2[...]) + pb2[...]
    oh = (batch[...] == lax.broadcasted_iota(jnp.int32, (1, _B), 1)).astype(_f32)
    out[...] = hp + _dot(oh, tf)


def _h0_call(temb, batch2, posp, tw1, tb1, tw2, tb2, pw1, pb1, pw2, pb2):
    return pl.pallas_call(
        _h0_body,
        grid=(_NPAD // _NTILE,),
        in_specs=[_full((_B, _TDIM)), _row(1), _row(16),
                  _full((_TDIM, _HID)), _full((1, _HID)), _full((_HID, _HID)), _full((1, _HID)),
                  _full((16, _HID)), _full((1, _HID)), _full((_HID, _HID)), _full((1, _HID))],
        out_specs=_row(_HID),
        out_shape=jax.ShapeDtypeStruct((_NPAD, _HID), _f32),
    )(temb, batch2, posp, tw1, tb1, tw2, tb2, pw1, pb1, pw2, pb2)


def _prep_body(h, wsrc, wdst, eb1, a_out, b_out):
    hh = h[...]
    a_out[...] = _dot(hh, wsrc[...])
    b_out[...] = _dot(hh, wdst[...]) + eb1[...]


def _prep_call(h, wsrc, wdst, eb1):
    return pl.pallas_call(
        _prep_body,
        grid=(_NPAD // _NTILE,),
        in_specs=[_row(_HID), _full((_HID, _HID)), _full((_HID, _HID)), _full((1, _HID))],
        out_specs=[_row(_HID), _row(_HID)],
        out_shape=[jax.ShapeDtypeStruct((_NPAD, _HID), _f32)] * 2,
    )(h, wsrc, wdst, eb1)


def _edge_body(gs, gd, d2, wdf, out):
    dist = jnp.sqrt(d2[...])
    offs = lax.broadcasted_iota(jnp.int32, (1, _NGP), 1).astype(_f32) * _DELTA
    df = jnp.exp(_COEFF * (dist - offs) ** 2)
    z = gs[...] + gd[...] + _dot(df, wdf[...])
    out[...] = _silu(z)


def _edge_call(gs, gd, d2, wdf):
    return pl.pallas_call(
        _edge_body,
        grid=(_EP // _ETILE,),
        in_specs=[_row(_HID, _ETILE), _row(_HID, _ETILE),
                  _row(1, _ETILE), _full((_NGP, _HID))],
        out_specs=_row(_HID, _ETILE),
        out_shape=jax.ShapeDtypeStruct((_EP, _HID), _f32),
    )(gs, gd, d2, wdf)


def _node_body(h, s2, c2, ew2, eb2, nw1h, nw1a, nb1, nw2, nb2, swh, swa, sb, lng, lnb, out):
    s = s2[0, :, :] + s2[1, :, :]
    cnt = c2[0, :, 0:1] + c2[1, :, 0:1]
    agg = _dot(s, ew2[...]) + cnt * eb2[...]
    hh = h[...]
    mid = _silu(_dot(hh, nw1h[...]) + _dot(agg, nw1a[...]) + nb1[...])
    hn = (_dot(mid, nw2[...]) + nb2[...]
          + _dot(hh, swh[...]) + _dot(agg, swa[...]) + sb[...])
    mu = jnp.mean(hn, axis=-1, keepdims=True)
    var = jnp.mean((hn - mu) ** 2, axis=-1, keepdims=True)
    out[...] = (hn - mu) * lax.rsqrt(var + 1e-5) * lng[...] + lnb[...]


def _node_call(h, S, C, ew2, eb2, nw1h, nw1a, nb1, nw2, nb2, swh, swa, sb, lng, lnb):
    return pl.pallas_call(
        _node_body,
        grid=(_NPAD // _NTILE,),
        in_specs=[_row(_HID),
                  pl.BlockSpec((2, _NTILE, _HID), lambda i: (0, i, 0)),
                  pl.BlockSpec((2, _NTILE, _HID), lambda i: (0, i, 0)),
                  _full((_HID, _HID)), _full((1, _HID)),
                  _full((_HID, _HID)), _full((_HID, _HID)), _full((1, _HID)),
                  _full((_HID, _HID)), _full((1, _HID)),
                  _full((_HID, _HID)), _full((_HID, _HID)), _full((1, _HID)),
                  _full((1, _HID)), _full((1, _HID))],
        out_specs=_row(_HID),
        out_shape=jax.ShapeDtypeStruct((_NPAD, _HID), _f32),
    )(h, S, C, ew2, eb2, nw1h, nw1a, nb1, nw2, nb2, swh, swa, sb, lng, lnb)


def _out_body(h, w1, b1, w2, b2, out):
    out[...] = _dot(_silu(_dot(h[...], w1[...]) + b1[...]), w2[...]) + b2[...]


def _out_call(h, w1, b1, w2, b2):
    return pl.pallas_call(
        _out_body,
        grid=(_NPAD // _NTILE,),
        in_specs=[_row(_HID), _full((_HID, _HID)), _full((1, _HID)),
                  _full((_HID, _HID)), _full((1, _HID))],
        out_specs=_row(_HID),
        out_shape=jax.ShapeDtypeStruct((_NPAD, _HID), _f32),
    )(h, w1, b1, w2, b2)



def _sc_mesh():
    return plsc.VectorSubcoreMesh(core_axis_name="c", subcore_axis_name="s",
                                  num_cores=_NCORE, num_subcores=_NSUB)


def _make_gather2(width):

    def body(ta, tb, si, di, oa, ob, si_v, di_v, ra_v, rb_v, sema, semb):
        wid = lax.axis_index("s") * _NCORE + lax.axis_index("c")

        def chunk(ci, carry):
            base = (wid * _CPW + ci) * _CH
            pltpu.sync_copy(si.at[pl.ds(base, _CH)], si_v)
            pltpu.sync_copy(di.at[pl.ds(base, _CH)], di_v)
            ca = pltpu.async_copy(ta.at[si_v], ra_v, sema)
            cb = pltpu.async_copy(tb.at[di_v], rb_v, semb)
            ca.wait()
            cb.wait()
            pltpu.sync_copy(ra_v, oa.at[pl.ds(base, _CH)])
            pltpu.sync_copy(rb_v, ob.at[pl.ds(base, _CH)])
            return carry

        lax.fori_loop(0, _CPW, chunk, 0)

    return pl.kernel(
        body,
        out_type=(jax.ShapeDtypeStruct((_EP, width), _f32),
                  jax.ShapeDtypeStruct((_EP, width), _f32)),
        mesh=_sc_mesh(),
        scratch_types=[
            pltpu.VMEM((_CH,), jnp.int32),
            pltpu.VMEM((_CH,), jnp.int32),
            pltpu.VMEM((_CH, width), _f32),
            pltpu.VMEM((_CH, width), _f32),
            pltpu.SemaphoreType.DMA,
            pltpu.SemaphoreType.DMA,
        ],
    )


_make_gather2 = functools.cache(_make_gather2)


@functools.cache
def _make_edge_geom():

    def body(px, py, pz, si, di, ones, z128, d2_out, c_out,
             px_v, py_v, pz_v, si_v, di_v, d2_v, ones_v, c_sh):
        c = lax.axis_index("c")
        s = lax.axis_index("s")
        wid = s * _NCORE + c
        r0 = s * _RPT
        pltpu.sync_copy(px, px_v)
        pltpu.sync_copy(py, py_v)
        pltpu.sync_copy(pz, pz_v)
        pltpu.sync_copy(ones, ones_v)
        pltpu.sync_copy(z128.at[pl.ds(r0, _RPT)], c_sh.at[pl.ds(r0, _RPT)])
        plsc.subcore_barrier()

        def chunk(ci, carry):
            base = (wid * _CPW + ci) * _CH
            pltpu.sync_copy(si.at[pl.ds(base, _CH)], si_v)
            pltpu.sync_copy(di.at[pl.ds(base, _CH)], di_v)
            for g in range(_CH // 16):
                sidx = si_v[pl.ds(g * 16, 16)]
                didx = di_v[pl.ds(g * 16, 16)]
                ex = plsc.load_gather(px_v, [didx]) - plsc.load_gather(px_v, [sidx])
                ey = plsc.load_gather(py_v, [didx]) - plsc.load_gather(py_v, [sidx])
                ez = plsc.load_gather(pz_v, [didx]) - plsc.load_gather(pz_v, [sidx])
                d2_v[pl.ds(g * 16, 16)] = ex * ex + ey * ey + ez * ez
            pltpu.sync_copy(d2_v, d2_out.at[pl.ds(base, _CH)])
            pltpu.sync_copy(ones_v, c_sh.at[di_v], add=True)
            return carry

        lax.fori_loop(0, _CPW, chunk, 0)
        plsc.subcore_barrier()
        pltpu.sync_copy(c_sh.at[pl.ds(r0, _RPT)], c_out.at[c, pl.ds(r0, _RPT)])

    return pl.kernel(
        body,
        out_type=(jax.ShapeDtypeStruct((_EP,), _f32),
                  jax.ShapeDtypeStruct((_NCORE, _NPAD, _HID), _f32)),
        mesh=_sc_mesh(),
        scratch_types=[
            pltpu.VMEM((_NPAD,), _f32),
            pltpu.VMEM((_NPAD,), _f32),
            pltpu.VMEM((_NPAD,), _f32),
            pltpu.VMEM((_CH,), jnp.int32),
            pltpu.VMEM((_CH,), jnp.int32),
            pltpu.VMEM((_CH,), _f32),
            pltpu.VMEM((_CH, _HID), _f32),
            pltpu.VMEM_SHARED((_NPAD, _HID), _f32),
        ],
        compiler_params=pltpu.CompilerParams(needs_layout_passes=False),
    )


@functools.cache
def _make_scatter():

    def body(u, di, z128, s_out, di_v, u_v, s_sh):
        c = lax.axis_index("c")
        s = lax.axis_index("s")
        r0 = s * _RPT
        pltpu.sync_copy(z128.at[pl.ds(r0, _RPT)], s_sh.at[pl.ds(r0, _RPT)])
        plsc.subcore_barrier()
        half = _EP // _NCORE
        per_tile = half // _NSUB

        def chunk(ci, carry):
            base = c * half + s * per_tile + ci * _CH
            pltpu.sync_copy(di.at[pl.ds(base, _CH)], di_v)
            pltpu.sync_copy(u.at[pl.ds(base, _CH)], u_v)
            pltpu.sync_copy(u_v, s_sh.at[di_v], add=True)
            return carry

        lax.fori_loop(0, per_tile // _CH, chunk, 0)
        plsc.subcore_barrier()
        pltpu.sync_copy(s_sh.at[pl.ds(r0, _RPT)], s_out.at[c, pl.ds(r0, _RPT)])

    return pl.kernel(
        body,
        out_type=jax.ShapeDtypeStruct((_NCORE, _NPAD, _HID), _f32),
        mesh=_sc_mesh(),
        scratch_types=[
            pltpu.VMEM((_CH,), jnp.int32),
            pltpu.VMEM((_CH, _HID), _f32),
            pltpu.VMEM_SHARED((_NPAD, _HID), _f32),
        ],
    )



def kernel(pos, edge_index, batch, t, params):
    p = params
    pos = pos.astype(_f32)
    src = edge_index[0].astype(jnp.int32)
    dst = edge_index[1].astype(jnp.int32)
    pad_e = _EP - _E
    srcp = jnp.concatenate([src, jnp.zeros((pad_e,), jnp.int32)])
    dstp = jnp.concatenate([dst, jnp.full((pad_e,), _N, jnp.int32)])
    posp = jnp.zeros((_NPAD, 16), _f32).at[:_N, :3].set(pos)
    batch2 = jnp.zeros((_NPAD, 1), jnp.int32).at[:_N, 0].set(batch.astype(jnp.int32))

    half = _TDIM // 2
    freqs = jnp.exp(-np.log(10000.0) * jnp.arange(half, dtype=_f32) / half)
    targ = t.astype(_f32)[:, None] * freqs[None, :]
    temb = jnp.concatenate([jnp.sin(targ), jnp.cos(targ)], axis=-1)

    def row1(v):
        return v.reshape(1, -1)

    pw1 = jnp.zeros((16, _HID), _f32).at[:3].set(p['node_w1'])
    h = _h0_call(temb, batch2, posp,
                 p['time_w1'], row1(p['time_b1']), p['time_w2'], row1(p['time_b2']),
                 pw1, row1(p['node_b1']), p['node_w2'], row1(p['node_b2']))

    zeros128 = jnp.zeros((_NPAD, _HID), _f32)
    ones128 = jnp.ones((_CH, _HID), _f32)
    posx = jnp.zeros((_NPAD,), _f32).at[:_N].set(pos[:, 0])
    posy = jnp.zeros((_NPAD,), _f32).at[:_N].set(pos[:, 1])
    posz = jnp.zeros((_NPAD,), _f32).at[:_N].set(pos[:, 2])
    d2, C = _make_edge_geom()(posx, posy, posz, srcp, dstp, ones128, zeros128)
    d2 = d2.reshape(_EP, 1)

    for i in range(_LAYERS):
        lp = p['layers'][i]
        wsrc = lp['edge_w1'][:_HID]
        wdst = lp['edge_w1'][_HID:2 * _HID]
        wdf = jnp.zeros((_NGP, _HID), _f32).at[:_NG].set(lp['edge_w1'][2 * _HID:])
        A, Bt = _prep_call(h, wsrc, wdst, row1(lp['edge_b1']))
        gs, gd = _make_gather2(_HID)(A, Bt, srcp, dstp)
        u = _edge_call(gs, gd, d2, wdf)
        S = _make_scatter()(u, dstp, zeros128)
        h = _node_call(h, S, C, lp['edge_w2'], row1(lp['edge_b2']),
                       lp['node_w1'][:_HID], lp['node_w1'][_HID:], row1(lp['node_b1']),
                       lp['node_w2'], row1(lp['node_b2']),
                       lp['short_w'][:_HID], lp['short_w'][_HID:], row1(lp['short_b']),
                       row1(lp['ln_g']), row1(lp['ln_b']))

    ow2 = jnp.zeros((_HID, _HID), _f32).at[:, :3].set(p['out_w2'])
    ob2 = jnp.zeros((1, _HID), _f32).at[0, :3].set(p['out_b2'])
    velp = _out_call(h, p['out_w1'], row1(p['out_b1']), ow2, ob2)
    return velp[:_N, :3]

# --- scband reference (transcript-rebuilt; emitter-appended) ---
"""Pipeline reference for scband-egnnflow-matching-54039278518699 (READ-ONLY COPY).

The authoritative reference and input builder live on the scoring server;
editing this copy changes nothing except your own understanding.
"""

import jax, jax.numpy as jnp
import numpy as np

N = 10000
E = 320000
B = 8
HID = 128
NG = 50
TDIM = 64
LAYERS = 2
CUTOFF = 5.0


def _lin_init(key, din, dout):
    k1, k2 = jax.random.split(key)
    lim = 1.0 / np.sqrt(din)
    w = jax.random.uniform(k1, (din, dout), minval=-lim, maxval=lim, dtype=jnp.float32)
    b = jax.random.uniform(k2, (dout,), minval=-lim, maxval=lim, dtype=jnp.float32)
    return w, b


def _mlp2(x, w1, b1, w2, b2):
    return jax.nn.silu(x @ w1 + b1) @ w2 + b2


def _time_embed(t, dim):
    half = dim // 2
    freqs = jnp.exp(-np.log(10000.0) * jnp.arange(half, dtype=jnp.float32) / half)
    args = t[:, None] * freqs[None, :]
    return jnp.concatenate([jnp.sin(args), jnp.cos(args)], axis=-1)


def _forward(pos, t, params, edge_index, batch):
    offset = jnp.linspace(0.0, CUTOFF, NG)
    delta = CUTOFF / (NG - 1)
    coeff = -0.5 / (delta * delta)
    h = _mlp2(pos, params['node_w1'], params['node_b1'], params['node_w2'], params['node_b2'])
    temb = _time_embed(t, TDIM)
    tfeat = _mlp2(temb, params['time_w1'], params['time_b1'], params['time_w2'], params['time_b2'])
    h = h + tfeat[batch]
    src = edge_index[0]
    dst = edge_index[1]
    for i in range(LAYERS):
        p = params['layers'][i]
        evec = pos[dst] - pos[src]
        dist = jnp.sqrt(jnp.sum(evec * evec, axis=-1))
        dfeat = jnp.exp(coeff * (dist[:, None] - offset[None, :]) ** 2)
        ein = jnp.concatenate([h[src], h[dst], dfeat], axis=-1)
        efeat = _mlp2(ein, p['edge_w1'], p['edge_b1'], p['edge_w2'], p['edge_b2'])
        agg = jax.ops.segment_sum(efeat, dst, num_segments=N)
        ni = jnp.concatenate([h, agg], axis=-1)
        hn = _mlp2(ni, p['node_w1'], p['node_b1'], p['node_w2'], p['node_b2']) + ni @ p['short_w'] + p['short_b']
        mu = jnp.mean(hn, axis=-1, keepdims=True)
        var = jnp.mean((hn - mu) ** 2, axis=-1, keepdims=True)
        h = (hn - mu) / jnp.sqrt(var + 1e-5) * p['ln_g'] + p['ln_b']
    vel = _mlp2(h, params['out_w1'], params['out_b1'], params['out_w2'], params['out_b2'])
    return vel


def setup_inputs(seed: int = 0) -> dict:
    key = jax.random.key(seed)
    ks = jax.random.split(key, 8)
    pos = jax.random.normal(ks[0], (N, 3), dtype=jnp.float32)
    src = jax.random.randint(ks[1], (E,), 0, N, dtype=jnp.int32)
    offs = jax.random.randint(ks[2], (E,), 1, N, dtype=jnp.int32)
    dst = (src + offs) % N
    edge_index = jnp.stack([src, dst], axis=0)
    batch = jnp.sort(jax.random.randint(ks[3], (N,), 0, B, dtype=jnp.int32))
    t = jax.random.uniform(ks[4], (B,), dtype=jnp.float32)
    pk = jax.random.split(ks[5], 6 + LAYERS * 6)
    node_w1, node_b1 = _lin_init(pk[0], 3, HID)
    node_w2, node_b2 = _lin_init(pk[1], HID, HID)
    time_w1, time_b1 = _lin_init(pk[2], TDIM, HID)
    time_w2, time_b2 = _lin_init(pk[3], HID, HID)
    out_w1, out_b1 = _lin_init(pk[4], HID, HID)
    out_w2, out_b2 = _lin_init(pk[5], HID, 3)
    layers = []
    for i in range(LAYERS):
        base = 6 + i * 6
        ew1, eb1 = _lin_init(pk[base], 2 * HID + NG, HID)
        ew2, eb2 = _lin_init(pk[base + 1], HID, HID)
        nw1, nb1 = _lin_init(pk[base + 2], 2 * HID, HID)
        nw2, nb2 = _lin_init(pk[base + 3], HID, HID)
        sw, sb = _lin_init(pk[base + 4], 2 * HID, HID)
        layers.append({'edge_w1': ew1, 'edge_b1': eb1, 'edge_w2': ew2, 'edge_b2': eb2,
                       'node_w1': nw1, 'node_b1': nb1, 'node_w2': nw2, 'node_b2': nb2,
                       'short_w': sw, 'short_b': sb,
                       'ln_g': jnp.ones((HID,), jnp.float32), 'ln_b': jnp.zeros((HID,), jnp.float32)})
    params = {'node_w1': node_w1, 'node_b1': node_b1, 'node_w2': node_w2, 'node_b2': node_b2,
              'time_w1': time_w1, 'time_b1': time_b1, 'time_w2': time_w2, 'time_b2': time_b2,
              'out_w1': out_w1, 'out_b1': out_b1, 'out_w2': out_w2, 'out_b2': out_b2,
              'layers': layers}
    return {'pos': pos, 'edge_index': edge_index, 'batch': batch, 't': t, 'params': params}


def reference(pos, edge_index, batch, t, params):
    return _forward(pos, t, params, edge_index, batch)

if __name__ == "__main__":
    import jax
    _d = setup_inputs()
    print(jax.jit(kernel)(*tuple(_d.values())))

</pallas_src>

<mosaic_0001>
#map = affine_map<(d0, d1) -> (0)>
#map1 = affine_map<(d0, d1) -> (0, 0)>
#map2 = affine_map<(d0, d1) -> (0, 0, 0)>
module attributes {stable_mosaic.version = 14 : i64} {
  func.func @body(%arg0: i32, %arg1: i32, %arg2: memref<10240xf32, #tpu.memory_space<hbm>>, %arg3: memref<10240xf32, #tpu.memory_space<hbm>>, %arg4: memref<10240xf32, #tpu.memory_space<hbm>>, %arg5: memref<327680xi32, #tpu.memory_space<hbm>>, %arg6: memref<327680xi32, #tpu.memory_space<hbm>>, %arg7: memref<128x128xf32, #tpu.memory_space<hbm>>, %arg8: memref<10240x128xf32, #tpu.memory_space<hbm>>, %arg9: memref<327680xf32, #tpu.memory_space<hbm>>, %arg10: memref<2x10240x128xf32, #tpu.memory_space<hbm>>, %arg11: memref<10240xf32, #tpu.memory_space<vmem>>, %arg12: memref<10240xf32, #tpu.memory_space<vmem>>, %arg13: memref<10240xf32, #tpu.memory_space<vmem>>, %arg14: memref<128xi32, #tpu.memory_space<vmem>>, %arg15: memref<128xi32, #tpu.memory_space<vmem>>, %arg16: memref<128xf32, #tpu.memory_space<vmem>>, %arg17: memref<128x128xf32, #tpu.memory_space<vmem>>, %arg18: memref<10240x128xf32, #tpu.memory_space<vmem_shared>>) attributes {dimension_semantics = [#tpu.dimension_semantics<core_parallel>, #tpu.dimension_semantics<subcore_parallel>], iteration_bounds = array<i64: 2, 16>, scalar_prefetch = 0 : i64, scratch_operands = 8 : i64, tpu.core_type = #tpu.core_type<sc_vector_subcore>, window_params = [{transform_indices = #map}, {transform_indices = #map}, {transform_indices = #map}, {transform_indices = #map}, {transform_indices = #map}, {transform_indices = #map1}, {transform_indices = #map1}, {transform_indices = #map}, {transform_indices = #map2}]} {
    %mul3A = arith.constant 2 : i32
    %mul3A_0 = arith.muli %arg1, %mul3A : i32
    %add3A = arith.addi %mul3A_0, %arg0 : i32
    %mul3A_1 = arith.constant 640 : i32
    %mul3A_2 = arith.muli %arg1, %mul3A_1 : i32
    "tpu.region"() ({
      %run_scoped3A = tpu.sem_alloc : memref<!tpu.dma_semaphore, #tpu.memory_space<semaphore_mem>>
      tpu.enqueue_dma source(%arg2 : memref<10240xf32, #tpu.memory_space<hbm>>) target(%arg11 : memref<10240xf32, #tpu.memory_space<vmem>>) target_semaphore(%run_scoped3A : memref<!tpu.dma_semaphore, #tpu.memory_space<semaphore_mem>>)
      tpu.wait_dma2 semaphore(%run_scoped3A : memref<!tpu.dma_semaphore, #tpu.memory_space<semaphore_mem>>) src(%arg2 : memref<10240xf32, #tpu.memory_space<hbm>>) dst(%arg11 : memref<10240xf32, #tpu.memory_space<vmem>>)
      tpu.yield
    }) : () -> ()
    "tpu.region"() ({
      %run_scoped3A = tpu.sem_alloc : memref<!tpu.dma_semaphore, #tpu.memory_space<semaphore_mem>>
      tpu.enqueue_dma source(%arg3 : memref<10240xf32, #tpu.memory_space<hbm>>) target(%arg12 : memref<10240xf32, #tpu.memory_space<vmem>>) target_semaphore(%run_scoped3A : memref<!tpu.dma_semaphore, #tpu.memory_space<semaphore_mem>>)
      tpu.wait_dma2 semaphore(%run_scoped3A : memref<!tpu.dma_semaphore, #tpu.memory_space<semaphore_mem>>) src(%arg3 : memref<10240xf32, #tpu.memory_space<hbm>>) dst(%arg12 : memref<10240xf32, #tpu.memory_space<vmem>>)
      tpu.yield
    }) : () -> ()
    "tpu.region"() ({
      %run_scoped3A = tpu.sem_alloc : memref<!tpu.dma_semaphore, #tpu.memory_space<semaphore_mem>>
      tpu.enqueue_dma source(%arg4 : memref<10240xf32, #tpu.memory_space<hbm>>) target(%arg13 : memref<10240xf32, #tpu.memory_space<vmem>>) target_semaphore(%run_scoped3A : memref<!tpu.dma_semaphore, #tpu.memory_space<semaphore_mem>>)
      tpu.wait_dma2 semaphore(%run_scoped3A : memref<!tpu.dma_semaphore, #tpu.memory_space<semaphore_mem>>) src(%arg4 : memref<10240xf32, #tpu.memory_space<hbm>>) dst(%arg13 : memref<10240xf32, #tpu.memory_space<vmem>>)
      tpu.yield
    }) : () -> ()
    "tpu.region"() ({
      %run_scoped3A = tpu.sem_alloc : memref<!tpu.dma_semaphore, #tpu.memory_space<semaphore_mem>>
      tpu.enqueue_dma source(%arg7 : memref<128x128xf32, #tpu.memory_space<hbm>>) target(%arg17 : memref<128x128xf32, #tpu.memory_space<vmem>>) target_semaphore(%run_scoped3A : memref<!tpu.dma_semaphore, #tpu.memory_space<semaphore_mem>>)
      tpu.wait_dma2 semaphore(%run_scoped3A : memref<!tpu.dma_semaphore, #tpu.memory_space<semaphore_mem>>) src(%arg7 : memref<128x128xf32, #tpu.memory_space<hbm>>) dst(%arg17 : memref<128x128xf32, #tpu.memory_space<vmem>>)
      tpu.yield
    }) : () -> ()
    "tpu.region"() ({
      %run_scoped3A = tpu.sem_alloc : memref<!tpu.dma_semaphore, #tpu.memory_space<semaphore_mem>>
      %dma_start3A = arith.constant 0 : i32
      %dma_start3A_9 = tpu.memref_slice %arg18[%mul3A_2, %dma_start3A] : memref<10240x128xf32, #tpu.memory_space<vmem_shared>> -> memref<640x128xf32, #tpu.memory_space<vmem_shared>>
      %dma_start3A_10 = arith.constant 0 : i32
      %dma_start3A_11 = tpu.memref_slice %arg8[%mul3A_2, %dma_start3A_10] : memref<10240x128xf32, #tpu.memory_space<hbm>> -> memref<640x128xf32, #tpu.memory_space<hbm>>
      tpu.enqueue_dma source(%dma_start3A_11 : memref<640x128xf32, #tpu.memory_space<hbm>>) target(%dma_start3A_9 : memref<640x128xf32, #tpu.memory_space<vmem_shared>>) target_semaphore(%run_scoped3A : memref<!tpu.dma_semaphore, #tpu.memory_space<semaphore_mem>>)
      %dma_wait3A = arith.constant 0 : i32
      %dma_wait3A_12 = tpu.memref_slice %arg18[%mul3A_2, %dma_wait3A] : memref<10240x128xf32, #tpu.memory_space<vmem_shared>> -> memref<640x128xf32, #tpu.memory_space<vmem_shared>>
      %dma_wait3A_13 = arith.constant 0 : i32
      %dma_wait3A_14 = tpu.memref_slice %arg8[%mul3A_2, %dma_wait3A_13] : memref<10240x128xf32, #tpu.memory_space<hbm>> -> memref<640x128xf32, #tpu.memory_space<hbm>>
      tpu.wait_dma2 semaphore(%run_scoped3A : memref<!tpu.dma_semaphore, #tpu.memory_space<semaphore_mem>>) src(%dma_wait3A_14 : memref<640x128xf32, #tpu.memory_space<hbm>>) dst(%dma_wait3A_12 : memref<640x128xf32, #tpu.memory_space<vmem_shared>>)
      tpu.yield
    }) : () -> ()
    %barrier3A = arith.constant 0 : index
    tpu.barrier barrier_id(%barrier3A)
    %scan3A = arith.constant 0 : i32
    %scan3A_3 = arith.constant 0 : i32
    %scan3A_4 = arith.constant 80 : i32
    %scan3A_5 = arith.addi %scan3A_3, %scan3A_4 : i32
    %scan3A_6 = arith.constant 1 : i32
    scf.for %scan3A_9 = %scan3A_3 to %scan3A_5 step %scan3A_6  : i32 {
      %mul3A_10 = arith.constant 80 : i32
      %mul3A_11 = arith.muli %add3A, %mul3A_10 : i32
      %add3A_12 = arith.addi %mul3A_11, %scan3A_9 : i32
      %mul3A_13 = arith.constant 128 : i32
      %mul3A_14 = arith.muli %add3A_12, %mul3A_13 : i32
      "tpu.region"() ({
        %run_scoped3A = tpu.sem_alloc : memref<!tpu.dma_semaphore, #tpu.memory_space<semaphore_mem>>
        %dma_start3A = tpu.memref_slice %arg5[%mul3A_14] : memref<327680xi32, #tpu.memory_space<hbm>> -> memref<128xi32, #tpu.memory_space<hbm>>
        %dma_start3A_171 = tpu.memref_slice %arg5[%mul3A_14] : memref<327680xi32, #tpu.memory_space<hbm>> -> memref<128xi32, #tpu.memory_space<hbm>>
        tpu.enqueue_dma source(%dma_start3A_171 : memref<128xi32, #tpu.memory_space<hbm>>) target(%arg14 : memref<128xi32, #tpu.memory_space<vmem>>) target_semaphore(%run_scoped3A : memref<!tpu.dma_semaphore, #tpu.memory_space<semaphore_mem>>)
        %dma_wait3A = tpu.memref_slice %arg5[%mul3A_14] : memref<327680xi32, #tpu.memory_space<hbm>> -> memref<128xi32, #tpu.memory_space<hbm>>
        %dma_wait3A_172 = tpu.memref_slice %arg5[%mul3A_14] : memref<327680xi32, #tpu.memory_space<hbm>> -> memref<128xi32, #tpu.memory_space<hbm>>
        tpu.wait_dma2 semaphore(%run_scoped3A : memref<!tpu.dma_semaphore, #tpu.memory_space<semaphore_mem>>) src(%dma_wait3A_172 : memref<128xi32, #tpu.memory_space<hbm>>) dst(%arg14 : memref<128xi32, #tpu.memory_space<vmem>>)
        tpu.yield
      }) : () -> ()
      "tpu.region"() ({
        %run_scoped3A = tpu.sem_alloc : memref<!tpu.dma_semaphore, #tpu.memory_space<semaphore_mem>>
        %dma_start3A = tpu.memref_slice %arg6[%mul3A_14] : memref<327680xi32, #tpu.memory_space<hbm>> -> memref<128xi32, #tpu.memory_space<hbm>>
        %dma_start3A_171 = tpu.memref_slice %arg6[%mul3A_14] : memref<327680xi32, #tpu.memory_space<hbm>> -> memref<128xi32, #tpu.memory_space<hbm>>
        tpu.enqueue_dma source(%dma_start3A_171 : memref<128xi32, #tpu.memory_space<hbm>>) target(%arg15 : memref<128xi32, #tpu.memory_space<vmem>>) target_semaphore(%run_scoped3A : memref<!tpu.dma_semaphore, #tpu.memory_space<semaphore_mem>>)
        %dma_wait3A = tpu.memref_slice %arg6[%mul3A_14] : memref<327680xi32, #tpu.memory_space<hbm>> -> memref<128xi32, #tpu.memory_space<hbm>>
        %dma_wait3A_172 = tpu.memref_slice %arg6[%mul3A_14] : memref<327680xi32, #tpu.memory_space<hbm>> -> memref<128xi32, #tpu.memory_space<hbm>>
        tpu.wait_dma2 semaphore(%run_scoped3A : memref<!tpu.dma_semaphore, #tpu.memory_space<semaphore_mem>>) src(%dma_wait3A_172 : memref<128xi32, #tpu.memory_space<hbm>>) dst(%arg15 : memref<128xi32, #tpu.memory_space<vmem>>)
        tpu.yield
      }) : () -> ()
      %get3A = arith.constant 0 : index
      %get3A_15 = tpu.vector_load %arg14[%get3A] {strides = array<i32>} : memref<128xi32, #tpu.memory_space<vmem>>, vector<16xi32>,
      %get3A_16 = arith.constant 0 : index
      %get3A_17 = tpu.vector_load %arg15[%get3A_16] {strides = array<i32>} : memref<128xi32, #tpu.memory_space<vmem>>, vector<16xi32>,
      %gather3A = tpu.vector_load_idx %arg11[%get3A_17] : memref<10240xf32, #tpu.memory_space<vmem>>[vector<16xi32>], vector<16xf32>,
      %gather3A_18 = tpu.vector_load_idx %arg11[%get3A_15] : memref<10240xf32, #tpu.memory_space<vmem>>[vector<16xi32>], vector<16xf32>,
      %sub3A = arith.subf %gather3A, %gather3A_18 : vector<16xf32>
      %gather3A_19 = tpu.vector_load_idx %arg12[%get3A_17] : memref<10240xf32, #tpu.memory_space<vmem>>[vector<16xi32>], vector<16xf32>,
      %gather3A_20 = tpu.vector_load_idx %arg12[%get3A_15] : memref<10240xf32, #tpu.memory_space<vmem>>[vector<16xi32>], vector<16xf32>,
      %sub3A_21 = arith.subf %gather3A_19, %gather3A_20 : vector<16xf32>
      %gather3A_22 = tpu.vector_load_idx %arg13[%get3A_17] : memref<10240xf32, #tpu.memory_space<vmem>>[vector<16xi32>], vector<16xf32>,
      %gather3A_23 = tpu.vector_load_idx %arg13[%get3A_15] : memref<10240xf32, #tpu.memory_space<vmem>>[vector<16xi32>], vector<16xf32>,
      %sub3A_24 = arith.subf %gather3A_22, %gather3A_23 : vector<16xf32>
      %mul3A_25 = arith.mulf %sub3A, %sub3A : vector<16xf32>
      %mul3A_26 = arith.mulf %sub3A_21, %sub3A_21 : vector<16xf32>
      %add3A_27 = arith.addf %mul3A_25, %mul3A_26 : vector<16xf32>
      %mul3A_28 = arith.mulf %sub3A_24, %sub3A_24 : vector<16xf32>
      %add3A_29 = arith.addf %add3A_27, %mul3A_28 : vector<16xf32>
      %swap3A = arith.constant 0 : index
      %swap3A_30 = tpu.vector_load %arg16[%swap3A] {strides = array<i32>} : memref<128xf32, #tpu.memory_space<vmem>>, vector<16xf32>,
      tpu.vector_store %arg16[%swap3A], %add3A_29 {strides = array<i32>} : memref<128xf32, #tpu.memory_space<vmem>>, vector<16xf32>,
      %get3A_31 = arith.constant 16 : index
      %get3A_32 = tpu.vector_load %arg14[%get3A_31] {strides = array<i32>} : memref<128xi32, #tpu.memory_space<vmem>>, vector<16xi32>,
      %get3A_33 = arith.constant 16 : index
      %get3A_34 = tpu.vector_load %arg15[%get3A_33] {strides = array<i32>} : memref<128xi32, #tpu.memory_space<vmem>>, vector<16xi32>,
      %gather3A_35 = tpu.vector_load_idx %arg11[%get3A_34] : memref<10240xf32, #tpu.memory_space<vmem>>[vector<16xi32>], vector<16xf32>,
      %gather3A_36 = tpu.vector_load_idx %arg11[%get3A_32] : memref<10240xf32, #tpu.memory_space<vmem>>[vector<16xi32>], vector<16xf32>,
      %sub3A_37 = arith.subf %gather3A_35, %gather3A_36 : vector<16xf32>
      %gather3A_38 = tpu.vector_load_idx %arg12[%get3A_34] : memref<10240xf32, #tpu.memory_space<vmem>>[vector<16xi32>], vector<16xf32>,
      %gather3A_39 = tpu.vector_load_idx %arg12[%get3A_32] : memref<10240xf32, #tpu.memory_space<vmem>>[vector<16xi32>], vector<16xf32>,
      %sub3A_40 = arith.subf %gather3A_38, %gather3A_39 : vector<16xf32>
      %gather3A_41 = tpu.vector_load_idx %arg13[%get3A_34] : memref<10240xf32, #tpu.memory_space<vmem>>[vector<16xi32>], vector<16xf32>,
      %gather3A_42 = tpu.vector_load_idx %arg13[%get3A_32] : memref<10240xf32, #tpu.memory_space<vmem>>[vector<16xi32>], vector<16xf32>,
      %sub3A_43 = arith.subf %gather3A_41, %gather3A_42 : vector<16xf32>
      %mul3A_44 = arith.mulf %sub3A_37, %sub3A_37 : vector<16xf32>
      %mul3A_45 = arith.mulf %sub3A_40, %sub3A_40 : vector<16xf32>
      %add3A_46 = arith.addf %mul3A_44, %mul3A_45 : vector<16xf32>
      %mul3A_47 = arith.mulf %sub3A_43, %sub3A_43 : vector<16xf32>
      %add3A_48 = arith.addf %add3A_46, %mul3A_47 : vector<16xf32>
      %swap3A_49 = arith.constant 16 : index
      %swap3A_50 = tpu.vector_load %arg16[%swap3A_49] {strides = array<i32>} : memref<128xf32, #tpu.memory_space<vmem>>, vector<16xf32>,
      tpu.vector_store %arg16[%swap3A_49], %add3A_48 {strides = array<i32>} : memref<128xf32, #tpu.memory_space<vmem>>, vector<16xf32>,
      %get3A_51 = arith.constant 32 : index
      %get3A_52 = tpu.vector_load %arg14[%get3A_51] {strides = array<i32>} : memref<128xi32, #tpu.memory_space<vmem>>, vector<16xi32>,
      %get3A_53 = arith.constant 32 : index
      %get3A_54 = tpu.vector_load %arg15[%get3A_53] {strides = array<i32>} : memref<128xi32, #tpu.memory_space<vmem>>, vector<16xi32>,
      %gather3A_55 = tpu.vector_load_idx %arg11[%get3A_54] : memref<10240xf32, #tpu.memory_space<vmem>>[vector<16xi32>], vector<16xf32>,
      %gather3A_56 = tpu.vector_load_idx %arg11[%get3A_52] : memref<10240xf32, #tpu.memory_space<vmem>>[vector<16xi32>], vector<16xf32>,
      %sub3A_57 = arith.subf %gather3A_55, %gather3A_56 : vector<16xf32>
      %gather3A_58 = tpu.vector_load_idx %arg12[%get3A_54] : memref<10240xf32, #tpu.memory_space<vmem>>[vector<16xi32>], vector<16xf32>,
      %gather3A_59 = tpu.vector_load_idx %arg12[%get3A_52] : memref<10240xf32, #tpu.memory_space<vmem>>[vector<16xi32>], vector<16xf32>,
      %sub3A_60 = arith.subf %gather3A_58, %gather3A_59 : vector<16xf32>
      %gather3A_61 = tpu.vector_load_idx %arg13[%get3A_54] : memref<10240xf32, #tpu.memory_space<vmem>>[vector<16xi32>], vector<16xf32>,
      %gather3A_62 = tpu.vector_load_idx %arg13[%get3A_52] : memref<10240xf32, #tpu.memory_space<vmem>>[vector<16xi32>], vector<16xf32>,
      %sub3A_63 = arith.subf %gather3A_61, %gather3A_62 : vector<16xf32>
      %mul3A_64 = arith.mulf %sub3A_57, %sub3A_57 : vector<16xf32>
      %mul3A_65 = arith.mulf %sub3A_60, %sub3A_60 : vector<16xf32>
      %add3A_66 = arith.addf %mul3A_64, %mul3A_65 : vector<16xf32>
      %mul3A_67 = arith.mulf %sub3A_63, %sub3A_63 : vector<16xf32>
      %add3A_68 = arith.addf %add3A_66, %mul3A_67 : vector<16xf32>
      %swap3A_69 = arith.constant 32 : index
      %swap3A_70 = tpu.vector_load %arg16[%swap3A_69] {strides = array<i32>} : memref<128xf32, #tpu.memory_space<vmem>>, vector<16xf32>,
      tpu.vector_store %arg16[%swap3A_69], %add3A_68 {strides = array<i32>} : memref<128xf32, #tpu.memory_space<vmem>>, vector<16xf32>,
      %get3A_71 = arith.constant 48 : index
      %get3A_72 = tpu.vector_load %arg14[%get3A_71] {strides = array<i32>} : memref<128xi32, #tpu.memory_space<vmem>>, vector<16xi32>,
      %get3A_73 = arith.constant 48 : index
      %get3A_74 = tpu.vector_load %arg15[%get3A_73] {strides = array<i32>} : memref<128xi32, #tpu.memory_space<vmem>>, vector<16xi32>,
      %gather3A_75 = tpu.vector_load_idx %arg11[%get3A_74] : memref<10240xf32, #tpu.memory_space<vmem>>[vector<16xi32>], vector<16xf32>,
      %gather3A_76 = tpu.vector_load_idx %arg11[%get3A_72] : memref<10240xf32, #tpu.memory_space<vmem>>[vector<16xi32>], vector<16xf32>,
      %sub3A_77 = arith.subf %gather3A_75, %gather3A_76 : vector<16xf32>
      %gather3A_78 = tpu.vector_load_idx %arg12[%get3A_74] : memref<10240xf32, #tpu.memory_space<vmem>>[vector<16xi32>], vector<16xf32>,
      %gather3A_79 = tpu.vector_load_idx %arg12[%get3A_72] : memref<10240xf32, #tpu.memory_space<vmem>>[vector<16xi32>], vector<16xf32>,
      %sub3A_80 = arith.subf %gather3A_78, %gather3A_79 : vector<16xf32>
      %gather3A_81 = tpu.vector_load_idx %arg13[%get3A_74] : memref<10240xf32, #tpu.memory_space<vmem>>[vector<16xi32>], vector<16xf32>,
      %gather3A_82 = tpu.vector_load_idx %arg13[%get3A_72] : memref<10240xf32, #tpu.memory_space<vmem>>[vector<16xi32>], vector<16xf32>,
      %sub3A_83 = arith.subf %gather3A_81, %gather3A_82 : vector<16xf32>
      %mul3A_84 = arith.mulf %sub3A_77, %sub3A_77 : vector<16xf32>
      %mul3A_85 = arith.mulf %sub3A_80, %sub3A_80 : vector<16xf32>
      %add3A_86 = arith.addf %mul3A_84, %mul3A_85 : vector<16xf32>
      %mul3A_87 = arith.mulf %sub3A_83, %sub3A_83 : vector<16xf32>
      %add3A_88 = arith.addf %add3A_86, %mul3A_87 : vector<16xf32>
      %swap3A_89 = arith.constant 48 : index
      %swap3A_90 = tpu.vector_load %arg16[%swap3A_89] {strides = array<i32>} : memref<128xf32, #tpu.memory_space<vmem>>, vector<16xf32>,
      tpu.vector_store %arg16[%swap3A_89], %add3A_88 {strides = array<i32>} : memref<128xf32, #tpu.memory_space<vmem>>, vector<16xf32>,
      %get3A_91 = arith.constant 64 : index
      %get3A_92 = tpu.vector_load %arg14[%get3A_91] {strides = array<i32>} : memref<128xi32, #tpu.memory_space<vmem>>, vector<16xi32>,
      %get3A_93 = arith.constant 64 : index
      %get3A_94 = tpu.vector_load %arg15[%get3A_93] {strides = array<i32>} : memref<128xi32, #tpu.memory_space<vmem>>, vector<16xi32>,
      %gather3A_95 = tpu.vector_load_idx %arg11[%get3A_94] : memref<10240xf32, #tpu.memory_space<vmem>>[vector<16xi32>], vector<16xf32>,
      %gather3A_96 = tpu.vector_load_idx %arg11[%get3A_92] : memref<10240xf32, #tpu.memory_space<vmem>>[vector<16xi32>], vector<16xf32>,
      %sub3A_97 = arith.subf %gather3A_95, %gather3A_96 : vector<16xf32>
      %gather3A_98 = tpu.vector_load_idx %arg12[%get3A_94] : memref<10240xf32, #tpu.memory_space<vmem>>[vector<16xi32>], vector<16xf32>,
      %gather3A_99 = tpu.vector_load_idx %arg12[%get3A_92] : memref<10240xf32, #tpu.memory_space<vmem>>[vector<16xi32>], vector<16xf32>,
      %sub3A_100 = arith.subf %gather3A_98, %gather3A_99 : vector<16xf32>
      %gather3A_101 = tpu.vector_load_idx %arg13[%get3A_94] : memref<10240xf32, #tpu.memory_space<vmem>>[vector<16xi32>], vector<16xf32>,
      %gather3A_102 = tpu.vector_load_idx %arg13[%get3A_92] : memref<10240xf32, #tpu.memory_space<vmem>>[vector<16xi32>], vector<16xf32>,
      %sub3A_103 = arith.subf %gather3A_101, %gather3A_102 : vector<16xf32>
      %mul3A_104 = arith.mulf %sub3A_97, %sub3A_97 : vector<16xf32>
      %mul3A_105 = arith.mulf %sub3A_100, %sub3A_100 : vector<16xf32>
      %add3A_106 = arith.addf %mul3A_104, %mul3A_105 : vector<16xf32>
      %mul3A_107 = arith.mulf %sub3A_103, %sub3A_103 : vector<16xf32>
      %add3A_108 = arith.addf %add3A_106, %mul3A_107 : vector<16xf32>
      %swap3A_109 = arith.constant 64 : index
      %swap3A_110 = tpu.vector_load %arg16[%swap3A_109] {strides = array<i32>} : memref<128xf32, #tpu.memory_space<vmem>>, vector<16xf32>,
      tpu.vector_store %arg16[%swap3A_109], %add3A_108 {strides = array<i32>} : memref<128xf32, #tpu.memory_space<vmem>>, vector<16xf32>,
      %get3A_111 = arith.constant 80 : index
      %get3A_112 = tpu.vector_load %arg14[%get3A_111] {strides = array<i32>} : memref<128xi32, #tpu.memory_space<vmem>>, vector<16xi32>,
      %get3A_113 = arith.constant 80 : index
      %get3A_114 = tpu.vector_load %arg15[%get3A_113] {strides = array<i32>} : memref<128xi32, #tpu.memory_space<vmem>>, vector<16xi32>,
      %gather3A_115 = tpu.vector_load_idx %arg11[%get3A_114] : memref<10240xf32, #tpu.memory_space<vmem>>[vector<16xi32>], vector<16xf32>,
      %gather3A_116 = tpu.vector_load_idx %arg11[%get3A_112] : memref<10240xf32, #tpu.memory_space<vmem>>[vector<16xi32>], vector<16xf32>,
      %sub3A_117 = arith.subf %gather3A_115, %gather3A_116 : vector<16xf32>
      %gather3A_118 = tpu.vector_load_idx %arg12[%get3A_114] : memref<10240xf32, #tpu.memory_space<vmem>>[vector<16xi32>], vector<16xf32>,
      %gather3A_119 = tpu.vector_load_idx %arg12[%get3A_112] : memref<10240xf32, #tpu.memory_space<vmem>>[vector<16xi32>], vector<16xf32>,
      %sub3A_120 = arith.subf %gather3A_118, %gather3A_119 : vector<16xf32>
      %gather3A_121 = tpu.vector_load_idx %arg13[%get3A_114] : memref<10240xf32, #tpu.memory_space<vmem>>[vector<16xi32>], vector<16xf32>,
      %gather3A_122 = tpu.vector_load_idx %arg13[%get3A_112] : memref<10240xf32, #tpu.memory_space<vmem>>[vector<16xi32>], vector<16xf32>,
      %sub3A_123 = arith.subf %gather3A_121, %gather3A_122 : vector<16xf32>
      %mul3A_124 = arith.mulf %sub3A_117, %sub3A_117 : vector<16xf32>
      %mul3A_125 = arith.mulf %sub3A_120, %sub3A_120 : vector<16xf32>
      %add3A_126 = arith.addf %mul3A_124, %mul3A_125 : vector<16xf32>
      %mul3A_127 = arith.mulf %sub3A_123, %sub3A_123 : vector<16xf32>
      %add3A_128 = arith.addf %add3A_126, %mul3A_127 : vector<16xf32>
      %swap3A_129 = arith.constant 80 : index
      %swap3A_130 = tpu.vector_load %arg16[%swap3A_129] {strides = array<i32>} : memref<128xf32, #tpu.memory_space<vmem>>, vector<16xf32>,
      tpu.vector_store %arg16[%swap3A_129], %add3A_128 {strides = array<i32>} : memref<128xf32, #tpu.memory_space<vmem>>, vector<16xf32>,
      %get3A_131 = arith.constant 96 : index
      %get3A_132 = tpu.vector_load %arg14[%get3A_131] {strides = array<i32>} : memref<128xi32, #tpu.memory_space<vmem>>, vector<16xi32>,
      %get3A_133 = arith.constant 96 : index
      %get3A_134 = tpu.vector_load %arg15[%get3A_133] {strides = array<i32>} : memref<128xi32, #tpu.memory_space<vmem>>, vector<16xi32>,
      %gather3A_135 = tpu.vector_load_idx %arg11[%get3A_134] : memref<10240xf32, #tpu.memory_space<vmem>>[vector<16xi32>], vector<16xf32>,
      %gather3A_136 = tpu.vector_load_idx %arg11[%get3A_132] : memref<10240xf32, #tpu.memory_space<vmem>>[vector<16xi32>], vector<16xf32>,
      %sub3A_137 = arith.subf %gather3A_135, %gather3A_136 : vector<16xf32>
      %gather3A_138 = tpu.vector_load_idx %arg12[%get3A_134] : memref<10240xf32, #tpu.memory_space<vmem>>[vector<16xi32>], vector<16xf32>,
      %gather3A_139 = tpu.vector_load_idx %arg12[%get3A_132] : memref<10240xf32, #tpu.memory_space<vmem>>[vector<16xi32>], vector<16xf32>,
      %sub3A_140 = arith.subf %gather3A_138, %gather3A_139 : vector<16xf32>
      %gather3A_141 = tpu.vector_load_idx %arg13[%get3A_134] : memref<10240xf32, #tpu.memory_space<vmem>>[vector<16xi32>], vector<16xf32>,
      %gather3A_142 = tpu.vector_load_idx %arg13[%get3A_132] : memref<10240xf32, #tpu.memory_space<vmem>>[vector<16xi32>], vector<16xf32>,
      %sub3A_143 = arith.subf %gather3A_141, %gather3A_142 : vector<16xf32>
      %mul3A_144 = arith.mulf %sub3A_137, %sub3A_137 : vector<16xf32>
      %mul3A_145 = arith.mulf %sub3A_140, %sub3A_140 : vector<16xf32>
      %add3A_146 = arith.addf %mul3A_144, %mul3A_145 : vector<16xf32>
      %mul3A_147 = arith.mulf %sub3A_143, %sub3A_143 : vector<16xf32>
      %add3A_148 = arith.addf %add3A_146, %mul3A_147 : vector<16xf32>
      %swap3A_149 = arith.constant 96 : index
      %swap3A_150 = tpu.vector_load %arg16[%swap3A_149] {strides = array<i32>} : memref<128xf32, #tpu.memory_space<vmem>>, vector<16xf32>,
      tpu.vector_store %arg16[%swap3A_149], %add3A_148 {strides = array<i32>} : memref<128xf32, #tpu.memory_space<vmem>>, vector<16xf32>,
      %get3A_151 = arith.constant 112 : index
      %get3A_152 = tpu.vector_load %arg14[%get3A_151] {strides = array<i32>} : memref<128xi32, #tpu.memory_space<vmem>>, vector<16xi32>,
      %get3A_153 = arith.constant 112 : index
      %get3A_154 = tpu.vector_load %arg15[%get3A_153] {strides = array<i32>} : memref<128xi32, #tpu.memory_space<vmem>>, vector<16xi32>,
      %gather3A_155 = tpu.vector_load_idx %arg11[%get3A_154] : memref<10240xf32, #tpu.memory_space<vmem>>[vector<16xi32>], vector<16xf32>,
      %gather3A_156 = tpu.vector_load_idx %arg11[%get3A_152] : memref<10240xf32, #tpu.memory_space<vmem>>[vector<16xi32>], vector<16xf32>,
      %sub3A_157 = arith.subf %gather3A_155, %gather3A_156 : vector<16xf32>
      %gather3A_158 = tpu.vector_load_idx %arg12[%get3A_154] : memref<10240xf32, #tpu.memory_space<vmem>>[vector<16xi32>], vector<16xf32>,
      %gather3A_159 = tpu.vector_load_idx %arg12[%get3A_152] : memref<10240xf32, #tpu.memory_space<vmem>>[vector<16xi32>], vector<16xf32>,
      %sub3A_160 = arith.subf %gather3A_158, %gather3A_159 : vector<16xf32>
      %gather3A_161 = tpu.vector_load_idx %arg13[%get3A_154] : memref<10240xf32, #tpu.memory_space<vmem>>[vector<16xi32>], vector<16xf32>,
      %gather3A_162 = tpu.vector_load_idx %arg13[%get3A_152] : memref<10240xf32, #tpu.memory_space<vmem>>[vector<16xi32>], vector<16xf32>,
      %sub3A_163 = arith.subf %gather3A_161, %gather3A_162 : vector<16xf32>
      %mul3A_164 = arith.mulf %sub3A_157, %sub3A_157 : vector<16xf32>
      %mul3A_165 = arith.mulf %sub3A_160, %sub3A_160 : vector<16xf32>
      %add3A_166 = arith.addf %mul3A_164, %mul3A_165 : vector<16xf32>
      %mul3A_167 = arith.mulf %sub3A_163, %sub3A_163 : vector<16xf32>
      %add3A_168 = arith.addf %add3A_166, %mul3A_167 : vector<16xf32>
      %swap3A_169 = arith.constant 112 : index
      %swap3A_170 = tpu.vector_load %arg16[%swap3A_169] {strides = array<i32>} : memref<128xf32, #tpu.memory_space<vmem>>, vector<16xf32>,
      tpu.vector_store %arg16[%swap3A_169], %add3A_168 {strides = array<i32>} : memref<128xf32, #tpu.memory_space<vmem>>, vector<16xf32>,
      "tpu.region"() ({
        %run_scoped3A = tpu.sem_alloc : memref<!tpu.dma_semaphore, #tpu.memory_space<semaphore_mem>>
        %dma_start3A = tpu.memref_slice %arg9[%mul3A_14] : memref<327680xf32, #tpu.memory_space<hbm>> -> memref<128xf32, #tpu.memory_space<hbm>>
        %dma_start3A_171 = tpu.memref_slice %arg9[%mul3A_14] : memref<327680xf32, #tpu.memory_space<hbm>> -> memref<128xf32, #tpu.memory_space<hbm>>
        tpu.enqueue_dma source(%arg16 : memref<128xf32, #tpu.memory_space<vmem>>) target(%dma_start3A_171 : memref<128xf32, #tpu.memory_space<hbm>>) target_semaphore(%run_scoped3A : memref<!tpu.dma_semaphore, #tpu.memory_space<semaphore_mem>>)
        %dma_wait3A = tpu.memref_slice %arg9[%mul3A_14] : memref<327680xf32, #tpu.memory_space<hbm>> -> memref<128xf32, #tpu.memory_space<hbm>>
        %dma_wait3A_172 = tpu.memref_slice %arg9[%mul3A_14] : memref<327680xf32, #tpu.memory_space<hbm>> -> memref<128xf32, #tpu.memory_space<hbm>>
        tpu.wait_dma2 semaphore(%run_scoped3A : memref<!tpu.dma_semaphore, #tpu.memory_space<semaphore_mem>>) src(%arg16 : memref<128xf32, #tpu.memory_space<vmem>>) dst(%dma_wait3A_172 : memref<128xf32, #tpu.memory_space<hbm>>)
        tpu.yield
      }) : () -> ()
      "tpu.region"() ({
        %run_scoped3A = tpu.sem_alloc : memref<!tpu.dma_semaphore, #tpu.memory_space<semaphore_mem>>
        %dma_start3A = arith.constant 0 : i32
        %dma_start3A_171 = arith.constant 0 : i32
        %dma_start3A_172 = tpu.memref_slice %arg18[%dma_start3A, %dma_start3A_171] : memref<10240x128xf32, #tpu.memory_space<vmem_shared>> -> memref<10240x128xf32, #tpu.memory_space<vmem_shared>>
        tpu.enqueue_indirect_dma source(%arg17 : memref<128x128xf32, #tpu.memory_space<vmem>>) target(%dma_start3A_172 : memref<10240x128xf32, #tpu.memory_space<vmem_shared>>) offsets(%arg15 : memref<128xi32, #tpu.memory_space<vmem>>) semaphore(%run_scoped3A : memref<!tpu.dma_semaphore, #tpu.memory_space<semaphore_mem>>) {add = true}
        %dma_wait3A = arith.constant 0 : i32
        %dma_wait3A_173 = arith.constant 0 : i32
        %dma_wait3A_174 = tpu.memref_slice %arg18[%dma_wait3A, %dma_wait3A_173] : memref<10240x128xf32, #tpu.memory_space<vmem_shared>> -> memref<10240x128xf32, #tpu.memory_space<vmem_shared>>
        tpu.wait_indirect_dma semaphore(%run_scoped3A : memref<!tpu.dma_semaphore, #tpu.memory_space<semaphore_mem>>) src(%arg17 : memref<128x128xf32, #tpu.memory_space<vmem>>) dst(%dma_wait3A_174 : memref<10240x128xf32, #tpu.memory_space<vmem_shared>>)
        tpu.yield
      }) : () -> ()
    }
    %scan3A_7 = arith.constant 80 : i32
    %barrier3A_8 = arith.constant 0 : index
    tpu.barrier barrier_id(%barrier3A_8)
    "tpu.region"() ({
      %run_scoped3A = tpu.sem_alloc : memref<!tpu.dma_semaphore, #tpu.memory_space<semaphore_mem>>
      %dma_start3A = arith.constant 0 : i32
      %dma_start3A_9 = tpu.memref_slice %arg10[%arg0, %mul3A_2, %dma_start3A] : memref<2x10240x128xf32, #tpu.memory_space<hbm>> -> memref<1x640x128xf32, #tpu.memory_space<hbm>>
      %dma_start3A_10 = tpu.memref_squeeze %dma_start3A_9 : memref<1x640x128xf32, #tpu.memory_space<hbm>> -> memref<640x128xf32, #tpu.memory_space<hbm>>
      %dma_start3A_11 = arith.constant 0 : i32
      %dma_start3A_12 = tpu.memref_slice %arg18[%mul3A_2, %dma_start3A_11] : memref<10240x128xf32, #tpu.memory_space<vmem_shared>> -> memref<640x128xf32, #tpu.memory_space<vmem_shared>>
      tpu.enqueue_dma source(%dma_start3A_12 : memref<640x128xf32, #tpu.memory_space<vmem_shared>>) target(%dma_start3A_10 : memref<640x128xf32, #tpu.memory_space<hbm>>) target_semaphore(%run_scoped3A : memref<!tpu.dma_semaphore, #tpu.memory_space<semaphore_mem>>)
      %dma_wait3A = arith.constant 0 : i32
      %dma_wait3A_13 = tpu.memref_slice %arg10[%arg0, %mul3A_2, %dma_wait3A] : memref<2x10240x128xf32, #tpu.memory_space<hbm>> -> memref<1x640x128xf32, #tpu.memory_space<hbm>>
      %dma_wait3A_14 = tpu.memref_squeeze %dma_wait3A_13 : memref<1x640x128xf32, #tpu.memory_space<hbm>> -> memref<640x128xf32, #tpu.memory_space<hbm>>
      %dma_wait3A_15 = arith.constant 0 : i32
      %dma_wait3A_16 = tpu.memref_slice %arg18[%mul3A_2, %dma_wait3A_15] : memref<10240x128xf32, #tpu.memory_space<vmem_shared>> -> memref<640x128xf32, #tpu.memory_space<vmem_shared>>
      tpu.wait_dma2 semaphore(%run_scoped3A : memref<!tpu.dma_semaphore, #tpu.memory_space<semaphore_mem>>) src(%dma_wait3A_16 : memref<640x128xf32, #tpu.memory_space<vmem_shared>>) dst(%dma_wait3A_14 : memref<640x128xf32, #tpu.memory_space<hbm>>)
      tpu.yield
    }) : () -> ()
    return
  }
}

#map = affine_map<(d0, d1) -> (0, 0)>
#map1 = affine_map<(d0, d1) -> (0)>
module attributes {stable_mosaic.version = 14 : i64} {
  func.func @body(%arg0: i32, %arg1: i32, %arg2: memref<10240x128xf32, #tpu.memory_space<hbm>>, %arg3: memref<10240x128xf32, #tpu.memory_space<hbm>>, %arg4: memref<327680xi32, #tpu.memory_space<hbm>>, %arg5: memref<327680xi32, #tpu.memory_space<hbm>>, %arg6: memref<327680x128xf32, #tpu.memory_space<hbm>>, %arg7: memref<327680x128xf32, #tpu.memory_space<hbm>>, %arg8: memref<128xi32, #tpu.memory_space<vmem>>, %arg9: memref<128xi32, #tpu.memory_space<vmem>>, %arg10: memref<128x128xf32, #tpu.memory_space<vmem>>, %arg11: memref<128x128xf32, #tpu.memory_space<vmem>>, %arg12: memref<!tpu.dma_semaphore, #tpu.memory_space<semaphore_mem>>, %arg13: memref<!tpu.dma_semaphore, #tpu.memory_space<semaphore_mem>>) attributes {dimension_semantics = [#tpu.dimension_semantics<core_parallel>, #tpu.dimension_semantics<subcore_parallel>], iteration_bounds = array<i64: 2, 16>, scalar_prefetch = 0 : i64, scratch_operands = 6 : i64, tpu.core_type = #tpu.core_type<sc_vector_subcore>, window_params = [{transform_indices = #map}, {transform_indices = #map}, {transform_indices = #map1}, {transform_indices = #map1}, {transform_indices = #map}, {transform_indices = #map}]} {
    %mul3A = arith.constant 2 : i32
    %mul3A_0 = arith.muli %arg1, %mul3A : i32
    %add3A = arith.addi %mul3A_0, %arg0 : i32
    %scan3A = arith.constant 0 : i32
    %scan3A_1 = arith.constant 0 : i32
    %scan3A_2 = arith.constant 80 : i32
    %scan3A_3 = arith.addi %scan3A_1, %scan3A_2 : i32
    %scan3A_4 = arith.constant 1 : i32
    scf.for %scan3A_6 = %scan3A_1 to %scan3A_3 step %scan3A_4  : i32 {
      %mul3A_7 = arith.constant 80 : i32
      %mul3A_8 = arith.muli %add3A, %mul3A_7 : i32
      %add3A_9 = arith.addi %mul3A_8, %scan3A_6 : i32
      %mul3A_10 = arith.constant 128 : i32
      %mul3A_11 = arith.muli %add3A_9, %mul3A_10 : i32
      "tpu.region"() ({
        %run_scoped3A = tpu.sem_alloc : memref<!tpu.dma_semaphore, #tpu.memory_space<semaphore_mem>>
        %dma_start3A_22 = tpu.memref_slice %arg4[%mul3A_11] : memref<327680xi32, #tpu.memory_space<hbm>> -> memref<128xi32, #tpu.memory_space<hbm>>
        %dma_start3A_23 = tpu.memref_slice %arg4[%mul3A_11] : memref<327680xi32, #tpu.memory_space<hbm>> -> memref<128xi32, #tpu.memory_space<hbm>>
        tpu.enqueue_dma source(%dma_start3A_23 : memref<128xi32, #tpu.memory_space<hbm>>) target(%arg8 : memref<128xi32, #tpu.memory_space<vmem>>) target_semaphore(%run_scoped3A : memref<!tpu.dma_semaphore, #tpu.memory_space<semaphore_mem>>)
        %dma_wait3A_24 = tpu.memref_slice %arg4[%mul3A_11] : memref<327680xi32, #tpu.memory_space<hbm>> -> memref<128xi32, #tpu.memory_space<hbm>>
        %dma_wait3A_25 = tpu.memref_slice %arg4[%mul3A_11] : memref<327680xi32, #tpu.memory_space<hbm>> -> memref<128xi32, #tpu.memory_space<hbm>>
        tpu.wait_dma2 semaphore(%run_scoped3A : memref<!tpu.dma_semaphore, #tpu.memory_space<semaphore_mem>>) src(%dma_wait3A_25 : memref<128xi32, #tpu.memory_space<hbm>>) dst(%arg8 : memref<128xi32, #tpu.memory_space<vmem>>)
        tpu.yield
      }) : () -> ()
      "tpu.region"() ({
        %run_scoped3A = tpu.sem_alloc : memref<!tpu.dma_semaphore, #tpu.memory_space<semaphore_mem>>
        %dma_start3A_22 = tpu.memref_slice %arg5[%mul3A_11] : memref<327680xi32, #tpu.memory_space<hbm>> -> memref<128xi32, #tpu.memory_space<hbm>>
        %dma_start3A_23 = tpu.memref_slice %arg5[%mul3A_11] : memref<327680xi32, #tpu.memory_space<hbm>> -> memref<128xi32, #tpu.memory_space<hbm>>
        tpu.enqueue_dma source(%dma_start3A_23 : memref<128xi32, #tpu.memory_space<hbm>>) target(%arg9 : memref<128xi32, #tpu.memory_space<vmem>>) target_semaphore(%run_scoped3A : memref<!tpu.dma_semaphore, #tpu.memory_space<semaphore_mem>>)
        %dma_wait3A_24 = tpu.memref_slice %arg5[%mul3A_11] : memref<327680xi32, #tpu.memory_space<hbm>> -> memref<128xi32, #tpu.memory_space<hbm>>
        %dma_wait3A_25 = tpu.memref_slice %arg5[%mul3A_11] : memref<327680xi32, #tpu.memory_space<hbm>> -> memref<128xi32, #tpu.memory_space<hbm>>
        tpu.wait_dma2 semaphore(%run_scoped3A : memref<!tpu.dma_semaphore, #tpu.memory_space<semaphore_mem>>) src(%dma_wait3A_25 : memref<128xi32, #tpu.memory_space<hbm>>) dst(%arg9 : memref<128xi32, #tpu.memory_space<vmem>>)
        tpu.yield
      }) : () -> ()
      %dma_start3A = arith.constant 0 : i32
      %dma_start3A_12 = arith.constant 0 : i32
      %dma_start3A_13 = tpu.memref_slice %arg2[%dma_start3A, %dma_start3A_12] : memref<10240x128xf32, #tpu.memory_space<hbm>> -> memref<10240x128xf32, #tpu.memory_space<hbm>>
      tpu.enqueue_indirect_dma source(%dma_start3A_13 : memref<10240x128xf32, #tpu.memory_space<hbm>>) target(%arg10 : memref<128x128xf32, #tpu.memory_space<vmem>>) offsets(%arg8 : memref<128xi32, #tpu.memory_space<vmem>>) semaphore(%arg12 : memref<!tpu.dma_semaphore, #tpu.memory_space<semaphore_mem>>)
      %dma_start3A_14 = arith.constant 0 : i32
      %dma_start3A_15 = arith.constant 0 : i32
      %dma_start3A_16 = tpu.memref_slice %arg3[%dma_start3A_14, %dma_start3A_15] : memref<10240x128xf32, #tpu.memory_space<hbm>> -> memref<10240x128xf32, #tpu.memory_space<hbm>>
      tpu.enqueue_indirect_dma source(%dma_start3A_16 : memref<10240x128xf32, #tpu.memory_space<hbm>>) target(%arg11 : memref<128x128xf32, #tpu.memory_space<vmem>>) offsets(%arg9 : memref<128xi32, #tpu.memory_space<vmem>>) semaphore(%arg13 : memref<!tpu.dma_semaphore, #tpu.memory_space<semaphore_mem>>)
      %dma_wait3A = arith.constant 0 : i32
      %dma_wait3A_17 = arith.constant 0 : i32
      %dma_wait3A_18 = tpu.memref_slice %arg2[%dma_wait3A, %dma_wait3A_17] : memref<10240x128xf32, #tpu.memory_space<hbm>> -> memref<10240x128xf32, #tpu.memory_space<hbm>>
      tpu.wait_indirect_dma semaphore(%arg12 : memref<!tpu.dma_semaphore, #tpu.memory_space<semaphore_mem>>) src(%dma_wait3A_18 : memref<10240x128xf32, #tpu.memory_space<hbm>>) dst(%arg10 : memref<128x128xf32, #tpu.memory_space<vmem>>)
      %dma_wait3A_19 = arith.constant 0 : i32
      %dma_wait3A_20 = arith.constant 0 : i32
      %dma_wait3A_21 = tpu.memref_slice %arg3[%dma_wait3A_19, %dma_wait3A_20] : memref<10240x128xf32, #tpu.memory_space<hbm>> -> memref<10240x128xf32, #tpu.memory_space<hbm>>
      tpu.wait_indirect_dma semaphore(%arg13 : memref<!tpu.dma_semaphore, #tpu.memory_space<semaphore_mem>>) src(%dma_wait3A_21 : memref<10240x128xf32, #tpu.memory_space<hbm>>) dst(%arg11 : memref<128x128xf32, #tpu.memory_space<vmem>>)
      "tpu.region"() ({
        %run_scoped3A = tpu.sem_alloc : memref<!tpu.dma_semaphore, #tpu.memory_space<semaphore_mem>>
        %dma_start3A_22 = arith.constant 0 : i32
        %dma_start3A_23 = tpu.memref_slice %arg6[%mul3A_11, %dma_start3A_22] : memref<327680x128xf32, #tpu.memory_space<hbm>> -> memref<128x128xf32, #tpu.memory_space<hbm>>
        %dma_start3A_24 = arith.constant 0 : i32
        %dma_start3A_25 = tpu.memref_slice %arg6[%mul3A_11, %dma_start3A_24] : memref<327680x128xf32, #tpu.memory_space<hbm>> -> memref<128x128xf32, #tpu.memory_space<hbm>>
        tpu.enqueue_dma source(%arg10 : memref<128x128xf32, #tpu.memory_space<vmem>>) target(%dma_start3A_25 : memref<128x128xf32, #tpu.memory_space<hbm>>) target_semaphore(%run_scoped3A : memref<!tpu.dma_semaphore, #tpu.memory_space<semaphore_mem>>)
        %dma_wait3A_26 = arith.constant 0 : i32
        %dma_wait3A_27 = tpu.memref_slice %arg6[%mul3A_11, %dma_wait3A_26] : memref<327680x128xf32, #tpu.memory_space<hbm>> -> memref<128x128xf32, #tpu.memory_space<hbm>>
        %dma_wait3A_28 = arith.constant 0 : i32
        %dma_wait3A_29 = tpu.memref_slice %arg6[%mul3A_11, %dma_wait3A_28] : memref<327680x128xf32, #tpu.memory_space<hbm>> -> memref<128x128xf32, #tpu.memory_space<hbm>>
        tpu.wait_dma2 semaphore(%run_scoped3A : memref<!tpu.dma_semaphore, #tpu.memory_space<semaphore_mem>>) src(%arg10 : memref<128x128xf32, #tpu.memory_space<vmem>>) dst(%dma_wait3A_29 : memref<128x128xf32, #tpu.memory_space<hbm>>)
        tpu.yield
      }) : () -> ()
      "tpu.region"() ({
        %run_scoped3A = tpu.sem_alloc : memref<!tpu.dma_semaphore, #tpu.memory_space<semaphore_mem>>
        %dma_start3A_22 = arith.constant 0 : i32
        %dma_start3A_23 = tpu.memref_slice %arg7[%mul3A_11, %dma_start3A_22] : memref<327680x128xf32, #tpu.memory_space<hbm>> -> memref<128x128xf32, #tpu.memory_space<hbm>>
        %dma_start3A_24 = arith.constant 0 : i32
        %dma_start3A_25 = tpu.memref_slice %arg7[%mul3A_11, %dma_start3A_24] : memref<327680x128xf32, #tpu.memory_space<hbm>> -> memref<128x128xf32, #tpu.memory_space<hbm>>
        tpu.enqueue_dma source(%arg11 : memref<128x128xf32, #tpu.memory_space<vmem>>) target(%dma_start3A_25 : memref<128x128xf32, #tpu.memory_space<hbm>>) target_semaphore(%run_scoped3A : memref<!tpu.dma_semaphore, #tpu.memory_space<semaphore_mem>>)
        %dma_wait3A_26 = arith.constant 0 : i32
        %dma_wait3A_27 = tpu.memref_slice %arg7[%mul3A_11, %dma_wait3A_26] : memref<327680x128xf32, #tpu.memory_space<hbm>> -> memref<128x128xf32, #tpu.memory_space<hbm>>
        %dma_wait3A_28 = arith.constant 0 : i32
        %dma_wait3A_29 = tpu.memref_slice %arg7[%mul3A_11, %dma_wait3A_28] : memref<327680x128xf32, #tpu.memory_space<hbm>> -> memref<128x128xf32, #tpu.memory_space<hbm>>
        tpu.wait_dma2 semaphore(%run_scoped3A : memref<!tpu.dma_semaphore, #tpu.memory_space<semaphore_mem>>) src(%arg11 : memref<128x128xf32, #tpu.memory_space<vmem>>) dst(%dma_wait3A_29 : memref<128x128xf32, #tpu.memory_space<hbm>>)
        tpu.yield
      }) : () -> ()
    }
    %scan3A_5 = arith.constant 80 : i32
    return
  }
}

#map = affine_map<(d0, d1) -> (0, 0)>
#map1 = affine_map<(d0, d1) -> (0)>
module attributes {stable_mosaic.version = 14 : i64} {
  func.func @body(%arg0: i32, %arg1: i32, %arg2: memref<10240x128xf32, #tpu.memory_space<hbm>>, %arg3: memref<10240x128xf32, #tpu.memory_space<hbm>>, %arg4: memref<327680xi32, #tpu.memory_space<hbm>>, %arg5: memref<327680xi32, #tpu.memory_space<hbm>>, %arg6: memref<327680x128xf32, #tpu.memory_space<hbm>>, %arg7: memref<327680x128xf32, #tpu.memory_space<hbm>>, %arg8: memref<128xi32, #tpu.memory_space<vmem>>, %arg9: memref<128xi32, #tpu.memory_space<vmem>>, %arg10: memref<128x128xf32, #tpu.memory_space<vmem>>, %arg11: memref<128x128xf32, #tpu.memory_space<vmem>>, %arg12: memref<!tpu.dma_semaphore, #tpu.memory_space<semaphore_mem>>, %arg13: memref<!tpu.dma_semaphore, #tpu.memory_space<semaphore_mem>>) attributes {dimension_semantics = [#tpu.dimension_semantics<core_parallel>, #tpu.dimension_semantics<subcore_parallel>], iteration_bounds = array<i64: 2, 16>, scalar_prefetch = 0 : i64, scratch_operands = 6 : i64, tpu.core_type = #tpu.core_type<sc_vector_subcore>, window_params = [{transform_indices = #map}, {transform_indices = #map}, {transform_indices = #map1}, {transform_indices = #map1}, {transform_indices = #map}, {transform_indices = #map}]} {
    %mul3A = arith.constant 2 : i32
    %mul3A_0 = arith.muli %arg1, %mul3A : i32
    %add3A = arith.addi %mul3A_0, %arg0 : i32
    %scan3A = arith.constant 0 : i32
    %scan3A_1 = arith.constant 0 : i32
    %scan3A_2 = arith.constant 80 : i32
    %scan3A_3 = arith.addi %scan3A_1, %scan3A_2 : i32
    %scan3A_4 = arith.constant 1 : i32
    scf.for %scan3A_6 = %scan3A_1 to %scan3A_3 step %scan3A_4  : i32 {
      %mul3A_7 = arith.constant 80 : i32
      %mul3A_8 = arith.muli %add3A, %mul3A_7 : i32
      %add3A_9 = arith.addi %mul3A_8, %scan3A_6 : i32
      %mul3A_10 = arith.constant 128 : i32
      %mul3A_11 = arith.muli %add3A_9, %mul3A_10 : i32
      "tpu.region"() ({
        %run_scoped3A = tpu.sem_alloc : memref<!tpu.dma_semaphore, #tpu.memory_space<semaphore_mem>>
        %dma_start3A_22 = tpu.memref_slice %arg4[%mul3A_11] : memref<327680xi32, #tpu.memory_space<hbm>> -> memref<128xi32, #tpu.memory_space<hbm>>
        %dma_start3A_23 = tpu.memref_slice %arg4[%mul3A_11] : memref<327680xi32, #tpu.memory_space<hbm>> -> memref<128xi32, #tpu.memory_space<hbm>>
        tpu.enqueue_dma source(%dma_start3A_23 : memref<128xi32, #tpu.memory_space<hbm>>) target(%arg8 : memref<128xi32, #tpu.memory_space<vmem>>) target_semaphore(%run_scoped3A : memref<!tpu.dma_semaphore, #tpu.memory_space<semaphore_mem>>)
        %dma_wait3A_24 = tpu.memref_slice %arg4[%mul3A_11] : memref<327680xi32, #tpu.memory_space<hbm>> -> memref<128xi32, #tpu.memory_space<hbm>>
        %dma_wait3A_25 = tpu.memref_slice %arg4[%mul3A_11] : memref<327680xi32, #tpu.memory_space<hbm>> -> memref<128xi32, #tpu.memory_space<hbm>>
        tpu.wait_dma2 semaphore(%run_scoped3A : memref<!tpu.dma_semaphore, #tpu.memory_space<semaphore_mem>>) src(%dma_wait3A_25 : memref<128xi32, #tpu.memory_space<hbm>>) dst(%arg8 : memref<128xi32, #tpu.memory_space<vmem>>)
        tpu.yield
      }) : () -> ()
      "tpu.region"() ({
        %run_scoped3A = tpu.sem_alloc : memref<!tpu.dma_semaphore, #tpu.memory_space<semaphore_mem>>
        %dma_start3A_22 = tpu.memref_slice %arg5[%mul3A_11] : memref<327680xi32, #tpu.memory_space<hbm>> -> memref<128xi32, #tpu.memory_space<hbm>>
        %dma_start3A_23 = tpu.memref_slice %arg5[%mul3A_11] : memref<327680xi32, #tpu.memory_space<hbm>> -> memref<128xi32, #tpu.memory_space<hbm>>
        tpu.enqueue_dma source(%dma_start3A_23 : memref<128xi32, #tpu.memory_space<hbm>>) target(%arg9 : memref<128xi32, #tpu.memory_space<vmem>>) target_semaphore(%run_scoped3A : memref<!tpu.dma_semaphore, #tpu.memory_space<semaphore_mem>>)
        %dma_wait3A_24 = tpu.memref_slice %arg5[%mul3A_11] : memref<327680xi32, #tpu.memory_space<hbm>> -> memref<128xi32, #tpu.memory_space<hbm>>
        %dma_wait3A_25 = tpu.memref_slice %arg5[%mul3A_11] : memref<327680xi32, #tpu.memory_space<hbm>> -> memref<128xi32, #tpu.memory_space<hbm>>
        tpu.wait_dma2 semaphore(%run_scoped3A : memref<!tpu.dma_semaphore, #tpu.memory_space<semaphore_mem>>) src(%dma_wait3A_25 : memref<128xi32, #tpu.memory_space<hbm>>) dst(%arg9 : memref<128xi32, #tpu.memory_space<vmem>>)
        tpu.yield
      }) : () -> ()
      %dma_start3A = arith.constant 0 : i32
      %dma_start3A_12 = arith.constant 0 : i32
      %dma_start3A_13 = tpu.memref_slice %arg2[%dma_start3A, %dma_start3A_12] : memref<10240x128xf32, #tpu.memory_space<hbm>> -> memref<10240x128xf32, #tpu.memory_space<hbm>>
      tpu.enqueue_indirect_dma source(%dma_start3A_13 : memref<10240x128xf32, #tpu.memory_space<hbm>>) target(%arg10 : memref<128x128xf32, #tpu.memory_space<vmem>>) offsets(%arg8 : memref<128xi32, #tpu.memory_space<vmem>>) semaphore(%arg12 : memref<!tpu.dma_semaphore, #tpu.memory_space<semaphore_mem>>)
      %dma_start3A_14 = arith.constant 0 : i32
      %dma_start3A_15 = arith.constant 0 : i32
      %dma_start3A_16 = tpu.memref_slice %arg3[%dma_start3A_14, %dma_start3A_15] : memref<10240x128xf32, #tpu.memory_space<hbm>> -> memref<10240x128xf32, #tpu.memory_space<hbm>>
      tpu.enqueue_indirect_dma source(%dma_start3A_16 : memref<10240x128xf32, #tpu.memory_space<hbm>>) target(%arg11 : memref<128x128xf32, #tpu.memory_space<vmem>>) offsets(%arg9 : memref<128xi32, #tpu.memory_space<vmem>>) semaphore(%arg13 : memref<!tpu.dma_semaphore, #tpu.memory_space<semaphore_mem>>)
      %dma_wait3A = arith.constant 0 : i32
      %dma_wait3A_17 = arith.constant 0 : i32
      %dma_wait3A_18 = tpu.memref_slice %arg2[%dma_wait3A, %dma_wait3A_17] : memref<10240x128xf32, #tpu.memory_space<hbm>> -> memref<10240x128xf32, #tpu.memory_space<hbm>>
      tpu.wait_indirect_dma semaphore(%arg12 : memref<!tpu.dma_semaphore, #tpu.memory_space<semaphore_mem>>) src(%dma_wait3A_18 : memref<10240x128xf32, #tpu.memory_space<hbm>>) dst(%arg10 : memref<128x128xf32, #tpu.memory_space<vmem>>)
      %dma_wait3A_19 = arith.constant 0 : i32
      %dma_wait3A_20 = arith.constant 0 : i32
      %dma_wait3A_21 = tpu.memref_slice %arg3[%dma_wait3A_19, %dma_wait3A_20] : memref<10240x128xf32, #tpu.memory_space<hbm>> -> memref<10240x128xf32, #tpu.memory_space<hbm>>
      tpu.wait_indirect_dma semaphore(%arg13 : memref<!tpu.dma_semaphore, #tpu.memory_space<semaphore_mem>>) src(%dma_wait3A_21 : memref<10240x128xf32, #tpu.memory_space<hbm>>) dst(%arg11 : memref<128x128xf32, #tpu.memory_space<vmem>>)
      "tpu.region"() ({
        %run_scoped3A = tpu.sem_alloc : memref<!tpu.dma_semaphore, #tpu.memory_space<semaphore_mem>>
        %dma_start3A_22 = arith.constant 0 : i32
        %dma_start3A_23 = tpu.memref_slice %arg6[%mul3A_11, %dma_start3A_22] : memref<327680x128xf32, #tpu.memory_space<hbm>> -> memref<128x128xf32, #tpu.memory_space<hbm>>
        %dma_start3A_24 = arith.constant 0 : i32
        %dma_start3A_25 = tpu.memref_slice %arg6[%mul3A_11, %dma_start3A_24] : memref<327680x128xf32, #tpu.memory_space<hbm>> -> memref<128x128xf32, #tpu.memory_space<hbm>>
        tpu.enqueue_dma source(%arg10 : memref<128x128xf32, #tpu.memory_space<vmem>>) target(%dma_start3A_25 : memref<128x128xf32, #tpu.memory_space<hbm>>) target_semaphore(%run_scoped3A : memref<!tpu.dma_semaphore, #tpu.memory_space<semaphore_mem>>)
        %dma_wait3A_26 = arith.constant 0 : i32
        %dma_wait3A_27 = tpu.memref_slice %arg6[%mul3A_11, %dma_wait3A_26] : memref<327680x128xf32, #tpu.memory_space<hbm>> -> memref<128x128xf32, #tpu.memory_space<hbm>>
        %dma_wait3A_28 = arith.constant 0 : i32
        %dma_wait3A_29 = tpu.memref_slice %arg6[%mul3A_11, %dma_wait3A_28] : memref<327680x128xf32, #tpu.memory_space<hbm>> -> memref<128x128xf32, #tpu.memory_space<hbm>>
        tpu.wait_dma2 semaphore(%run_scoped3A : memref<!tpu.dma_semaphore, #tpu.memory_space<semaphore_mem>>) src(%arg10 : memref<128x128xf32, #tpu.memory_space<vmem>>) dst(%dma_wait3A_29 : memref<128x128xf32, #tpu.memory_space<hbm>>)
        tpu.yield
      }) : () -> ()
      "tpu.region"() ({
        %run_scoped3A = tpu.sem_alloc : memref<!tpu.dma_semaphore, #tpu.memory_space<semaphore_mem>>
        %dma_start3A_22 = arith.constant 0 : i32
        %dma_start3A_23 = tpu.memref_slice %arg7[%mul3A_11, %dma_start3A_22] : memref<327680x128xf32, #tpu.memory_space<hbm>> -> memref<128x128xf32, #tpu.memory_space<hbm>>
        %dma_start3A_24 = arith.constant 0 : i32
        %dma_start3A_25 = tpu.memref_slice %arg7[%mul3A_11, %dma_start3A_24] : memref<327680x128xf32, #tpu.memory_space<hbm>> -> memref<128x128xf32, #tpu.memory_space<hbm>>
        tpu.enqueue_dma source(%arg11 : memref<128x128xf32, #tpu.memory_space<vmem>>) target(%dma_start3A_25 : memref<128x128xf32, #tpu.memory_space<hbm>>) target_semaphore(%run_scoped3A : memref<!tpu.dma_semaphore, #tpu.memory_space<semaphore_mem>>)
        %dma_wait3A_26 = arith.constant 0 : i32
        %dma_wait3A_27 = tpu.memref_slice %arg7[%mul3A_11, %dma_wait3A_26] : memref<327680x128xf32, #tpu.memory_space<hbm>> -> memref<128x128xf32, #tpu.memory_space<hbm>>
        %dma_wait3A_28 = arith.constant 0 : i32
        %dma_wait3A_29 = tpu.memref_slice %arg7[%mul3A_11, %dma_wait3A_28] : memref<327680x128xf32, #tpu.memory_space<hbm>> -> memref<128x128xf32, #tpu.memory_space<hbm>>
        tpu.wait_dma2 semaphore(%run_scoped3A : memref<!tpu.dma_semaphore, #tpu.memory_space<semaphore_mem>>) src(%arg11 : memref<128x128xf32, #tpu.memory_space<vmem>>) dst(%dma_wait3A_29 : memref<128x128xf32, #tpu.memory_space<hbm>>)
        tpu.yield
      }) : () -> ()
    }
    %scan3A_5 = arith.constant 80 : i32
    return
  }
}

#map = affine_map<(d0, d1) -> (0, 0)>
#map1 = affine_map<(d0, d1) -> (0)>
#map2 = affine_map<(d0, d1) -> (0, 0, 0)>
module attributes {stable_mosaic.version = 14 : i64} {
  func.func @body(%arg0: i32, %arg1: i32, %arg2: memref<327680x128xf32, #tpu.memory_space<hbm>>, %arg3: memref<327680xi32, #tpu.memory_space<hbm>>, %arg4: memref<10240x128xf32, #tpu.memory_space<hbm>>, %arg5: memref<2x10240x128xf32, #tpu.memory_space<hbm>>, %arg6: memref<128xi32, #tpu.memory_space<vmem>>, %arg7: memref<128x128xf32, #tpu.memory_space<vmem>>, %arg8: memref<10240x128xf32, #tpu.memory_space<vmem_shared>>) attributes {dimension_semantics = [#tpu.dimension_semantics<core_parallel>, #tpu.dimension_semantics<subcore_parallel>], iteration_bounds = array<i64: 2, 16>, scalar_prefetch = 0 : i64, scratch_operands = 3 : i64, tpu.core_type = #tpu.core_type<sc_vector_subcore>, window_params = [{transform_indices = #map}, {transform_indices = #map1}, {transform_indices = #map}, {transform_indices = #map2}]} {
    %mul3A = arith.constant 640 : i32
    %mul3A_0 = arith.muli %arg1, %mul3A : i32
    "tpu.region"() ({
      %run_scoped3A = tpu.sem_alloc : memref<!tpu.dma_semaphore, #tpu.memory_space<semaphore_mem>>
      %dma_start3A = arith.constant 0 : i32
      %dma_start3A_7 = tpu.memref_slice %arg8[%mul3A_0, %dma_start3A] : memref<10240x128xf32, #tpu.memory_space<vmem_shared>> -> memref<640x128xf32, #tpu.memory_space<vmem_shared>>
      %dma_start3A_8 = arith.constant 0 : i32
      %dma_start3A_9 = tpu.memref_slice %arg4[%mul3A_0, %dma_start3A_8] : memref<10240x128xf32, #tpu.memory_space<hbm>> -> memref<640x128xf32, #tpu.memory_space<hbm>>
      tpu.enqueue_dma source(%dma_start3A_9 : memref<640x128xf32, #tpu.memory_space<hbm>>) target(%dma_start3A_7 : memref<640x128xf32, #tpu.memory_space<vmem_shared>>) target_semaphore(%run_scoped3A : memref<!tpu.dma_semaphore, #tpu.memory_space<semaphore_mem>>)
      %dma_wait3A = arith.constant 0 : i32
      %dma_wait3A_10 = tpu.memref_slice %arg8[%mul3A_0, %dma_wait3A] : memref<10240x128xf32, #tpu.memory_space<vmem_shared>> -> memref<640x128xf32, #tpu.memory_space<vmem_shared>>
      %dma_wait3A_11 = arith.constant 0 : i32
      %dma_wait3A_12 = tpu.memref_slice %arg4[%mul3A_0, %dma_wait3A_11] : memref<10240x128xf32, #tpu.memory_space<hbm>> -> memref<640x128xf32, #tpu.memory_space<hbm>>
      tpu.wait_dma2 semaphore(%run_scoped3A : memref<!tpu.dma_semaphore, #tpu.memory_space<semaphore_mem>>) src(%dma_wait3A_12 : memref<640x128xf32, #tpu.memory_space<hbm>>) dst(%dma_wait3A_10 : memref<640x128xf32, #tpu.memory_space<vmem_shared>>)
      tpu.yield
    }) : () -> ()
    %barrier3A = arith.constant 0 : index
    tpu.barrier barrier_id(%barrier3A)
    %scan3A = arith.constant 0 : i32
    %scan3A_1 = arith.constant 0 : i32
    %scan3A_2 = arith.constant 80 : i32
    %scan3A_3 = arith.addi %scan3A_1, %scan3A_2 : i32
    %scan3A_4 = arith.constant 1 : i32
    scf.for %scan3A_7 = %scan3A_1 to %scan3A_3 step %scan3A_4  : i32 {
      %mul3A_8 = arith.constant 163840 : i32
      %mul3A_9 = arith.muli %arg0, %mul3A_8 : i32
      %mul3A_10 = arith.constant 10240 : i32
      %mul3A_11 = arith.muli %arg1, %mul3A_10 : i32
      %add3A = arith.addi %mul3A_9, %mul3A_11 : i32
      %mul3A_12 = arith.constant 128 : i32
      %mul3A_13 = arith.muli %scan3A_7, %mul3A_12 : i32
      %add3A_14 = arith.addi %add3A, %mul3A_13 : i32
      "tpu.region"() ({
        %run_scoped3A = tpu.sem_alloc : memref<!tpu.dma_semaphore, #tpu.memory_space<semaphore_mem>>
        %dma_start3A = tpu.memref_slice %arg3[%add3A_14] : memref<327680xi32, #tpu.memory_space<hbm>> -> memref<128xi32, #tpu.memory_space<hbm>>
        %dma_start3A_15 = tpu.memref_slice %arg3[%add3A_14] : memref<327680xi32, #tpu.memory_space<hbm>> -> memref<128xi32, #tpu.memory_space<hbm>>
        tpu.enqueue_dma source(%dma_start3A_15 : memref<128xi32, #tpu.memory_space<hbm>>) target(%arg6 : memref<128xi32, #tpu.memory_space<vmem>>) target_semaphore(%run_scoped3A : memref<!tpu.dma_semaphore, #tpu.memory_space<semaphore_mem>>)
        %dma_wait3A = tpu.memref_slice %arg3[%add3A_14] : memref<327680xi32, #tpu.memory_space<hbm>> -> memref<128xi32, #tpu.memory_space<hbm>>
        %dma_wait3A_16 = tpu.memref_slice %arg3[%add3A_14] : memref<327680xi32, #tpu.memory_space<hbm>> -> memref<128xi32, #tpu.memory_space<hbm>>
        tpu.wait_dma2 semaphore(%run_scoped3A : memref<!tpu.dma_semaphore, #tpu.memory_space<semaphore_mem>>) src(%dma_wait3A_16 : memref<128xi32, #tpu.memory_space<hbm>>) dst(%arg6 : memref<128xi32, #tpu.memory_space<vmem>>)
        tpu.yield
      }) : () -> ()
      "tpu.region"() ({
        %run_scoped3A = tpu.sem_alloc : memref<!tpu.dma_semaphore, #tpu.memory_space<semaphore_mem>>
        %dma_start3A = arith.constant 0 : i32
        %dma_start3A_15 = tpu.memref_slice %arg2[%add3A_14, %dma_start3A] : memref<327680x128xf32, #tpu.memory_space<hbm>> -> memref<128x128xf32, #tpu.memory_space<hbm>>
        %dma_start3A_16 = arith.constant 0 : i32
        %dma_start3A_17 = tpu.memref_slice %arg2[%add3A_14, %dma_start3A_16] : memref<327680x128xf32, #tpu.memory_space<hbm>> -> memref<128x128xf32, #tpu.memory_space<hbm>>
        tpu.enqueue_dma source(%dma_start3A_17 : memref<128x128xf32, #tpu.memory_space<hbm>>) target(%arg7 : memref<128x128xf32, #tpu.memory_space<vmem>>) target_semaphore(%run_scoped3A : memref<!tpu.dma_semaphore, #tpu.memory_space<semaphore_mem>>)
        %dma_wait3A = arith.constant 0 : i32
        %dma_wait3A_18 = tpu.memref_slice %arg2[%add3A_14, %dma_wait3A] : memref<327680x128xf32, #tpu.memory_space<hbm>> -> memref<128x128xf32, #tpu.memory_space<hbm>>
        %dma_wait3A_19 = arith.constant 0 : i32
        %dma_wait3A_20 = tpu.memref_slice %arg2[%add3A_14, %dma_wait3A_19] : memref<327680x128xf32, #tpu.memory_space<hbm>> -> memref<128x128xf32, #tpu.memory_space<hbm>>
        tpu.wait_dma2 semaphore(%run_scoped3A : memref<!tpu.dma_semaphore, #tpu.memory_space<semaphore_mem>>) src(%dma_wait3A_20 : memref<128x128xf32, #tpu.memory_space<hbm>>) dst(%arg7 : memref<128x128xf32, #tpu.memory_space<vmem>>)
        tpu.yield
      }) : () -> ()
      "tpu.region"() ({
        %run_scoped3A = tpu.sem_alloc : memref<!tpu.dma_semaphore, #tpu.memory_space<semaphore_mem>>
        %dma_start3A = arith.constant 0 : i32
        %dma_start3A_15 = arith.constant 0 : i32
        %dma_start3A_16 = tpu.memref_slice %arg8[%dma_start3A, %dma_start3A_15] : memref<10240x128xf32, #tpu.memory_space<vmem_shared>> -> memref<10240x128xf32, #tpu.memory_space<vmem_shared>>
        tpu.enqueue_indirect_dma source(%arg7 : memref<128x128xf32, #tpu.memory_space<vmem>>) target(%dma_start3A_16 : memref<10240x128xf32, #tpu.memory_space<vmem_shared>>) offsets(%arg6 : memref<128xi32, #tpu.memory_space<vmem>>) semaphore(%run_scoped3A : memref<!tpu.dma_semaphore, #tpu.memory_space<semaphore_mem>>) {add = true}
        %dma_wait3A = arith.constant 0 : i32
        %dma_wait3A_17 = arith.constant 0 : i32
        %dma_wait3A_18 = tpu.memref_slice %arg8[%dma_wait3A, %dma_wait3A_17] : memref<10240x128xf32, #tpu.memory_space<vmem_shared>> -> memref<10240x128xf32, #tpu.memory_space<vmem_shared>>
        tpu.wait_indirect_dma semaphore(%run_scoped3A : memref<!tpu.dma_semaphore, #tpu.memory_space<semaphore_mem>>) src(%arg7 : memref<128x128xf32, #tpu.memory_space<vmem>>) dst(%dma_wait3A_18 : memref<10240x128xf32, #tpu.memory_space<vmem_shared>>)
        tpu.yield
      }) : () -> ()
    }
    %scan3A_5 = arith.constant 80 : i32
    %barrier3A_6 = arith.constant 0 : index
    tpu.barrier barrier_id(%barrier3A_6)
    "tpu.region"() ({
      %run_scoped3A = tpu.sem_alloc : memref<!tpu.dma_semaphore, #tpu.memory_space<semaphore_mem>>
      %dma_start3A = arith.constant 0 : i32
      %dma_start3A_7 = tpu.memref_slice %arg5[%arg0, %mul3A_0, %dma_start3A] : memref<2x10240x128xf32, #tpu.memory_space<hbm>> -> memref<1x640x128xf32, #tpu.memory_space<hbm>>
      %dma_start3A_8 = tpu.memref_squeeze %dma_start3A_7 : memref<1x640x128xf32, #tpu.memory_space<hbm>> -> memref<640x128xf32, #tpu.memory_space<hbm>>
      %dma_start3A_9 = arith.constant 0 : i32
      %dma_start3A_10 = tpu.memref_slice %arg8[%mul3A_0, %dma_start3A_9] : memref<10240x128xf32, #tpu.memory_space<vmem_shared>> -> memref<640x128xf32, #tpu.memory_space<vmem_shared>>
      tpu.enqueue_dma source(%dma_start3A_10 : memref<640x128xf32, #tpu.memory_space<vmem_shared>>) target(%dma_start3A_8 : memref<640x128xf32, #tpu.memory_space<hbm>>) target_semaphore(%run_scoped3A : memref<!tpu.dma_semaphore, #tpu.memory_space<semaphore_mem>>)
      %dma_wait3A = arith.constant 0 : i32
      %dma_wait3A_11 = tpu.memref_slice %arg5[%arg0, %mul3A_0, %dma_wait3A] : memref<2x10240x128xf32, #tpu.memory_space<hbm>> -> memref<1x640x128xf32, #tpu.memory_space<hbm>>
      %dma_wait3A_12 = tpu.memref_squeeze %dma_wait3A_11 : memref<1x640x128xf32, #tpu.memory_space<hbm>> -> memref<640x128xf32, #tpu.memory_space<hbm>>
      %dma_wait3A_13 = arith.constant 0 : i32
      %dma_wait3A_14 = tpu.memref_slice %arg8[%mul3A_0, %dma_wait3A_13] : memref<10240x128xf32, #tpu.memory_space<vmem_shared>> -> memref<640x128xf32, #tpu.memory_space<vmem_shared>>
      tpu.wait_dma2 semaphore(%run_scoped3A : memref<!tpu.dma_semaphore, #tpu.memory_space<semaphore_mem>>) src(%dma_wait3A_14 : memref<640x128xf32, #tpu.memory_space<vmem_shared>>) dst(%dma_wait3A_12 : memref<640x128xf32, #tpu.memory_space<hbm>>)
      tpu.yield
    }) : () -> ()
    return
  }
}

#map = affine_map<(d0, d1) -> (0, 0)>
#map1 = affine_map<(d0, d1) -> (0)>
#map2 = affine_map<(d0, d1) -> (0, 0, 0)>
module attributes {stable_mosaic.version = 14 : i64} {
  func.func @body(%arg0: i32, %arg1: i32, %arg2: memref<327680x128xf32, #tpu.memory_space<hbm>>, %arg3: memref<327680xi32, #tpu.memory_space<hbm>>, %arg4: memref<10240x128xf32, #tpu.memory_space<hbm>>, %arg5: memref<2x10240x128xf32, #tpu.memory_space<hbm>>, %arg6: memref<128xi32, #tpu.memory_space<vmem>>, %arg7: memref<128x128xf32, #tpu.memory_space<vmem>>, %arg8: memref<10240x128xf32, #tpu.memory_space<vmem_shared>>) attributes {dimension_semantics = [#tpu.dimension_semantics<core_parallel>, #tpu.dimension_semantics<subcore_parallel>], iteration_bounds = array<i64: 2, 16>, scalar_prefetch = 0 : i64, scratch_operands = 3 : i64, tpu.core_type = #tpu.core_type<sc_vector_subcore>, window_params = [{transform_indices = #map}, {transform_indices = #map1}, {transform_indices = #map}, {transform_indices = #map2}]} {
    %mul3A = arith.constant 640 : i32
    %mul3A_0 = arith.muli %arg1, %mul3A : i32
    "tpu.region"() ({
      %run_scoped3A = tpu.sem_alloc : memref<!tpu.dma_semaphore, #tpu.memory_space<semaphore_mem>>
      %dma_start3A = arith.constant 0 : i32
      %dma_start3A_7 = tpu.memref_slice %arg8[%mul3A_0, %dma_start3A] : memref<10240x128xf32, #tpu.memory_space<vmem_shared>> -> memref<640x128xf32, #tpu.memory_space<vmem_shared>>
      %dma_start3A_8 = arith.constant 0 : i32
      %dma_start3A_9 = tpu.memref_slice %arg4[%mul3A_0, %dma_start3A_8] : memref<10240x128xf32, #tpu.memory_space<hbm>> -> memref<640x128xf32, #tpu.memory_space<hbm>>
      tpu.enqueue_dma source(%dma_start3A_9 : memref<640x128xf32, #tpu.memory_space<hbm>>) target(%dma_start3A_7 : memref<640x128xf32, #tpu.memory_space<vmem_shared>>) target_semaphore(%run_scoped3A : memref<!tpu.dma_semaphore, #tpu.memory_space<semaphore_mem>>)
      %dma_wait3A = arith.constant 0 : i32
      %dma_wait3A_10 = tpu.memref_slice %arg8[%mul3A_0, %dma_wait3A] : memref<10240x128xf32, #tpu.memory_space<vmem_shared>> -> memref<640x128xf32, #tpu.memory_space<vmem_shared>>
      %dma_wait3A_11 = arith.constant 0 : i32
      %dma_wait3A_12 = tpu.memref_slice %arg4[%mul3A_0, %dma_wait3A_11] : memref<10240x128xf32, #tpu.memory_space<hbm>> -> memref<640x128xf32, #tpu.memory_space<hbm>>
      tpu.wait_dma2 semaphore(%run_scoped3A : memref<!tpu.dma_semaphore, #tpu.memory_space<semaphore_mem>>) src(%dma_wait3A_12 : memref<640x128xf32, #tpu.memory_space<hbm>>) dst(%dma_wait3A_10 : memref<640x128xf32, #tpu.memory_space<vmem_shared>>)
      tpu.yield
    }) : () -> ()
    %barrier3A = arith.constant 0 : index
    tpu.barrier barrier_id(%barrier3A)
    %scan3A = arith.constant 0 : i32
    %scan3A_1 = arith.constant 0 : i32
    %scan3A_2 = arith.constant 80 : i32
    %scan3A_3 = arith.addi %scan3A_1, %scan3A_2 : i32
    %scan3A_4 = arith.constant 1 : i32
    scf.for %scan3A_7 = %scan3A_1 to %scan3A_3 step %scan3A_4  : i32 {
      %mul3A_8 = arith.constant 163840 : i32
      %mul3A_9 = arith.muli %arg0, %mul3A_8 : i32
      %mul3A_10 = arith.constant 10240 : i32
      %mul3A_11 = arith.muli %arg1, %mul3A_10 : i32
      %add3A = arith.addi %mul3A_9, %mul3A_11 : i32
      %mul3A_12 = arith.constant 128 : i32
      %mul3A_13 = arith.muli %scan3A_7, %mul3A_12 : i32
      %add3A_14 = arith.addi %add3A, %mul3A_13 : i32
      "tpu.region"() ({
        %run_scoped3A = tpu.sem_alloc : memref<!tpu.dma_semaphore, #tpu.memory_space<semaphore_mem>>
        %dma_start3A = tpu.memref_slice %arg3[%add3A_14] : memref<327680xi32, #tpu.memory_space<hbm>> -> memref<128xi32, #tpu.memory_space<hbm>>
        %dma_start3A_15 = tpu.memref_slice %arg3[%add3A_14] : memref<327680xi32, #tpu.memory_space<hbm>> -> memref<128xi32, #tpu.memory_space<hbm>>
        tpu.enqueue_dma source(%dma_start3A_15 : memref<128xi32, #tpu.memory_space<hbm>>) target(%arg6 : memref<128xi32, #tpu.memory_space<vmem>>) target_semaphore(%run_scoped3A : memref<!tpu.dma_semaphore, #tpu.memory_space<semaphore_mem>>)
        %dma_wait3A = tpu.memref_slice %arg3[%add3A_14] : memref<327680xi32, #tpu.memory_space<hbm>> -> memref<128xi32, #tpu.memory_space<hbm>>
        %dma_wait3A_16 = tpu.memref_slice %arg3[%add3A_14] : memref<327680xi32, #tpu.memory_space<hbm>> -> memref<128xi32, #tpu.memory_space<hbm>>
        tpu.wait_dma2 semaphore(%run_scoped3A : memref<!tpu.dma_semaphore, #tpu.memory_space<semaphore_mem>>) src(%dma_wait3A_16 : memref<128xi32, #tpu.memory_space<hbm>>) dst(%arg6 : memref<128xi32, #tpu.memory_space<vmem>>)
        tpu.yield
      }) : () -> ()
      "tpu.region"() ({
        %run_scoped3A = tpu.sem_alloc : memref<!tpu.dma_semaphore, #tpu.memory_space<semaphore_mem>>
        %dma_start3A = arith.constant 0 : i32
        %dma_start3A_15 = tpu.memref_slice %arg2[%add3A_14, %dma_start3A] : memref<327680x128xf32, #tpu.memory_space<hbm>> -> memref<128x128xf32, #tpu.memory_space<hbm>>
        %dma_start3A_16 = arith.constant 0 : i32
        %dma_start3A_17 = tpu.memref_slice %arg2[%add3A_14, %dma_start3A_16] : memref<327680x128xf32, #tpu.memory_space<hbm>> -> memref<128x128xf32, #tpu.memory_space<hbm>>
        tpu.enqueue_dma source(%dma_start3A_17 : memref<128x128xf32, #tpu.memory_space<hbm>>) target(%arg7 : memref<128x128xf32, #tpu.memory_space<vmem>>) target_semaphore(%run_scoped3A : memref<!tpu.dma_semaphore, #tpu.memory_space<semaphore_mem>>)
        %dma_wait3A = arith.constant 0 : i32
        %dma_wait3A_18 = tpu.memref_slice %arg2[%add3A_14, %dma_wait3A] : memref<327680x128xf32, #tpu.memory_space<hbm>> -> memref<128x128xf32, #tpu.memory_space<hbm>>
        %dma_wait3A_19 = arith.constant 0 : i32
        %dma_wait3A_20 = tpu.memref_slice %arg2[%add3A_14, %dma_wait3A_19] : memref<327680x128xf32, #tpu.memory_space<hbm>> -> memref<128x128xf32, #tpu.memory_space<hbm>>
        tpu.wait_dma2 semaphore(%run_scoped3A : memref<!tpu.dma_semaphore, #tpu.memory_space<semaphore_mem>>) src(%dma_wait3A_20 : memref<128x128xf32, #tpu.memory_space<hbm>>) dst(%arg7 : memref<128x128xf32, #tpu.memory_space<vmem>>)
        tpu.yield
      }) : () -> ()
      "tpu.region"() ({
        %run_scoped3A = tpu.sem_alloc : memref<!tpu.dma_semaphore, #tpu.memory_space<semaphore_mem>>
        %dma_start3A = arith.constant 0 : i32
        %dma_start3A_15 = arith.constant 0 : i32
        %dma_start3A_16 = tpu.memref_slice %arg8[%dma_start3A, %dma_start3A_15] : memref<10240x128xf32, #tpu.memory_space<vmem_shared>> -> memref<10240x128xf32, #tpu.memory_space<vmem_shared>>
        tpu.enqueue_indirect_dma source(%arg7 : memref<128x128xf32, #tpu.memory_space<vmem>>) target(%dma_start3A_16 : memref<10240x128xf32, #tpu.memory_space<vmem_shared>>) offsets(%arg6 : memref<128xi32, #tpu.memory_space<vmem>>) semaphore(%run_scoped3A : memref<!tpu.dma_semaphore, #tpu.memory_space<semaphore_mem>>) {add = true}
        %dma_wait3A = arith.constant 0 : i32
        %dma_wait3A_17 = arith.constant 0 : i32
        %dma_wait3A_18 = tpu.memref_slice %arg8[%dma_wait3A, %dma_wait3A_17] : memref<10240x128xf32, #tpu.memory_space<vmem_shared>> -> memref<10240x128xf32, #tpu.memory_space<vmem_shared>>
        tpu.wait_indirect_dma semaphore(%run_scoped3A : memref<!tpu.dma_semaphore, #tpu.memory_space<semaphore_mem>>) src(%arg7 : memref<128x128xf32, #tpu.memory_space<vmem>>) dst(%dma_wait3A_18 : memref<10240x128xf32, #tpu.memory_space<vmem_shared>>)
        tpu.yield
      }) : () -> ()
    }
    %scan3A_5 = arith.constant 80 : i32
    %barrier3A_6 = arith.constant 0 : index
    tpu.barrier barrier_id(%barrier3A_6)
    "tpu.region"() ({
      %run_scoped3A = tpu.sem_alloc : memref<!tpu.dma_semaphore, #tpu.memory_space<semaphore_mem>>
      %dma_start3A = arith.constant 0 : i32
      %dma_start3A_7 = tpu.memref_slice %arg5[%arg0, %mul3A_0, %dma_start3A] : memref<2x10240x128xf32, #tpu.memory_space<hbm>> -> memref<1x640x128xf32, #tpu.memory_space<hbm>>
      %dma_start3A_8 = tpu.memref_squeeze %dma_start3A_7 : memref<1x640x128xf32, #tpu.memory_space<hbm>> -> memref<640x128xf32, #tpu.memory_space<hbm>>
      %dma_start3A_9 = arith.constant 0 : i32
      %dma_start3A_10 = tpu.memref_slice %arg8[%mul3A_0, %dma_start3A_9] : memref<10240x128xf32, #tpu.memory_space<vmem_shared>> -> memref<640x128xf32, #tpu.memory_space<vmem_shared>>
      tpu.enqueue_dma source(%dma_start3A_10 : memref<640x128xf32, #tpu.memory_space<vmem_shared>>) target(%dma_start3A_8 : memref<640x128xf32, #tpu.memory_space<hbm>>) target_semaphore(%run_scoped3A : memref<!tpu.dma_semaphore, #tpu.memory_space<semaphore_mem>>)
      %dma_wait3A = arith.constant 0 : i32
      %dma_wait3A_11 = tpu.memref_slice %arg5[%arg0, %mul3A_0, %dma_wait3A] : memref<2x10240x128xf32, #tpu.memory_space<hbm>> -> memref<1x640x128xf32, #tpu.memory_space<hbm>>
      %dma_wait3A_12 = tpu.memref_squeeze %dma_wait3A_11 : memref<1x640x128xf32, #tpu.memory_space<hbm>> -> memref<640x128xf32, #tpu.memory_space<hbm>>
      %dma_wait3A_13 = arith.constant 0 : i32
      %dma_wait3A_14 = tpu.memref_slice %arg8[%mul3A_0, %dma_wait3A_13] : memref<10240x128xf32, #tpu.memory_space<vmem_shared>> -> memref<640x128xf32, #tpu.memory_space<vmem_shared>>
      tpu.wait_dma2 semaphore(%run_scoped3A : memref<!tpu.dma_semaphore, #tpu.memory_space<semaphore_mem>>) src(%dma_wait3A_14 : memref<640x128xf32, #tpu.memory_space<vmem_shared>>) dst(%dma_wait3A_12 : memref<640x128xf32, #tpu.memory_space<hbm>>)
      tpu.yield
    }) : () -> ()
    return
  }
}

module attributes {stable_mosaic.version = 14 : i64} {
  func.func @_h0_body(%arg0: i32, %arg1: memref<8x64xf32, #tpu.memory_space<vmem>>, %arg2: memref<256x1xi32, #tpu.memory_space<vmem>>, %arg3: memref<256x16xf32, #tpu.memory_space<vmem>>, %arg4: memref<64x128xf32, #tpu.memory_space<vmem>>, %arg5: memref<1x128xf32, #tpu.memory_space<vmem>>, %arg6: memref<128x128xf32, #tpu.memory_space<vmem>>, %arg7: memref<1x128xf32, #tpu.memory_space<vmem>>, %arg8: memref<16x128xf32, #tpu.memory_space<vmem>>, %arg9: memref<1x128xf32, #tpu.memory_space<vmem>>, %arg10: memref<128x128xf32, #tpu.memory_space<vmem>>, %arg11: memref<1x128xf32, #tpu.memory_space<vmem>>, %arg12: memref<256x128xf32, #tpu.memory_space<vmem>>) attributes {dimension_semantics = [#tpu.dimension_semantics<arbitrary>], iteration_bounds = array<i64: 40>, scalar_prefetch = 0 : i64, scratch_operands = 0 : i64, tpu.core_type = #tpu.core_type<tc>, window_params = [{pipeline_mode = #tpu.pipeline_mode<synchronous>, transform_indices = @transform_0, window_bounds = array<i64: 8, 64>}, {transform_indices = @transform_1, window_bounds = array<i64: 256, 1>}, {transform_indices = @transform_2, window_bounds = array<i64: 256, 16>}, {pipeline_mode = #tpu.pipeline_mode<synchronous>, transform_indices = @transform_3, window_bounds = array<i64: 64, 128>}, {pipeline_mode = #tpu.pipeline_mode<synchronous>, transform_indices = @transform_4, window_bounds = array<i64: 1, 128>}, {pipeline_mode = #tpu.pipeline_mode<synchronous>, transform_indices = @transform_5, window_bounds = array<i64: 128, 128>}, {pipeline_mode = #tpu.pipeline_mode<synchronous>, transform_indices = @transform_6, window_bounds = array<i64: 1, 128>}, {pipeline_mode = #tpu.pipeline_mode<synchronous>, transform_indices = @transform_7, window_bounds = array<i64: 16, 128>}, {pipeline_mode = #tpu.pipeline_mode<synchronous>, transform_indices = @transform_8, window_bounds = array<i64: 1, 128>}, {pipeline_mode = #tpu.pipeline_mode<synchronous>, transform_indices = @transform_9, window_bounds = array<i64: 128, 128>}, {pipeline_mode = #tpu.pipeline_mode<synchronous>, transform_indices = @transform_10, window_bounds = array<i64: 1, 128>}, {transform_indices = @transform_11, window_bounds = array<i64: 256, 128>}]} {
    %get3A = arith.constant 0 : index
    %get3A_0 = arith.constant 0 : index
    %get3A_1 = vector.load %arg1[%get3A, %get3A_0] : memref<8x64xf32, #tpu.memory_space<vmem>>, vector<8x64xf32>
    %get3A_2 = arith.constant 0 : index
    %get3A_3 = arith.constant 0 : index
    %get3A_4 = vector.load %arg4[%get3A_2, %get3A_3] : memref<64x128xf32, #tpu.memory_space<vmem>>, vector<64x128xf32>
    %dot_general3A = arith.constant dense<0.000000e+00> : vector<8x128xf32>
    %dot_general3A_5 = tpu.matmul %get3A_1, %get3A_4, %dot_general3A {dimension_numbers = #tpu.dot_dimension_numbers<[1], [0], [0], [1], [0, 0, 1, 1], [], []>, precision = #tpu.contract_precision<fp32>, transpose_lhs_hint = false} : vector<8x64xf32>, vector<64x128xf32>, vector<8x128xf32> -> vector<8x128xf32>
    %get3A_6 = arith.constant 0 : index
    %get3A_7 = arith.constant 0 : index
    %get3A_8 = vector.load %arg5[%get3A_6, %get3A_7] : memref<1x128xf32, #tpu.memory_space<vmem>>, vector<1x128xf32>
    %add3A = vector.broadcast %get3A_8 : vector<1x128xf32> to vector<8x128xf32>
    %add3A_9 = arith.addf %dot_general3A_5, %add3A : vector<8x128xf32>
    %logistic3A = arith.negf %add3A_9 : vector<8x128xf32>
    %logistic3A_10 = math.exp %logistic3A : vector<8x128xf32>
    %logistic3A_11 = arith.constant 1.000000e+00 : f32
    %logistic3A_12 = vector.broadcast %logistic3A_11 : f32 to vector<8x128xf32>
    %logistic3A_13 = arith.addf %logistic3A_12, %logistic3A_10 : vector<8x128xf32>
    %logistic3A_14 = arith.divf %logistic3A_12, %logistic3A_13 : vector<8x128xf32>
    %mul3A = arith.mulf %add3A_9, %logistic3A_14 : vector<8x128xf32>
    %get3A_15 = arith.constant 0 : index
    %get3A_16 = arith.constant 0 : index
    %get3A_17 = vector.load %arg6[%get3A_15, %get3A_16] : memref<128x128xf32, #tpu.memory_space<vmem>>, vector<128x128xf32>
    %dot_general3A_18 = arith.constant dense<0.000000e+00> : vector<8x128xf32>
    %dot_general3A_19 = tpu.matmul %mul3A, %get3A_17, %dot_general3A_18 {dimension_numbers = #tpu.dot_dimension_numbers<[1], [0], [0], [1], [0, 0, 1, 1], [], []>, precision = #tpu.contract_precision<fp32>, transpose_lhs_hint = false} : vector<8x128xf32>, vector<128x128xf32>, vector<8x128xf32> -> vector<8x128xf32>
    %get3A_20 = arith.constant 0 : index
    %get3A_21 = arith.constant 0 : index
    %get3A_22 = vector.load %arg7[%get3A_20, %get3A_21] : memref<1x128xf32, #tpu.memory_space<vmem>>, vector<1x128xf32>
    %add3A_23 = vector.broadcast %get3A_22 : vector<1x128xf32> to vector<8x128xf32>
    %add3A_24 = arith.addf %dot_general3A_19, %add3A_23 : vector<8x128xf32>
    %get3A_25 = arith.constant 0 : index
    %get3A_26 = arith.constant 0 : index
    %get3A_27 = vector.load %arg3[%get3A_25, %get3A_26] : memref<256x16xf32, #tpu.memory_space<vmem>>, vector<256x16xf32>
    %get3A_28 = arith.constant 0 : index
    %get3A_29 = arith.constant 0 : index
    %get3A_30 = vector.load %arg8[%get3A_28, %get3A_29] : memref<16x128xf32, #tpu.memory_space<vmem>>, vector<16x128xf32>
    %dot_general3A_31 = arith.constant dense<0.000000e+00> : vector<256x128xf32>
    %dot_general3A_32 = tpu.matmul %get3A_27, %get3A_30, %dot_general3A_31 {dimension_numbers = #tpu.dot_dimension_numbers<[1], [0], [0], [1], [0, 0, 1, 1], [], []>, precision = #tpu.contract_precision<fp32>, transpose_lhs_hint = false} : vector<256x16xf32>, vector<16x128xf32>, vector<256x128xf32> -> vector<256x128xf32>
    %get3A_33 = arith.constant 0 : index
    %get3A_34 = arith.constant 0 : index
    %get3A_35 = vector.load %arg9[%get3A_33, %get3A_34] : memref<1x128xf32, #tpu.memory_space<vmem>>, vector<1x128xf32>
    %add3A_36 = vector.broadcast %get3A_35 : vector<1x128xf32> to vector<256x128xf32>
    %add3A_37 = arith.addf %dot_general3A_32, %add3A_36 : vector<256x128xf32>
    %logistic3A_38 = arith.negf %add3A_37 : vector<256x128xf32>
    %logistic3A_39 = math.exp %logistic3A_38 : vector<256x128xf32>
    %logistic3A_40 = arith.constant 1.000000e+00 : f32
    %logistic3A_41 = vector.broadcast %logistic3A_40 : f32 to vector<256x128xf32>
    %logistic3A_42 = arith.addf %logistic3A_41, %logistic3A_39 : vector<256x128xf32>
    %logistic3A_43 = arith.divf %logistic3A_41, %logistic3A_42 : vector<256x128xf32>
    %mul3A_44 = arith.mulf %add3A_37, %logistic3A_43 : vector<256x128xf32>
    %get3A_45 = arith.constant 0 : index
    %get3A_46 = arith.constant 0 : index
    %get3A_47 = vector.load %arg10[%get3A_45, %get3A_46] : memref<128x128xf32, #tpu.memory_space<vmem>>, vector<128x128xf32>
    %dot_general3A_48 = arith.constant dense<0.000000e+00> : vector<256x128xf32>
    %dot_general3A_49 = tpu.matmul %mul3A_44, %get3A_47, %dot_general3A_48 {dimension_numbers = #tpu.dot_dimension_numbers<[1], [0], [0], [1], [0, 0, 1, 1], [], []>, precision = #tpu.contract_precision<fp32>, transpose_lhs_hint = false} : vector<256x128xf32>, vector<128x128xf32>, vector<256x128xf32> -> vector<256x128xf32>
    %get3A_50 = arith.constant 0 : index
    %get3A_51 = arith.constant 0 : index
    %get3A_52 = vector.load %arg11[%get3A_50, %get3A_51] : memref<1x128xf32, #tpu.memory_space<vmem>>, vector<1x128xf32>
    %add3A_53 = vector.broadcast %get3A_52 : vector<1x128xf32> to vector<256x128xf32>
    %add3A_54 = arith.addf %dot_general3A_49, %add3A_53 : vector<256x128xf32>
    %get3A_55 = arith.constant 0 : index
    %get3A_56 = arith.constant 0 : index
    %get3A_57 = vector.load %arg2[%get3A_55, %get3A_56] : memref<256x1xi32, #tpu.memory_space<vmem>>, vector<256x1xi32>
    %iota3A = tpu.iota {dimensions = array<i32: 1>} : vector<1x8xi32>
    %eq3A = vector.broadcast %get3A_57 : vector<256x1xi32> to vector<256x8xi32>
    %eq3A_58 = vector.broadcast %iota3A : vector<1x8xi32> to vector<256x8xi32>
    %eq3A_59 = arith.cmpi eq, %eq3A, %eq3A_58 : vector<256x8xi32>
    %convert_element_type3A = arith.extui %eq3A_59 : vector<256x8xi1> to vector<256x8xi32>
    %convert_element_type3A_60 = arith.sitofp %convert_element_type3A : vector<256x8xi32> to vector<256x8xf32>
    %dot_general3A_61 = arith.constant dense<0.000000e+00> : vector<256x128xf32>
    %dot_general3A_62 = tpu.matmul %convert_element_type3A_60, %add3A_24, %dot_general3A_61 {dimension_numbers = #tpu.dot_dimension_numbers<[1], [0], [0], [1], [0, 0, 1, 1], [], []>, precision = #tpu.contract_precision<fp32>, transpose_lhs_hint = false} : vector<256x8xf32>, vector<8x128xf32>, vector<256x128xf32> -> vector<256x128xf32>
    %add3A_63 = arith.addf %add3A_54, %dot_general3A_62 : vector<256x128xf32>
    %swap3A = arith.constant 0 : index
    %swap3A_64 = arith.constant 0 : index
    %swap3A_65 = vector.load %arg12[%swap3A, %swap3A_64] : memref<256x128xf32, #tpu.memory_space<vmem>>, vector<256x128xf32>
    tpu.vector_store %arg12[%swap3A, %swap3A_64], %add3A_63 {strides = array<i32>} : memref<256x128xf32, #tpu.memory_space<vmem>>, vector<256x128xf32>,
    return
  }
  func.func @transform_0(%arg0: i32) -> (i32, i32) {
    %c0_i32 = arith.constant 0 : i32
    %c0_i32_0 = arith.constant 0 : i32
    %c0_i32_1 = arith.constant 0 : i32
    return %c0_i32, %c0_i32_0 : i32, i32
  }
  func.func @transform_1(%arg0: i32) -> (i32, i32) {
    %c0_i32 = arith.constant 0 : i32
    %c0_i32_0 = arith.constant 0 : i32
    return %arg0, %c0_i32 : i32, i32
  }
  func.func @transform_2(%arg0: i32) -> (i32, i32) {
    %c0_i32 = arith.constant 0 : i32
    %c0_i32_0 = arith.constant 0 : i32
    return %arg0, %c0_i32 : i32, i32
  }
  func.func @transform_3(%arg0: i32) -> (i32, i32) {
    %c0_i32 = arith.constant 0 : i32
    %c0_i32_0 = arith.constant 0 : i32
    %c0_i32_1 = arith.constant 0 : i32
    return %c0_i32, %c0_i32_0 : i32, i32
  }
  func.func @transform_4(%arg0: i32) -> (i32, i32) {
    %c0_i32 = arith.constant 0 : i32
    %c0_i32_0 = arith.constant 0 : i32
    %c0_i32_1 = arith.constant 0 : i32
    return %c0_i32, %c0_i32_0 : i32, i32
  }
  func.func @transform_5(%arg0: i32) -> (i32, i32) {
    %c0_i32 = arith.constant 0 : i32
    %c0_i32_0 = arith.constant 0 : i32
    %c0_i32_1 = arith.constant 0 : i32
    return %c0_i32, %c0_i32_0 : i32, i32
  }
  func.func @transform_6(%arg0: i32) -> (i32, i32) {
    %c0_i32 = arith.constant 0 : i32
    %c0_i32_0 = arith.constant 0 : i32
    %c0_i32_1 = arith.constant 0 : i32
    return %c0_i32, %c0_i32_0 : i32, i32
  }
  func.func @transform_7(%arg0: i32) -> (i32, i32) {
    %c0_i32 = arith.constant 0 : i32
    %c0_i32_0 = arith.constant 0 : i32
    %c0_i32_1 = arith.constant 0 : i32
    return %c0_i32, %c0_i32_0 : i32, i32
  }
  func.func @transform_8(%arg0: i32) -> (i32, i32) {
    %c0_i32 = arith.constant 0 : i32
    %c0_i32_0 = arith.constant 0 : i32
    %c0_i32_1 = arith.constant 0 : i32
    return %c0_i32, %c0_i32_0 : i32, i32
  }
  func.func @transform_9(%arg0: i32) -> (i32, i32) {
    %c0_i32 = arith.constant 0 : i32
    %c0_i32_0 = arith.constant 0 : i32
    %c0_i32_1 = arith.constant 0 : i32
    return %c0_i32, %c0_i32_0 : i32, i32
  }
  func.func @transform_10(%arg0: i32) -> (i32, i32) {
    %c0_i32 = arith.constant 0 : i32
    %c0_i32_0 = arith.constant 0 : i32
    %c0_i32_1 = arith.constant 0 : i32
    return %c0_i32, %c0_i32_0 : i32, i32
  }
  func.func @transform_11(%arg0: i32) -> (i32, i32) {
    %c0_i32 = arith.constant 0 : i32
    %c0_i32_0 = arith.constant 0 : i32
    return %arg0, %c0_i32 : i32, i32
  }
}

module attributes {stable_mosaic.version = 14 : i64} {
  func.func @_prep_body(%arg0: i32, %arg1: memref<256x128xf32, #tpu.memory_space<vmem>>, %arg2: memref<128x128xf32, #tpu.memory_space<vmem>>, %arg3: memref<128x128xf32, #tpu.memory_space<vmem>>, %arg4: memref<1x128xf32, #tpu.memory_space<vmem>>, %arg5: memref<256x128xf32, #tpu.memory_space<vmem>>, %arg6: memref<256x128xf32, #tpu.memory_space<vmem>>) attributes {dimension_semantics = [#tpu.dimension_semantics<arbitrary>], iteration_bounds = array<i64: 40>, scalar_prefetch = 0 : i64, scratch_operands = 0 : i64, tpu.core_type = #tpu.core_type<tc>, window_params = [{transform_indices = @transform_0, window_bounds = array<i64: 256, 128>}, {pipeline_mode = #tpu.pipeline_mode<synchronous>, transform_indices = @transform_1, window_bounds = array<i64: 128, 128>}, {pipeline_mode = #tpu.pipeline_mode<synchronous>, transform_indices = @transform_2, window_bounds = array<i64: 128, 128>}, {pipeline_mode = #tpu.pipeline_mode<synchronous>, transform_indices = @transform_3, window_bounds = array<i64: 1, 128>}, {transform_indices = @transform_4, window_bounds = array<i64: 256, 128>}, {transform_indices = @transform_5, window_bounds = array<i64: 256, 128>}]} {
    %get3A = arith.constant 0 : index
    %get3A_0 = arith.constant 0 : index
    %get3A_1 = vector.load %arg1[%get3A, %get3A_0] : memref<256x128xf32, #tpu.memory_space<vmem>>, vector<256x128xf32>
    %get3A_2 = arith.constant 0 : index
    %get3A_3 = arith.constant 0 : index
    %get3A_4 = vector.load %arg2[%get3A_2, %get3A_3] : memref<128x128xf32, #tpu.memory_space<vmem>>, vector<128x128xf32>
    %dot_general3A = arith.constant dense<0.000000e+00> : vector<256x128xf32>
    %dot_general3A_5 = tpu.matmul %get3A_1, %get3A_4, %dot_general3A {dimension_numbers = #tpu.dot_dimension_numbers<[1], [0], [0], [1], [0, 0, 1, 1], [], []>, precision = #tpu.contract_precision<fp32>, transpose_lhs_hint = false} : vector<256x128xf32>, vector<128x128xf32>, vector<256x128xf32> -> vector<256x128xf32>
    %swap3A = arith.constant 0 : index
    %swap3A_6 = arith.constant 0 : index
    %swap3A_7 = vector.load %arg5[%swap3A, %swap3A_6] : memref<256x128xf32, #tpu.memory_space<vmem>>, vector<256x128xf32>
    tpu.vector_store %arg5[%swap3A, %swap3A_6], %dot_general3A_5 {strides = array<i32>} : memref<256x128xf32, #tpu.memory_space<vmem>>, vector<256x128xf32>,
    %get3A_8 = arith.constant 0 : index
    %get3A_9 = arith.constant 0 : index
    %get3A_10 = vector.load %arg3[%get3A_8, %get3A_9] : memref<128x128xf32, #tpu.memory_space<vmem>>, vector<128x128xf32>
    %dot_general3A_11 = arith.constant dense<0.000000e+00> : vector<256x128xf32>
    %dot_general3A_12 = tpu.matmul %get3A_1, %get3A_10, %dot_general3A_11 {dimension_numbers = #tpu.dot_dimension_numbers<[1], [0], [0], [1], [0, 0, 1, 1], [], []>, precision = #tpu.contract_precision<fp32>, transpose_lhs_hint = false} : vector<256x128xf32>, vector<128x128xf32>, vector<256x128xf32> -> vector<256x128xf32>
    %get3A_13 = arith.constant 0 : index
    %get3A_14 = arith.constant 0 : index
    %get3A_15 = vector.load %arg4[%get3A_13, %get3A_14] : memref<1x128xf32, #tpu.memory_space<vmem>>, vector<1x128xf32>
    %add3A = vector.broadcast %get3A_15 : vector<1x128xf32> to vector<256x128xf32>
    %add3A_16 = arith.addf %dot_general3A_12, %add3A : vector<256x128xf32>
    %swap3A_17 = arith.constant 0 : index
    %swap3A_18 = arith.constant 0 : index
    %swap3A_19 = vector.load %arg6[%swap3A_17, %swap3A_18] : memref<256x128xf32, #tpu.memory_space<vmem>>, vector<256x128xf32>
    tpu.vector_store %arg6[%swap3A_17, %swap3A_18], %add3A_16 {strides = array<i32>} : memref<256x128xf32, #tpu.memory_space<vmem>>, vector<256x128xf32>,
    return
  }
  func.func @transform_0(%arg0: i32) -> (i32, i32) {
    %c0_i32 = arith.constant 0 : i32
    %c0_i32_0 = arith.constant 0 : i32
    return %arg0, %c0_i32 : i32, i32
  }
  func.func @transform_1(%arg0: i32) -> (i32, i32) {
    %c0_i32 = arith.constant 0 : i32
    %c0_i32_0 = arith.constant 0 : i32
    %c0_i32_1 = arith.constant 0 : i32
    return %c0_i32, %c0_i32_0 : i32, i32
  }
  func.func @transform_2(%arg0: i32) -> (i32, i32) {
    %c0_i32 = arith.constant 0 : i32
    %c0_i32_0 = arith.constant 0 : i32
    %c0_i32_1 = arith.constant 0 : i32
    return %c0_i32, %c0_i32_0 : i32, i32
  }
  func.func @transform_3(%arg0: i32) -> (i32, i32) {
    %c0_i32 = arith.constant 0 : i32
    %c0_i32_0 = arith.constant 0 : i32
    %c0_i32_1 = arith.constant 0 : i32
    return %c0_i32, %c0_i32_0 : i32, i32
  }
  func.func @transform_4(%arg0: i32) -> (i32, i32) {
    %c0_i32 = arith.constant 0 : i32
    %c0_i32_0 = arith.constant 0 : i32
    return %arg0, %c0_i32 : i32, i32
  }
  func.func @transform_5(%arg0: i32) -> (i32, i32) {
    %c0_i32 = arith.constant 0 : i32
    %c0_i32_0 = arith.constant 0 : i32
    return %arg0, %c0_i32 : i32, i32
  }
}

module attributes {stable_mosaic.version = 14 : i64} {
  func.func @_edge_body(%arg0: i32, %arg1: memref<1024x128xf32, #tpu.memory_space<vmem>>, %arg2: memref<1024x128xf32, #tpu.memory_space<vmem>>, %arg3: memref<1024x1xf32, #tpu.memory_space<vmem>>, %arg4: memref<64x128xf32, #tpu.memory_space<vmem>>, %arg5: memref<1024x128xf32, #tpu.memory_space<vmem>>) attributes {dimension_semantics = [#tpu.dimension_semantics<arbitrary>], iteration_bounds = array<i64: 320>, scalar_prefetch = 0 : i64, scratch_operands = 0 : i64, tpu.core_type = #tpu.core_type<tc>, window_params = [{transform_indices = @transform_0, window_bounds = array<i64: 1024, 128>}, {transform_indices = @transform_1, window_bounds = array<i64: 1024, 128>}, {transform_indices = @transform_2, window_bounds = array<i64: 1024, 1>}, {pipeline_mode = #tpu.pipeline_mode<synchronous>, transform_indices = @transform_3, window_bounds = array<i64: 64, 128>}, {transform_indices = @transform_4, window_bounds = array<i64: 1024, 128>}]} {
    %get3A = arith.constant 0 : index
    %get3A_0 = arith.constant 0 : index
    %get3A_1 = vector.load %arg3[%get3A, %get3A_0] : memref<1024x1xf32, #tpu.memory_space<vmem>>, vector<1024x1xf32>
    %sqrt3A = math.sqrt %get3A_1 : vector<1024x1xf32>
    %iota3A = tpu.iota {dimensions = array<i32: 1>} : vector<1x64xi32>
    %convert_element_type3A = arith.sitofp %iota3A : vector<1x64xi32> to vector<1x64xf32>
    %mul3A = arith.constant 0.10204082 : f32
    %mul3A_2 = vector.broadcast %mul3A : f32 to vector<1x64xf32>
    %mul3A_3 = arith.mulf %convert_element_type3A, %mul3A_2 : vector<1x64xf32>
    %sub3A = vector.broadcast %sqrt3A : vector<1024x1xf32> to vector<1024x64xf32>
    %sub3A_4 = vector.broadcast %mul3A_3 : vector<1x64xf32> to vector<1024x64xf32>
    %sub3A_5 = arith.subf %sub3A, %sub3A_4 : vector<1024x64xf32>
    %integer_pow3A = arith.mulf %sub3A_5, %sub3A_5 : vector<1024x64xf32>
    %mul3A_6 = arith.constant -4.802000e+01 : f32
    %mul3A_7 = vector.broadcast %mul3A_6 : f32 to vector<1024x64xf32>
    %mul3A_8 = arith.mulf %mul3A_7, %integer_pow3A : vector<1024x64xf32>
    %exp3A = math.exp %mul3A_8 : vector<1024x64xf32>
    %get3A_9 = arith.constant 0 : index
    %get3A_10 = arith.constant 0 : index
    %get3A_11 = vector.load %arg1[%get3A_9, %get3A_10] : memref<1024x128xf32, #tpu.memory_space<vmem>>, vector<1024x128xf32>
    %get3A_12 = arith.constant 0 : index
    %get3A_13 = arith.constant 0 : index
    %get3A_14 = vector.load %arg2[%get3A_12, %get3A_13] : memref<1024x128xf32, #tpu.memory_space<vmem>>, vector<1024x128xf32>
    %add3A = arith.addf %get3A_11, %get3A_14 : vector<1024x128xf32>
    %get3A_15 = arith.constant 0 : index
    %get3A_16 = arith.constant 0 : index
    %get3A_17 = vector.load %arg4[%get3A_15, %get3A_16] : memref<64x128xf32, #tpu.memory_space<vmem>>, vector<64x128xf32>
    %dot_general3A = arith.constant dense<0.000000e+00> : vector<1024x128xf32>
    %dot_general3A_18 = tpu.matmul %exp3A, %get3A_17, %dot_general3A {dimension_numbers = #tpu.dot_dimension_numbers<[1], [0], [0], [1], [0, 0, 1, 1], [], []>, precision = #tpu.contract_precision<fp32>, transpose_lhs_hint = false} : vector<1024x64xf32>, vector<64x128xf32>, vector<1024x128xf32> -> vector<1024x128xf32>
    %add3A_19 = arith.addf %add3A, %dot_general3A_18 : vector<1024x128xf32>
    %logistic3A = arith.negf %add3A_19 : vector<1024x128xf32>
    %logistic3A_20 = math.exp %logistic3A : vector<1024x128xf32>
    %logistic3A_21 = arith.constant 1.000000e+00 : f32
    %logistic3A_22 = vector.broadcast %logistic3A_21 : f32 to vector<1024x128xf32>
    %logistic3A_23 = arith.addf %logistic3A_22, %logistic3A_20 : vector<1024x128xf32>
    %logistic3A_24 = arith.divf %logistic3A_22, %logistic3A_23 : vector<1024x128xf32>
    %mul3A_25 = arith.mulf %add3A_19, %logistic3A_24 : vector<1024x128xf32>
    %swap3A = arith.constant 0 : index
    %swap3A_26 = arith.constant 0 : index
    %swap3A_27 = vector.load %arg5[%swap3A, %swap3A_26] : memref<1024x128xf32, #tpu.memory_space<vmem>>, vector<1024x128xf32>
    tpu.vector_store %arg5[%swap3A, %swap3A_26], %mul3A_25 {strides = array<i32>} : memref<1024x128xf32, #tpu.memory_space<vmem>>, vector<1024x128xf32>,
    return
  }
  func.func @transform_0(%arg0: i32) -> (i32, i32) {
    %c0_i32 = arith.constant 0 : i32
    %c0_i32_0 = arith.constant 0 : i32
    return %arg0, %c0_i32 : i32, i32
  }
  func.func @transform_1(%arg0: i32) -> (i32, i32) {
    %c0_i32 = arith.constant 0 : i32
    %c0_i32_0 = arith.constant 0 : i32
    return %arg0, %c0_i32 : i32, i32
  }
  func.func @transform_2(%arg0: i32) -> (i32, i32) {
    %c0_i32 = arith.constant 0 : i32
    %c0_i32_0 = arith.constant 0 : i32
    return %arg0, %c0_i32 : i32, i32
  }
  func.func @transform_3(%arg0: i32) -> (i32, i32) {
    %c0_i32 = arith.constant 0 : i32
    %c0_i32_0 = arith.constant 0 : i32
    %c0_i32_1 = arith.constant 0 : i32
    return %c0_i32, %c0_i32_0 : i32, i32
  }
  func.func @transform_4(%arg0: i32) -> (i32, i32) {
    %c0_i32 = arith.constant 0 : i32
    %c0_i32_0 = arith.constant 0 : i32
    return %arg0, %c0_i32 : i32, i32
  }
}

module attributes {stable_mosaic.version = 14 : i64} {
  func.func @_node_body(%arg0: i32, %arg1: memref<256x128xf32, #tpu.memory_space<vmem>>, %arg2: memref<2x256x128xf32, #tpu.memory_space<vmem>>, %arg3: memref<2x256x128xf32, #tpu.memory_space<vmem>>, %arg4: memref<128x128xf32, #tpu.memory_space<vmem>>, %arg5: memref<1x128xf32, #tpu.memory_space<vmem>>, %arg6: memref<128x128xf32, #tpu.memory_space<vmem>>, %arg7: memref<128x128xf32, #tpu.memory_space<vmem>>, %arg8: memref<1x128xf32, #tpu.memory_space<vmem>>, %arg9: memref<128x128xf32, #tpu.memory_space<vmem>>, %arg10: memref<1x128xf32, #tpu.memory_space<vmem>>, %arg11: memref<128x128xf32, #tpu.memory_space<vmem>>, %arg12: memref<128x128xf32, #tpu.memory_space<vmem>>, %arg13: memref<1x128xf32, #tpu.memory_space<vmem>>, %arg14: memref<1x128xf32, #tpu.memory_space<vmem>>, %arg15: memref<1x128xf32, #tpu.memory_space<vmem>>, %arg16: memref<256x128xf32, #tpu.memory_space<vmem>>) attributes {dimension_semantics = [#tpu.dimension_semantics<arbitrary>], iteration_bounds = array<i64: 40>, scalar_prefetch = 0 : i64, scratch_operands = 0 : i64, tpu.core_type = #tpu.core_type<tc>, window_params = [{transform_indices = @transform_0, window_bounds = array<i64: 256, 128>}, {transform_indices = @transform_1, window_bounds = array<i64: 2, 256, 128>}, {transform_indices = @transform_2, window_bounds = array<i64: 2, 256, 128>}, {pipeline_mode = #tpu.pipeline_mode<synchronous>, transform_indices = @transform_3, window_bounds = array<i64: 128, 128>}, {pipeline_mode = #tpu.pipeline_mode<synchronous>, transform_indices = @transform_4, window_bounds = array<i64: 1, 128>}, {pipeline_mode = #tpu.pipeline_mode<synchronous>, transform_indices = @transform_5, window_bounds = array<i64: 128, 128>}, {pipeline_mode = #tpu.pipeline_mode<synchronous>, transform_indices = @transform_6, window_bounds = array<i64: 128, 128>}, {pipeline_mode = #tpu.pipeline_mode<synchronous>, transform_indices = @transform_7, window_bounds = array<i64: 1, 128>}, {pipeline_mode = #tpu.pipeline_mode<synchronous>, transform_indices = @transform_8, window_bounds = array<i64: 128, 128>}, {pipeline_mode = #tpu.pipeline_mode<synchronous>, transform_indices = @transform_9, window_bounds = array<i64: 1, 128>}, {pipeline_mode = #tpu.pipeline_mode<synchronous>, transform_indices = @transform_10, window_bounds = array<i64: 128, 128>}, {pipeline_mode = #tpu.pipeline_mode<synchronous>, transform_indices = @transform_11, window_bounds = array<i64: 128, 128>}, {pipeline_mode = #tpu.pipeline_mode<synchronous>, transform_indices = @transform_12, window_bounds = array<i64: 1, 128>}, {pipeline_mode = #tpu.pipeline_mode<synchronous>, transform_indices = @transform_13, window_bounds = array<i64: 1, 128>}, {pipeline_mode = #tpu.pipeline_mode<synchronous>, transform_indices = @transform_14, window_bounds = array<i64: 1, 128>}, {transform_indices = @transform_15, window_bounds = array<i64: 256, 128>}]} {
    %get3A = arith.constant 0 : index
    %get3A_0 = arith.constant 0 : index
    %get3A_1 = arith.constant 0 : index
    %get3A_2 = vector.load %arg2[%get3A, %get3A_0, %get3A_1] : memref<2x256x128xf32, #tpu.memory_space<vmem>>, vector<1x256x128xf32>
    %get3A_3 = vector.shape_cast %get3A_2 : vector<1x256x128xf32> to vector<256x128xf32>
    %get3A_4 = arith.constant 1 : index
    %get3A_5 = arith.constant 0 : index
    %get3A_6 = arith.constant 0 : index
    %get3A_7 = vector.load %arg2[%get3A_4, %get3A_5, %get3A_6] : memref<2x256x128xf32, #tpu.memory_space<vmem>>, vector<1x256x128xf32>
    %get3A_8 = vector.shape_cast %get3A_7 : vector<1x256x128xf32> to vector<256x128xf32>
    %add3A = arith.addf %get3A_3, %get3A_8 : vector<256x128xf32>
    %get3A_9 = arith.constant 0 : index
    %get3A_10 = arith.constant 0 : index
    %get3A_11 = arith.constant 0 : index
    %get3A_12 = vector.load %arg3[%get3A_9, %get3A_10, %get3A_11] : memref<2x256x128xf32, #tpu.memory_space<vmem>>, vector<1x256x1xf32>
    %get3A_13 = vector.shape_cast %get3A_12 : vector<1x256x1xf32> to vector<256x1xf32>
    %get3A_14 = arith.constant 1 : index
    %get3A_15 = arith.constant 0 : index
    %get3A_16 = arith.constant 0 : index
    %get3A_17 = vector.load %arg3[%get3A_14, %get3A_15, %get3A_16] : memref<2x256x128xf32, #tpu.memory_space<vmem>>, vector<1x256x1xf32>
    %get3A_18 = vector.shape_cast %get3A_17 : vector<1x256x1xf32> to vector<256x1xf32>
    %add3A_19 = arith.addf %get3A_13, %get3A_18 : vector<256x1xf32>
    %get3A_20 = arith.constant 0 : index
    %get3A_21 = arith.constant 0 : index
    %get3A_22 = vector.load %arg4[%get3A_20, %get3A_21] : memref<128x128xf32, #tpu.memory_space<vmem>>, vector<128x128xf32>
    %dot_general3A = arith.constant dense<0.000000e+00> : vector<256x128xf32>
    %dot_general3A_23 = tpu.matmul %add3A, %get3A_22, %dot_general3A {dimension_numbers = #tpu.dot_dimension_numbers<[1], [0], [0], [1], [0, 0, 1, 1], [], []>, precision = #tpu.contract_precision<fp32>, transpose_lhs_hint = false} : vector<256x128xf32>, vector<128x128xf32>, vector<256x128xf32> -> vector<256x128xf32>
    %get3A_24 = arith.constant 0 : index
    %get3A_25 = arith.constant 0 : index
    %get3A_26 = vector.load %arg5[%get3A_24, %get3A_25] : memref<1x128xf32, #tpu.memory_space<vmem>>, vector<1x128xf32>
    %mul3A = vector.broadcast %add3A_19 : vector<256x1xf32> to vector<256x128xf32>
    %mul3A_27 = vector.broadcast %get3A_26 : vector<1x128xf32> to vector<256x128xf32>
    %mul3A_28 = arith.mulf %mul3A, %mul3A_27 : vector<256x128xf32>
    %add3A_29 = arith.addf %dot_general3A_23, %mul3A_28 : vector<256x128xf32>
    %get3A_30 = arith.constant 0 : index
    %get3A_31 = arith.constant 0 : index
    %get3A_32 = vector.load %arg1[%get3A_30, %get3A_31] : memref<256x128xf32, #tpu.memory_space<vmem>>, vector<256x128xf32>
    %get3A_33 = arith.constant 0 : index
    %get3A_34 = arith.constant 0 : index
    %get3A_35 = vector.load %arg6[%get3A_33, %get3A_34] : memref<128x128xf32, #tpu.memory_space<vmem>>, vector<128x128xf32>
    %dot_general3A_36 = arith.constant dense<0.000000e+00> : vector<256x128xf32>
    %dot_general3A_37 = tpu.matmul %get3A_32, %get3A_35, %dot_general3A_36 {dimension_numbers = #tpu.dot_dimension_numbers<[1], [0], [0], [1], [0, 0, 1, 1], [], []>, precision = #tpu.contract_precision<fp32>, transpose_lhs_hint = false} : vector<256x128xf32>, vector<128x128xf32>, vector<256x128xf32> -> vector<256x128xf32>
    %get3A_38 = arith.constant 0 : index
    %get3A_39 = arith.constant 0 : index
    %get3A_40 = vector.load %arg7[%get3A_38, %get3A_39] : memref<128x128xf32, #tpu.memory_space<vmem>>, vector<128x128xf32>
    %dot_general3A_41 = arith.constant dense<0.000000e+00> : vector<256x128xf32>
    %dot_general3A_42 = tpu.matmul %add3A_29, %get3A_40, %dot_general3A_41 {dimension_numbers = #tpu.dot_dimension_numbers<[1], [0], [0], [1], [0, 0, 1, 1], [], []>, precision = #tpu.contract_precision<fp32>, transpose_lhs_hint = false} : vector<256x128xf32>, vector<128x128xf32>, vector<256x128xf32> -> vector<256x128xf32>
    %add3A_43 = arith.addf %dot_general3A_37, %dot_general3A_42 : vector<256x128xf32>
    %get3A_44 = arith.constant 0 : index
    %get3A_45 = arith.constant 0 : index
    %get3A_46 = vector.load %arg8[%get3A_44, %get3A_45] : memref<1x128xf32, #tpu.memory_space<vmem>>, vector<1x128xf32>
    %add3A_47 = vector.broadcast %get3A_46 : vector<1x128xf32> to vector<256x128xf32>
    %add3A_48 = arith.addf %add3A_43, %add3A_47 : vector<256x128xf32>
    %logistic3A = arith.negf %add3A_48 : vector<256x128xf32>
    %logistic3A_49 = math.exp %logistic3A : vector<256x128xf32>
    %logistic3A_50 = arith.constant 1.000000e+00 : f32
    %logistic3A_51 = vector.broadcast %logistic3A_50 : f32 to vector<256x128xf32>
    %logistic3A_52 = arith.addf %logistic3A_51, %logistic3A_49 : vector<256x128xf32>
    %logistic3A_53 = arith.divf %logistic3A_51, %logistic3A_52 : vector<256x128xf32>
    %mul3A_54 = arith.mulf %add3A_48, %logistic3A_53 : vector<256x128xf32>
    %get3A_55 = arith.constant 0 : index
    %get3A_56 = arith.constant 0 : index
    %get3A_57 = vector.load %arg9[%get3A_55, %get3A_56] : memref<128x128xf32, #tpu.memory_space<vmem>>, vector<128x128xf32>
    %dot_general3A_58 = arith.constant dense<0.000000e+00> : vector<256x128xf32>
    %dot_general3A_59 = tpu.matmul %mul3A_54, %get3A_57, %dot_general3A_58 {dimension_numbers = #tpu.dot_dimension_numbers<[1], [0], [0], [1], [0, 0, 1, 1], [], []>, precision = #tpu.contract_precision<fp32>, transpose_lhs_hint = false} : vector<256x128xf32>, vector<128x128xf32>, vector<256x128xf32> -> vector<256x128xf32>
    %get3A_60 = arith.constant 0 : index
    %get3A_61 = arith.constant 0 : index
    %get3A_62 = vector.load %arg10[%get3A_60, %get3A_61] : memref<1x128xf32, #tpu.memory_space<vmem>>, vector<1x128xf32>
    %add3A_63 = vector.broadcast %get3A_62 : vector<1x128xf32> to vector<256x128xf32>
    %add3A_64 = arith.addf %dot_general3A_59, %add3A_63 : vector<256x128xf32>
    %get3A_65 = arith.constant 0 : index
    %get3A_66 = arith.constant 0 : index
    %get3A_67 = vector.load %arg11[%get3A_65, %get3A_66] : memref<128x128xf32, #tpu.memory_space<vmem>>, vector<128x128xf32>
    %dot_general3A_68 = arith.constant dense<0.000000e+00> : vector<256x128xf32>
    %dot_general3A_69 = tpu.matmul %get3A_32, %get3A_67, %dot_general3A_68 {dimension_numbers = #tpu.dot_dimension_numbers<[1], [0], [0], [1], [0, 0, 1, 1], [], []>, precision = #tpu.contract_precision<fp32>, transpose_lhs_hint = false} : vector<256x128xf32>, vector<128x128xf32>, vector<256x128xf32> -> vector<256x128xf32>
    %add3A_70 = arith.addf %add3A_64, %dot_general3A_69 : vector<256x128xf32>
    %get3A_71 = arith.constant 0 : index
    %get3A_72 = arith.constant 0 : index
    %get3A_73 = vector.load %arg12[%get3A_71, %get3A_72] : memref<128x128xf32, #tpu.memory_space<vmem>>, vector<128x128xf32>
    %dot_general3A_74 = arith.constant dense<0.000000e+00> : vector<256x128xf32>
    %dot_general3A_75 = tpu.matmul %add3A_29, %get3A_73, %dot_general3A_74 {dimension_numbers = #tpu.dot_dimension_numbers<[1], [0], [0], [1], [0, 0, 1, 1], [], []>, precision = #tpu.contract_precision<fp32>, transpose_lhs_hint = false} : vector<256x128xf32>, vector<128x128xf32>, vector<256x128xf32> -> vector<256x128xf32>
    %add3A_76 = arith.addf %add3A_70, %dot_general3A_75 : vector<256x128xf32>
    %get3A_77 = arith.constant 0 : index
    %get3A_78 = arith.constant 0 : index
    %get3A_79 = vector.load %arg13[%get3A_77, %get3A_78] : memref<1x128xf32, #tpu.memory_space<vmem>>, vector<1x128xf32>
    %add3A_80 = vector.broadcast %get3A_79 : vector<1x128xf32> to vector<256x128xf32>
    %add3A_81 = arith.addf %add3A_76, %add3A_80 : vector<256x128xf32>
    %reduce_sum3A = arith.constant dense<0.000000e+00> : vector<256xf32>
    %reduce_sum3A_82 = vector.multi_reduction <add>, %add3A_81, %reduce_sum3A [1] : vector<256x128xf32> to vector<256xf32>
    %broadcast_in_dim3A = vector.shape_cast %reduce_sum3A_82 : vector<256xf32> to vector<256x1xf32>
    %div3A = arith.constant 1.280000e+02 : f32
    %div3A_83 = vector.broadcast %div3A : f32 to vector<256x1xf32>
    %div3A_84 = arith.divf %broadcast_in_dim3A, %div3A_83 : vector<256x1xf32>
    %sub3A = vector.broadcast %div3A_84 : vector<256x1xf32> to vector<256x128xf32>
    %sub3A_85 = arith.subf %add3A_81, %sub3A : vector<256x128xf32>
    %integer_pow3A = arith.mulf %sub3A_85, %sub3A_85 : vector<256x128xf32>
    %reduce_sum3A_86 = arith.constant dense<0.000000e+00> : vector<256xf32>
    %reduce_sum3A_87 = vector.multi_reduction <add>, %integer_pow3A, %reduce_sum3A_86 [1] : vector<256x128xf32> to vector<256xf32>
    %broadcast_in_dim3A_88 = vector.shape_cast %reduce_sum3A_87 : vector<256xf32> to vector<256x1xf32>
    %div3A_89 = arith.constant 1.280000e+02 : f32
    %div3A_90 = vector.broadcast %div3A_89 : f32 to vector<256x1xf32>
    %div3A_91 = arith.divf %broadcast_in_dim3A_88, %div3A_90 : vector<256x1xf32>
    %sub3A_92 = vector.broadcast %div3A_84 : vector<256x1xf32> to vector<256x128xf32>
    %sub3A_93 = arith.subf %add3A_81, %sub3A_92 : vector<256x128xf32>
    %add3A_94 = arith.constant 9.99999974E-6 : f32
    %add3A_95 = vector.broadcast %add3A_94 : f32 to vector<256x1xf32>
    %add3A_96 = arith.addf %div3A_91, %add3A_95 : vector<256x1xf32>
    %rsqrt3A = math.rsqrt %add3A_96 : vector<256x1xf32>
    %mul3A_97 = vector.broadcast %rsqrt3A : vector<256x1xf32> to vector<256x128xf32>
    %mul3A_98 = arith.mulf %sub3A_93, %mul3A_97 : vector<256x128xf32>
    %get3A_99 = arith.constant 0 : index
    %get3A_100 = arith.constant 0 : index
    %get3A_101 = vector.load %arg14[%get3A_99, %get3A_100] : memref<1x128xf32, #tpu.memory_space<vmem>>, vector<1x128xf32>
    %mul3A_102 = vector.broadcast %get3A_101 : vector<1x128xf32> to vector<256x128xf32>
    %mul3A_103 = arith.mulf %mul3A_98, %mul3A_102 : vector<256x128xf32>
    %get3A_104 = arith.constant 0 : index
    %get3A_105 = arith.constant 0 : index
    %get3A_106 = vector.load %arg15[%get3A_104, %get3A_105] : memref<1x128xf32, #tpu.memory_space<vmem>>, vector<1x128xf32>
    %add3A_107 = vector.broadcast %get3A_106 : vector<1x128xf32> to vector<256x128xf32>
    %add3A_108 = arith.addf %mul3A_103, %add3A_107 : vector<256x128xf32>
    %swap3A = arith.constant 0 : index
    %swap3A_109 = arith.constant 0 : index
    %swap3A_110 = vector.load %arg16[%swap3A, %swap3A_109] : memref<256x128xf32, #tpu.memory_space<vmem>>, vector<256x128xf32>
    tpu.vector_store %arg16[%swap3A, %swap3A_109], %add3A_108 {strides = array<i32>} : memref<256x128xf32, #tpu.memory_space<vmem>>, vector<256x128xf32>,
    return
  }
  func.func @transform_0(%arg0: i32) -> (i32, i32) {
    %c0_i32 = arith.constant 0 : i32
    %c0_i32_0 = arith.constant 0 : i32
    return %arg0, %c0_i32 : i32, i32
  }
  func.func @transform_1(%arg0: i32) -> (i32, i32, i32) {
    %c0_i32 = arith.constant 0 : i32
    %c0_i32_0 = arith.constant 0 : i32
    %c0_i32_1 = arith.constant 0 : i32
    return %c0_i32, %arg0, %c0_i32_0 : i32, i32, i32
  }
  func.func @transform_2(%arg0: i32) -> (i32, i32, i32) {
    %c0_i32 = arith.constant 0 : i32
    %c0_i32_0 = arith.constant 0 : i32
    %c0_i32_1 = arith.constant 0 : i32
    return %c0_i32, %arg0, %c0_i32_0 : i32, i32, i32
  }
  func.func @transform_3(%arg0: i32) -> (i32, i32) {
    %c0_i32 = arith.constant 0 : i32
    %c0_i32_0 = arith.constant 0 : i32
    %c0_i32_1 = arith.constant 0 : i32
    return %c0_i32, %c0_i32_0 : i32, i32
  }
  func.func @transform_4(%arg0: i32) -> (i32, i32) {
    %c0_i32 = arith.constant 0 : i32
    %c0_i32_0 = arith.constant 0 : i32
    %c0_i32_1 = arith.constant 0 : i32
    return %c0_i32, %c0_i32_0 : i32, i32
  }
  func.func @transform_5(%arg0: i32) -> (i32, i32) {
    %c0_i32 = arith.constant 0 : i32
    %c0_i32_0 = arith.constant 0 : i32
    %c0_i32_1 = arith.constant 0 : i32
    return %c0_i32, %c0_i32_0 : i32, i32
  }
  func.func @transform_6(%arg0: i32) -> (i32, i32) {
    %c0_i32 = arith.constant 0 : i32
    %c0_i32_0 = arith.constant 0 : i32
    %c0_i32_1 = arith.constant 0 : i32
    return %c0_i32, %c0_i32_0 : i32, i32
  }
  func.func @transform_7(%arg0: i32) -> (i32, i32) {
    %c0_i32 = arith.constant 0 : i32
    %c0_i32_0 = arith.constant 0 : i32
    %c0_i32_1 = arith.constant 0 : i32
    return %c0_i32, %c0_i32_0 : i32, i32
  }
  func.func @transform_8(%arg0: i32) -> (i32, i32) {
    %c0_i32 = arith.constant 0 : i32
    %c0_i32_0 = arith.constant 0 : i32
    %c0_i32_1 = arith.constant 0 : i32
    return %c0_i32, %c0_i32_0 : i32, i32
  }
  func.func @transform_9(%arg0: i32) -> (i32, i32) {
    %c0_i32 = arith.constant 0 : i32
    %c0_i32_0 = arith.constant 0 : i32
    %c0_i32_1 = arith.constant 0 : i32
    return %c0_i32, %c0_i32_0 : i32, i32
  }
  func.func @transform_10(%arg0: i32) -> (i32, i32) {
    %c0_i32 = arith.constant 0 : i32
    %c0_i32_0 = arith.constant 0 : i32
    %c0_i32_1 = arith.constant 0 : i32
    return %c0_i32, %c0_i32_0 : i32, i32
  }
  func.func @transform_11(%arg0: i32) -> (i32, i32) {
    %c0_i32 = arith.constant 0 : i32
    %c0_i32_0 = arith.constant 0 : i32
    %c0_i32_1 = arith.constant 0 : i32
    return %c0_i32, %c0_i32_0 : i32, i32
  }
  func.func @transform_12(%arg0: i32) -> (i32, i32) {
    %c0_i32 = arith.constant 0 : i32
    %c0_i32_0 = arith.constant 0 : i32
    %c0_i32_1 = arith.constant 0 : i32
    return %c0_i32, %c0_i32_0 : i32, i32
  }
  func.func @transform_13(%arg0: i32) -> (i32, i32) {
    %c0_i32 = arith.constant 0 : i32
    %c0_i32_0 = arith.constant 0 : i32
    %c0_i32_1 = arith.constant 0 : i32
    return %c0_i32, %c0_i32_0 : i32, i32
  }
  func.func @transform_14(%arg0: i32) -> (i32, i32) {
    %c0_i32 = arith.constant 0 : i32
    %c0_i32_0 = arith.constant 0 : i32
    %c0_i32_1 = arith.constant 0 : i32
    return %c0_i32, %c0_i32_0 : i32, i32
  }
  func.func @transform_15(%arg0: i32) -> (i32, i32) {
    %c0_i32 = arith.constant 0 : i32
    %c0_i32_0 = arith.constant 0 : i32
    return %arg0, %c0_i32 : i32, i32
  }
}

module attributes {stable_mosaic.version = 14 : i64} {
  func.func @_out_body(%arg0: i32, %arg1: memref<256x128xf32, #tpu.memory_space<vmem>>, %arg2: memref<128x128xf32, #tpu.memory_space<vmem>>, %arg3: memref<1x128xf32, #tpu.memory_space<vmem>>, %arg4: memref<128x128xf32, #tpu.memory_space<vmem>>, %arg5: memref<1x128xf32, #tpu.memory_space<vmem>>, %arg6: memref<256x128xf32, #tpu.memory_space<vmem>>) attributes {dimension_semantics = [#tpu.dimension_semantics<arbitrary>], iteration_bounds = array<i64: 40>, scalar_prefetch = 0 : i64, scratch_operands = 0 : i64, tpu.core_type = #tpu.core_type<tc>, window_params = [{transform_indices = @transform_0, window_bounds = array<i64: 256, 128>}, {pipeline_mode = #tpu.pipeline_mode<synchronous>, transform_indices = @transform_1, window_bounds = array<i64: 128, 128>}, {pipeline_mode = #tpu.pipeline_mode<synchronous>, transform_indices = @transform_2, window_bounds = array<i64: 1, 128>}, {pipeline_mode = #tpu.pipeline_mode<synchronous>, transform_indices = @transform_3, window_bounds = array<i64: 128, 128>}, {pipeline_mode = #tpu.pipeline_mode<synchronous>, transform_indices = @transform_4, window_bounds = array<i64: 1, 128>}, {transform_indices = @transform_5, window_bounds = array<i64: 256, 128>}]} {
    %get3A = arith.constant 0 : index
    %get3A_0 = arith.constant 0 : index
    %get3A_1 = vector.load %arg1[%get3A, %get3A_0] : memref<256x128xf32, #tpu.memory_space<vmem>>, vector<256x128xf32>
    %get3A_2 = arith.constant 0 : index
    %get3A_3 = arith.constant 0 : index
    %get3A_4 = vector.load %arg2[%get3A_2, %get3A_3] : memref<128x128xf32, #tpu.memory_space<vmem>>, vector<128x128xf32>
    %dot_general3A = arith.constant dense<0.000000e+00> : vector<256x128xf32>
    %dot_general3A_5 = tpu.matmul %get3A_1, %get3A_4, %dot_general3A {dimension_numbers = #tpu.dot_dimension_numbers<[1], [0], [0], [1], [0, 0, 1, 1], [], []>, precision = #tpu.contract_precision<fp32>, transpose_lhs_hint = false} : vector<256x128xf32>, vector<128x128xf32>, vector<256x128xf32> -> vector<256x128xf32>
    %get3A_6 = arith.constant 0 : index
    %get3A_7 = arith.constant 0 : index
    %get3A_8 = vector.load %arg3[%get3A_6, %get3A_7] : memref<1x128xf32, #tpu.memory_space<vmem>>, vector<1x128xf32>
    %add3A = vector.broadcast %get3A_8 : vector<1x128xf32> to vector<256x128xf32>
    %add3A_9 = arith.addf %dot_general3A_5, %add3A : vector<256x128xf32>
    %logistic3A = arith.negf %add3A_9 : vector<256x128xf32>
    %logistic3A_10 = math.exp %logistic3A : vector<256x128xf32>
    %logistic3A_11 = arith.constant 1.000000e+00 : f32
    %logistic3A_12 = vector.broadcast %logistic3A_11 : f32 to vector<256x128xf32>
    %logistic3A_13 = arith.addf %logistic3A_12, %logistic3A_10 : vector<256x128xf32>
    %logistic3A_14 = arith.divf %logistic3A_12, %logistic3A_13 : vector<256x128xf32>
    %mul3A = arith.mulf %add3A_9, %logistic3A_14 : vector<256x128xf32>
    %get3A_15 = arith.constant 0 : index
    %get3A_16 = arith.constant 0 : index
    %get3A_17 = vector.load %arg4[%get3A_15, %get3A_16] : memref<128x128xf32, #tpu.memory_space<vmem>>, vector<128x128xf32>
    %dot_general3A_18 = arith.constant dense<0.000000e+00> : vector<256x128xf32>
    %dot_general3A_19 = tpu.matmul %mul3A, %get3A_17, %dot_general3A_18 {dimension_numbers = #tpu.dot_dimension_numbers<[1], [0], [0], [1], [0, 0, 1, 1], [], []>, precision = #tpu.contract_precision<fp32>, transpose_lhs_hint = false} : vector<256x128xf32>, vector<128x128xf32>, vector<256x128xf32> -> vector<256x128xf32>
    %get3A_20 = arith.constant 0 : index
    %get3A_21 = arith.constant 0 : index
    %get3A_22 = vector.load %arg5[%get3A_20, %get3A_21] : memref<1x128xf32, #tpu.memory_space<vmem>>, vector<1x128xf32>
    %add3A_23 = vector.broadcast %get3A_22 : vector<1x128xf32> to vector<256x128xf32>
    %add3A_24 = arith.addf %dot_general3A_19, %add3A_23 : vector<256x128xf32>
    %swap3A = arith.constant 0 : index
    %swap3A_25 = arith.constant 0 : index
    %swap3A_26 = vector.load %arg6[%swap3A, %swap3A_25] : memref<256x128xf32, #tpu.memory_space<vmem>>, vector<256x128xf32>
    tpu.vector_store %arg6[%swap3A, %swap3A_25], %add3A_24 {strides = array<i32>} : memref<256x128xf32, #tpu.memory_space<vmem>>, vector<256x128xf32>,
    return
  }
  func.func @transform_0(%arg0: i32) -> (i32, i32) {
    %c0_i32 = arith.constant 0 : i32
    %c0_i32_0 = arith.constant 0 : i32
    return %arg0, %c0_i32 : i32, i32
  }
  func.func @transform_1(%arg0: i32) -> (i32, i32) {
    %c0_i32 = arith.constant 0 : i32
    %c0_i32_0 = arith.constant 0 : i32
    %c0_i32_1 = arith.constant 0 : i32
    return %c0_i32, %c0_i32_0 : i32, i32
  }
  func.func @transform_2(%arg0: i32) -> (i32, i32) {
    %c0_i32 = arith.constant 0 : i32
    %c0_i32_0 = arith.constant 0 : i32
    %c0_i32_1 = arith.constant 0 : i32
    return %c0_i32, %c0_i32_0 : i32, i32
  }
  func.func @transform_3(%arg0: i32) -> (i32, i32) {
    %c0_i32 = arith.constant 0 : i32
    %c0_i32_0 = arith.constant 0 : i32
    %c0_i32_1 = arith.constant 0 : i32
    return %c0_i32, %c0_i32_0 : i32, i32
  }
  func.func @transform_4(%arg0: i32) -> (i32, i32) {
    %c0_i32 = arith.constant 0 : i32
    %c0_i32_0 = arith.constant 0 : i32
    %c0_i32_1 = arith.constant 0 : i32
    return %c0_i32, %c0_i32_0 : i32, i32
  }
  func.func @transform_5(%arg0: i32) -> (i32, i32) {
    %c0_i32 = arith.constant 0 : i32
    %c0_i32_0 = arith.constant 0 : i32
    return %arg0, %c0_i32 : i32, i32
  }
}

</mosaic_0001>

<sc_bundles>
// kernel: kernel.15.cloned.1.call-start
scs
__scs_entry_jumppad:
0x0: {  	(pc) =	sbr.rel $0x88, $3  }
0x1: {  	(tag) =	ssettag $0x0;
	lr =	simm.s32 $0x1  }
0x2: {  	[smem:$0x3F79] =	sst lr;
	_ =	strace $0xD0000000  }
0x3: {  	_ = 	snop  }
0x4: {  	_ = 	snop  }
0x5: {  	_ = 	snop  }
0x6: {  	_ = 	snop  }
0x7: {  	_ = 	snop  }
__scs_overlays_trampoline_lowered:
0x8: {  	[smem:$0x3F88] =	sst s0  }
0x9: {  	[smem:$0x3F89] =	sst s1  }
0xa: {  	[smem:$0x3F8A] =	sst s2  }
0xb: {  	[smem:$0x3F8B] =	sst s3  }
0xc: {  	[smem:$0x3F8C] =	sst s4  }
0xd: {  	[smem:$0x3F8D] =	sst s5  }
0xe: {  	[smem:$0x3F8E] =	sst s6  }
0xf: {  	[smem:$0x3F8F] =	sst s7  }
0x10: {  	[smem:$0x3F90] =	sst s8  }
0x11: {  	[smem:$0x3F91] =	sst s9;
	s0 =	simm.s32 @!p0 $0x0  }
0x12: {  	s1 =	sld [smem:$0x3F77];
	s0 =	simm.s32 @p0 $0x1  }
0x13: {  	[smem:$0x3F92] =	sst s0;
	s0 =	simm.s32 @!p1 $0x0  }
0x14: {  	s2 =	sld [smem:$0x3F76];
	s0 =	simm.s32 @p1 $0x1  }
0x15: {  	[smem:$0x3F93] =	sst s0;
	s0 =	simm.s32 @!p2 $0x0  }
0x16: {  	s3 =	sld [smem:$0x3FDB];
	s0 =	simm.s32 @p2 $0x1  }
0x17: {  	s4 =	simm.s32 $0x1BF5;
	[smem:$0x3F95] =	sst s0  }
0x18: {  	s0 =	sld [smem:$0x3F78];
	_ =	swait.ge [sflag:s4], $0x0  }
0x19: {  	s7 =	sld [smem:$0x3F79]  }
0x1a: {  	s8 =	sadd.s32 $0xFFFFE003, lr  }
0x1b: {  	s9 =	sadd.s32 $0xFFFFFEF7, lr;
	s5 =	simm.s32 $0xFFFFFFFF;
	p2 =	slt.u32 s8, $0xFFFFF086  }
0x1c: {  	p1 =	slt.u32 s9, $0xF7A;
	s5 =	simm.s32 @!p2 $0x0  }
0x1d: {  	s5 =	simm.s32 @p1 $0x1;
	p0 =	seq.s32 s7, s2  }
0x1e: {  	s7 =	smul.u32 @!p0 $0xF7A, s2;
	p2 =	seq.s32 @!p0 s5, $0x0  }
0x1f: {  	s9 =	smul.u32 $0xF7A, s1;
	s8 =	simm.s32 @!p0 $0x1BF5;
	p2 =	por !p2, p0  }
0x20: {  	[sflag:s8] =	ssyncset.s32 @!p0 $0xFFFFF086;
	s6 =	sadd.s32 @!p0 s3, s7;
	s7 =	simm.s32 @!p0 $0x108  }
0x21: {  	s3 =	sadd.s32 s3, s9;
	s6 =	sadd.s32 @!p0 $0x88, s6;
	s7 =	simm.s32 @p2 $0x1082  }
0x22: {  	[simem:s7], [sflag:s8] =	dma.local @!p0 [hbm:s6], $0xF7A  }
0x23: {  	s9 =	sor.u32 $0xD0000000, s2;
	s6 =	simm.s32 $0x108;
	_ =	swait.ge @!p0 [sflag:s8], $0x0  }
0x24: {  	s3 =	sadd.s32 $0x88, s3;
	s6 =	simm.s32 @!p1 $0x1082;
	[sflag:s4] =	ssyncset.s32 $0xFFFFF086  }
0x25: {  	[simem:s6], [sflag:s4] =	dma.local [hbm:s3], $0xF7A  }
0x26: {  	[smem:$0x3F79] =	sst s1;
	(tag) =	ssettag s2;
	_ =	strace s9  }
0x27: {  	s1 =	sld [smem:$0x3F89]  }
0x28: {  	s2 =	sld [smem:$0x3F8A]  }
0x29: {  	s4 =	sld [smem:$0x3F8C]  }
0x2a: {  	p0 =	seq.s32 s5, $0x0;
	s5 =	sld [smem:$0x3F8D]  }
0x2b: {  	s6 =	sld [smem:$0x3F8E]  }
0x2c: {  	s7 =	sld [smem:$0x3F8F]  }
0x2d: {  	s3 =	simm.s32 $0x108;
	s8 =	sld [smem:$0x3F90]  }
0x2e: {  	s3 =	simm.s32 @!p0 $0x1082;
	s9 =	sld [smem:$0x3F91]  }
0x2f: {  	lr =	sadd.s32 s0, s3;
	s0 =	sld [smem:$0x3F88]  }
0x30: {  	s3 =	sld [smem:$0x3F8B]  }
0x31: {  	[smem:$0x3F94] =	sst s10  }
0x32: {  	s10 =	sld [smem:$0x3F92];
	_ =	sdelay $0x3  }
0x33: {  	p0 =	seq.s32 s10, $0x1;
	s10 =	sld [smem:$0x3F94];
	_ =	sdelay $0x3  }
0x34: {  	[smem:$0x3F94] =	sst s10  }
0x35: {  	s10 =	sld [smem:$0x3F93];
	_ =	sdelay $0x3  }
0x36: {  	p1 =	seq.s32 s10, $0x1;
	s10 =	sld [smem:$0x3F94];
	_ =	sdelay $0x3  }
0x37: {  	[smem:$0x3F94] =	sst s10  }
0x38: {  	s10 =	sld [smem:$0x3F95]  }
0x39: {  	_ = 	snop;
	(pc) =	sbr.ind lr, $3  }
0x3a: {  	_ = 	snop  }
0x3b: {  	_ = 	snop  }
0x3c: {  	p2 =	seq.s32 s10, $0x1;
	s10 =	sld [smem:$0x3F94]  }
0x3d: {  	_ =	shalt  }
0x3e: {  	_ =	shalt  }
0x3f: {  	_ =	shalt  }
0x40: {  	_ =	shalt  }
0x41: {  	_ =	shalt  }
0x42: {  	_ =	shalt  }
0x43: {  	_ =	shalt  }
0x44: {  	_ =	shalt  }
0x45: {  	_ =	shalt  }
0x46: {  	_ =	shalt  }
0x47: {  	_ =	shalt  }
0x48: {  	_ =	shalt  }
0x49: {  	_ =	shalt  }
0x4a: {  	_ =	shalt  }
0x4b: {  	_ =	shalt  }
0x4c: {  	_ =	shalt  }
0x4d: {  	_ =	shalt  }
0x4e: {  	_ =	shalt  }
0x4f: {  	_ =	shalt  }
0x50: {  	_ =	shalt  }
0x51: {  	_ =	shalt  }
0x52: {  	_ =	shalt  }
0x53: {  	_ =	shalt  }
0x54: {  	_ =	shalt  }
0x55: {  	_ =	shalt  }
0x56: {  	_ =	shalt  }
0x57: {  	_ =	shalt  }
0x58: {  	_ =	shalt  }
0x59: {  	_ =	shalt  }
0x5a: {  	_ =	shalt  }
0x5b: {  	_ =	shalt  }
0x5c: {  	_ =	shalt  }
0x5d: {  	_ =	shalt  }
0x5e: {  	_ =	shalt  }
0x5f: {  	_ =	shalt  }
0x60: {  	_ =	shalt  }
0x61: {  	_ =	shalt  }
0x62: {  	_ =	shalt  }
0x63: {  	_ =	shalt  }
0x64: {  	_ =	shalt  }
0x65: {  	_ =	shalt  }
0x66: {  	_ =	shalt  }
0x67: {  	_ =	shalt  }
0x68: {  	_ =	shalt  }
0x69: {  	_ =	shalt  }
0x6a: {  	_ =	shalt  }
0x6b: {  	_ =	shalt  }
0x6c: {  	_ =	shalt  }
0x6d: {  	_ =	shalt  }
0x6e: {  	_ =	shalt  }
0x6f: {  	_ =	shalt  }
0x70: {  	_ =	shalt  }
0x71: {  	_ =	shalt  }
0x72: {  	_ =	shalt  }
0x73: {  	_ =	shalt  }
0x74: {  	_ =	shalt  }
0x75: {  	_ =	shalt  }
0x76: {  	_ =	shalt  }
0x77: {  	_ =	shalt  }
0x78: {  	_ =	shalt  }
0x79: {  	_ =	shalt  }
0x7a: {  	_ =	shalt  }
0x7b: {  	_ =	shalt  }
0x7c: {  	_ =	shalt  }
0x7d: {  	_ =	shalt  }
0x7e: {  	_ =	shalt  }
0x7f: {  	_ =	shalt  }
0x80: {  	_ =	shalt  }
0x81: {  	_ =	shalt  }
0x82: {  	_ =	shalt  }
0x83: {  	_ =	shalt  }
0x84: {  	_ =	shalt  }
0x85: {  	_ =	shalt  }
0x86: {  	_ =	shalt  }
0x87: {  	_ =	shalt  }
.Lfunc_end0:
.L_simem_size_0:
called_computation_lowered:
.L_overlay_start_0:
0x88: {  	s2 =	sld [smem:$0x3FD9]  }
0x89: {  	s3 =	sld [smem:$0x3FFE];
	_ =	sdelay $0x1  }
0x8a: {  	s1 =	srdreg.scid  }
0x8b: {  	s0 =	sand.u32 $0x1, s1  }
0x8c: {  	s17 =	sshll.u32 s0, $0xA;
	s2 =	sadd.s32 s3, s2  }
0x8d: {  	s2 =	sadd.s32 s2, s17  }
0x8e: {  	[smem:$0x3FA0] =	sst s2  }
0x8f: {  	_ = 	snop  }
0x90: {  	s2 =	sld [smem:$0x3FD0];
	(tm) =	ssettm $0x1  }
0x91: {  	s18 =	sld [smem:$0x3FFB];
	_ =	sdelay $0x3  }
0x92: {  	_ =	strace s18  }
0x93: {  	s3 =	sld [smem:$0x3FFC];
	_ =	sdelay $0x3  }
0x94: {  	_ =	strace s3  }
0x95: {  	s3 =	sld [smem:$0x3FFD];
	_ =	sdelay $0x3  }
0x96: {  	_ =	strace s3  }
0x97: {  	_ =	strace $0x8FFFFFFF  }
0x98: {  	s19 =	sld [smem:$0x3FDB];
	_ =	sdelay $0x1  }
0x99: {  	s4 =	simm.s32 $_scs_section_size  }
0x9a: {  	s5 =	simm.s32 $_size__tile_overlayer_lowered;
	s6 =	simm.s32 $_tile_overlayer_lowered  }
0x9b: {  	s22 =	simm.s32 $0x1BFF;
	s21 =	sshll.u32 s6, $0x1;
	s3 =	sadd.s32 s4, s19  }
0x9c: {  	s7 =	simm.s32 $0x0;
	s20 =	sshll.u32 s5, $0x1;
	s5 =	sadd.s32 s21, s3  }
0x9d: {  	[timem:s7], [sflag:s22] =	dma.local [hbm:s5], s20  }
0x9e: {  	_ =	swait.ge [sflag:s22], s20  }
0x9f: {  	s4 =	ssub.s32 $0x0, s20;
	[sflag:s22] =	ssyncset.done $0x0  }
0xa0: {  	[sflag:s22] =	ssyncadd.s32 s4;
	_ =	sdelay $0x1  }
0xa1: {  	s23 =	simm.s32 $0x1B8B  }
0xa2: {  	_ =	swait.ge [sflag:s23], $0x1  }
0xa3: {  	[sflag:s23] =	ssyncset.done $0x0  }
0xa4: {  	s25 =	simm.s32 $0x1B8E;
	s24 =	sld [smem:$0x3FFE];
	[sflag:s23] =	ssyncadd.s32 $0xFFFFFFFF  }
0xa5: {  	s26 =	simm.s32 $execute0_lowered;
	[smem:$0x3FD2] =	sst s25  }
0xa6: {  	s5 =	sshll.u32 s26, $0x1;
	_ =	strace $0x80000046;
	[dreg:$0x1] =	wrdreg $0xFFFFFFFF  }
0xa7: {  	s28 =	simm.s32 $_size_execute0_lowered;
	s3 =	sadd.s32 s3, s5;
	[dreg:$0x0] =	wrdreg $0x0  }
0xa8: {  	s5 =	sshll.u32 s28, $0x1;
	[dreg:$0x2] =	wrdreg s3  }
0xa9: {  	[dreg:$0x3] =	wrdreg s5  }
0xaa: {  	[dreg:$0x4] =	wrdreg $0xC0  }
0xab: {  	_ =	task [dreg:s7], $0x5FFFF  }
0xac: {  	[dreg:$0x1] =	wrdreg $0xFFFFFFFF  }
0xad: {  	[dreg:$0x0] =	wrdreg $0x60  }
0xae: {  	[dreg:$0x2] =	wrdreg s24  }
0xaf: {  	[dreg:$0x3] =	wrdreg s2  }
0xb0: {  	[dreg:$0x4] =	wrdreg $0xB9800  }
0xb1: {  	[dreg:$0x5] =	wrdreg $0x9  }
0xb2: {  	_ =	task.clear_ibuf [dreg:s7], $0x6FFFF;
	_ =	strace $0x90000046  }
0xb3: {  	s29 =	simm.s32 $0x9;
	_ =	strace $0x80000048  }
0xb4: {  	_ =	swait.ge [sflag:s29], $0x1  }
0xb5: {  	[sflag:s29] =	ssyncadd.s32 $0xFFFFFFFF  }
0xb6: {  	_ =	strace $0x90000048  }
0xb7: {  	_ =	sfence  }
0xb8: {  	s30 =	sld [smem:$0x0];
	_ =	sdelay $0x2  }
0xb9: {  	s31 =	sshll.u32 s1, $0xD;
	s1 =	sshrl.u32 s1, $0x2  }
0xba: {  	s3 =	sand.u32 $0x4000, s31;
	s1 =	sadd.s32 s1, s30  }
0xbb: {  	s0 =	sor.u32 s3, s0;
	s1 =	sshll.u32 s1, $0x11  }
0xbc: {  	s0 =	sor.u32 s1, s0  }
0xbd: {  	s0 =	sadd.s32 $0x8F2B, s0  }
0xbe: {  	[sflag:s0] =	ssyncadd.remote.s32 $0x1  }
0xbf: {  	_ =	sfence.sel $0xFFFF  }
0xc0: {  	[dreg:$0x0] =	wrdreg $0xFFFFFFFF;
	(pc) =	sbr.abs _section_cstart, $3  }
0xc1: {  	[dreg:$0x1] =	wrdreg $0xFFFFFFFF  }
0xc2: {  	_ =	task.clear_ibuf [dreg:s7], $0x2FFFF;
	_ =	strace $0x9FFFFFFF  }
0xc3: {  	(tm) =	ssettm $0x7FFFFFFF  }
tec
execute0_lowered:
.L_overlay_start_1:
0x0: {  	(tag) =	ssettag $0x1  }
0x1: {  	s8 =	rddreg [dreg:$0x0]  }
0x2: {  	s2 =	rddreg [dreg:$0x1]  }
0x3: {  	s3 =	rddreg [dreg:$0x2]  }
0x4: {  	s0 =	rddreg [dreg:$0x3]  }
0x5: {  	s1 =	stileid.u32;
	s5 =	srdreg.scid  }
0x6: {  	s4 =	simm.s32 $0x0;
	s15 =	simm.s32 $0x2800;
	s16 =	simm.s32 $0x5000  }
0x7: {  	s17 =	simm.s32 $0x7980;
	s20 =	simm.s32 $0x7800;
	s21 =	simm.s32 $0x7880  }
0x8: {  	s22 =	simm.s32 $0x7900;
	s23 =	simm.s32 $0x80;
	s9 =	smul.u32 $0xA00, s1  }
0x9: {  	s24 =	simm.s32 $0x0;
	s10 =	smul.u32 $0x14000, s1;
	s11 =	sand.u32 $0x1, s5  }
0xa: {  	[smem:$0x7FF] =	sst s4;
	s5 =	sadd.s32 $0x7A00, s8;
	s6 =	sadd.s32 $0x8000, s8  }
0xb: {  	s7 =	sadd.s32 $0x8600, s8;
	s30 =	smul.u32 $0x50000, s1;
	s18 =	sshll.u32 s1, $0x6  }
0xc: {  	s12 =	smul.u32 $0x140000, s11;
	_ =	strace $0x80000047;
	s31 =	ssub.s32 $0x2, s11  }
0xd: {  	s11 =	smul.u32 $0x500, s11;
	s18 =	sor.u32 $0x1C01, s18;
	s13 =	sadd.s32 s9, s8  }
0xe: {  	s14 =	sshrl.u32 s31, $0x1;
	s29 =	sadd.s32 s10, s12;
	s10 =	sshrl.u32 s10, $0x3  }
0xf: {  	s12 =	sshrl.u32 s30, $0x2;
	s14 =	ssub.s32 s31, s14;
	s13 =	sadd.s32 s11, s13  }
0x10: {  	s9 =	sshrl.u32 s29, $0x3;
	s10 =	sadd.s32 s10, s8;
	s19 =	sadd.s32 s12, s3  }
0x11: {  	s11 =	sadd.s32 $0x44C00, s13;
	s12 =	sadd.s32 $0x8C00, s13;
	s13 =	sadd.s32 $0x12C00, s13  }
0x12: {  	s9 =	sadd.s32 s9, s8;
	s8 =	sadd.s32 $0x1CC00, s10;
	s10 =	smax.u32 s14, $0x1  }
0x13: {  	s14 =	simm.s32 $0x1;
	s19 =	sshrl.u32 s19, $0x3;
	s9 =	sadd.s32 $0x4EC00, s9  }
.LBB2_1:
0x14: {  	[tilespmem:s4], [sflag:$0x1] =	stream.linear.gather [hbm4b:s5+s4], $0x2800, $0x38;
	[tilespmem:$0x1F980] =	vst v63  }
0x15: {  	_ =	swait.ge [sflag:s14], $0x2800  }
0x16: {  	[sflag:s14] =	ssyncset.done $0x0  }
0x17: {  	[sflag:s14] =	ssyncadd.s32 $0xFFFFD800  }
0x18: {  	[tilespmem:s15], [sflag:$0x1] =	stream.linear.gather [hbm4b:s6+s4], $0x2800, $0x38;
	[tilespmem:$0x1F980] =	vst v63  }
0x19: {  	_ =	swait.ge [sflag:s14], $0x2800  }
0x1a: {  	[sflag:s14] =	ssyncset.done $0x0  }
0x1b: {  	[sflag:s14] =	ssyncadd.s32 $0xFFFFD800  }
0x1c: {  	[tilespmem:s16], [sflag:$0x1] =	stream.linear.gather [hbm4b:s7+s4], $0x2800, $0x38;
	[tilespmem:$0x1F980] =	vst v63  }
0x1d: {  	_ =	swait.ge [sflag:s14], $0x2800  }
0x1e: {  	[sflag:s14] =	ssyncset.done $0x0  }
0x1f: {  	[sflag:s14] =	ssyncadd.s32 $0xFFFFD800  }
0x20: {  	[tilespmem:s17], [sflag:$0x1] =	stream.linear.gather [hbm4b:s2+s4], $0x4000, $0x38;
	[tilespmem:$0x1F980] =	vst v63  }
0x21: {  	_ =	swait.ge [sflag:s14], $0x4000  }
0x22: {  	[sflag:s14] =	ssyncset.done $0x0  }
0x23: {  	[sflag:s14] =	ssyncadd.s32 $0xFFFFC000  }
0x24: {  	[spmem:s19], [sflag:s18] =	dma.local [hbm:s8], $0x2800  }
0x25: {  	_ =	swait.ge [sflag:s14], $0x2800  }
0x26: {  	[sflag:s14] =	ssyncset.done $0x0  }
0x27: {  	[sflag:s14] =	ssyncadd.s32 $0xFFFFD800  }
0x28: {  	s25 =	sadd.s32 $0x0, s13;
	[bflag:$0x0] =	sbarrier.arrive $0xFFFF  }
0x29: {  	[tilespmem:s20], [sflag:$0x1] =	stream.linear.gather [hbm4b:s25+s4], $0x80, $0x38;
	[tilespmem:$0x1F980] =	vst v63  }
0x2a: {  	_ =	swait.ge [sflag:s14], $0x80  }
0x2b: {  	[sflag:s14] =	ssyncset.done $0x0  }
0x2c: {  	s31 =	sadd.s32 $0x0, s12;
	[sflag:s14] =	ssyncadd.s32 $0xFFFFFF80  }
0x2d: {  	[tilespmem:s21], [sflag:$0x1] =	stream.linear.gather [hbm4b:s31+s4], $0x80, $0x38;
	[tilespmem:$0x1F980] =	vst v63  }
0x2e: {  	_ =	swait.ge [sflag:s14], $0x80  }
0x2f: {  	[sflag:s14] =	ssyncset.done $0x0  }
0x30: {  	[sflag:s14] =	ssyncadd.s32 $0xFFFFFF80  }
0x31: {  	v0 =	vld [tilespmem:$0x7800];
	_ =	sdelay $0x1  }
0x32: {  	v1 =	vld [tilespmem:$0x7880];
	_ =	sdelay $0x5  }
0x33: {  	v2 =	vld.idx.msk [tilespmem:v0+s15+$0x0], $0xffff  }
0x34: {  	v3 =	vld.idx.msk [tilespmem:v0+s4+$0x0], $0xffff  }
0x35: {  	v4 =	vld.idx.msk [tilespmem:v1+s4+$0x0], $0xffff  }
0x36: {  	v5 =	vld.idx.msk [tilespmem:v1+s15+$0x0], $0xffff  }
0x37: {  	v0 =	vld.idx.msk [tilespmem:v0+s16+$0x0], $0xffff  }
0x38: {  	v1 =	vld.idx.msk [tilespmem:v1+s16+$0x0], $0xffff;
	_ =	sdelay $0x2  }
0x39: {  	v3 =	vsub.f32 v4, v3;
	v2 =	vsub.f32 v5, v2  }
0x3a: {  	v52 =	vld [tilespmem:$0x7890]  }
0x3b: {  	v0 =	vsub.f32 v1, v0;
	v1 =	vmul.f32 v3, v3;
	v2 =	vmul.f32 v2, v2  }
0x3c: {  	v3 =	vld [tilespmem:$0x7810]  }
0x3d: {  	v0 =	vmul.f32 v0, v0;
	v1 =	vadd.f32 v2, v1;
	_ =	sdelay $0x1  }
0x3e: {  	v0 =	vadd.f32 v0, v1;
	_ =	sdelay $0x1  }
0x3f: {  	[tilespmem:$0x7900] =	vst v0  }
0x40: {  	v0 =	vld.idx.msk [tilespmem:v52+s4+$0x0], $0xffff  }
0x41: {  	v2 =	vld.idx.msk [tilespmem:v52+s15+$0x0], $0xffff  }
0x42: {  	v1 =	vld.idx.msk [tilespmem:v3+s4+$0x0], $0xffff  }
0x43: {  	v53 =	vld.idx.msk [tilespmem:v3+s15+$0x0], $0xffff  }
0x44: {  	v4 =	vld.idx.msk [tilespmem:v52+s16+$0x0], $0xffff  }
0x45: {  	v3 =	vld.idx.msk [tilespmem:v3+s16+$0x0], $0xffff;
	_ =	sdelay $0x2  }
0x46: {  	v0 =	vsub.f32 v0, v1;
	v1 =	vsub.f32 v2, v53  }
0x47: {  	v2 =	vld [tilespmem:$0x7820]  }
0x48: {  	v3 =	vsub.f32 v4, v3;
	v0 =	vmul.f32 v0, v0;
	v1 =	vmul.f32 v1, v1  }
0x49: {  	v54 =	vld [tilespmem:$0x78A0]  }
0x4a: {  	v0 =	vadd.f32 v1, v0;
	v1 =	vmul.f32 v3, v3;
	_ =	sdelay $0x1  }
0x4b: {  	v0 =	vadd.f32 v1, v0;
	_ =	sdelay $0x1  }
0x4c: {  	[tilespmem:$0x7910] =	vst v0  }
0x4d: {  	v0 =	vld.idx.msk [tilespmem:v2+s15+$0x0], $0xffff  }
0x4e: {  	v1 =	vld.idx.msk [tilespmem:v2+s4+$0x0], $0xffff  }
0x4f: {  	v3 =	vld.idx.msk [tilespmem:v54+s4+$0x0], $0xffff  }
0x50: {  	v55 =	vld.idx.msk [tilespmem:v54+s15+$0x0], $0xffff  }
0x51: {  	v4 =	vld.idx.msk [tilespmem:v54+s16+$0x0], $0xffff  }
0x52: {  	v2 =	vld.idx.msk [tilespmem:v2+s16+$0x0], $0xffff;
	_ =	sdelay $0x2  }
0x53: {  	v1 =	vsub.f32 v3, v1;
	v0 =	vsub.f32 v55, v0  }
0x54: {  	v3 =	vld [tilespmem:$0x78B0]  }
0x55: {  	v56 =	vld [tilespmem:$0x7830];
	v2 =	vsub.f32 v4, v2;
	v1 =	vmul.f32 v1, v1;
	v0 =	vmul.f32 v0, v0;
	_ =	sdelay $0x1  }
0x56: {  	v0 =	vadd.f32 v0, v1;
	v1 =	vmul.f32 v2, v2;
	_ =	sdelay $0x1  }
0x57: {  	v0 =	vadd.f32 v1, v0;
	_ =	sdelay $0x1  }
0x58: {  	[tilespmem:$0x7920] =	vst v0  }
0x59: {  	v0 =	vld.idx.msk [tilespmem:v3+s4+$0x0], $0xffff  }
0x5a: {  	v1 =	vld.idx.msk [tilespmem:v56+s4+$0x0], $0xffff  }
0x5b: {  	v2 =	vld.idx.msk [tilespmem:v56+s15+$0x0], $0xffff  }
0x5c: {  	v57 =	vld.idx.msk [tilespmem:v3+s15+$0x0], $0xffff  }
0x5d: {  	v3 =	vld.idx.msk [tilespmem:v3+s16+$0x0], $0xffff  }
0x5e: {  	v4 =	vld.idx.msk [tilespmem:v56+s16+$0x0], $0xffff;
	_ =	sdelay $0x2  }
0x5f: {  	v0 =	vsub.f32 v0, v1;
	v1 =	vsub.f32 v57, v2  }
0x60: {  	v2 =	vld [tilespmem:$0x7840]  }
0x61: {  	v3 =	vsub.f32 v3, v4;
	v0 =	vmul.f32 v0, v0;
	v1 =	vmul.f32 v1, v1  }
0x62: {  	v58 =	vld [tilespmem:$0x78C0]  }
0x63: {  	v0 =	vadd.f32 v1, v0;
	v1 =	vmul.f32 v3, v3;
	_ =	sdelay $0x1  }
0x64: {  	v0 =	vadd.f32 v1, v0;
	_ =	sdelay $0x1  }
0x65: {  	[tilespmem:$0x7930] =	vst v0  }
0x66: {  	v0 =	vld.idx.msk [tilespmem:v2+s4+$0x0], $0xffff  }
0x67: {  	v1 =	vld.idx.msk [tilespmem:v2+s15+$0x0], $0xffff  }
0x68: {  	v3 =	vld.idx.msk [tilespmem:v58+s4+$0x0], $0xffff  }
0x69: {  	v59 =	vld.idx.msk [tilespmem:v58+s15+$0x0], $0xffff  }
0x6a: {  	v4 =	vld.idx.msk [tilespmem:v58+s16+$0x0], $0xffff  }
0x6b: {  	v2 =	vld.idx.msk [tilespmem:v2+s16+$0x0], $0xffff;
	_ =	sdelay $0x2  }
0x6c: {  	v0 =	vsub.f32 v3, v0;
	v1 =	vsub.f32 v59, v1  }
0x6d: {  	v3 =	vld [tilespmem:$0x7850]  }
0x6e: {  	v2 =	vsub.f32 v4, v2;
	v0 =	vmul.f32 v0, v0;
	v1 =	vmul.f32 v1, v1  }
0x6f: {  	v60 =	vld [tilespmem:$0x78D0]  }
0x70: {  	v0 =	vadd.f32 v1, v0;
	v1 =	vmul.f32 v2, v2;
	_ =	sdelay $0x1  }
0x71: {  	v0 =	vadd.f32 v1, v0;
	_ =	sdelay $0x1  }
0x72: {  	[tilespmem:$0x7940] =	vst v0  }
0x73: {  	v0 =	vld.idx.msk [tilespmem:v3+s4+$0x0], $0xffff  }
0x74: {  	v1 =	vld.idx.msk [tilespmem:v3+s15+$0x0], $0xffff  }
0x75: {  	v2 =	vld.idx.msk [tilespmem:v60+s15+$0x0], $0xffff  }
0x76: {  	v61 =	vld.idx.msk [tilespmem:v60+s4+$0x0], $0xffff  }
0x77: {  	v4 =	vld.idx.msk [tilespmem:v60+s16+$0x0], $0xffff  }
0x78: {  	v3 =	vld.idx.msk [tilespmem:v3+s16+$0x0], $0xffff;
	_ =	sdelay $0x2  }
0x79: {  	v1 =	vsub.f32 v2, v1;
	v0 =	vsub.f32 v61, v0  }
0x7a: {  	v2 =	vld [tilespmem:$0x7860]  }
0x7b: {  	v62 =	vld [tilespmem:$0x78E0];
	v3 =	vsub.f32 v4, v3;
	v1 =	vmul.f32 v1, v1;
	v0 =	vmul.f32 v0, v0;
	_ =	sdelay $0x1  }
0x7c: {  	v0 =	vadd.f32 v1, v0;
	v1 =	vmul.f32 v3, v3;
	_ =	sdelay $0x1  }
0x7d: {  	v0 =	vadd.f32 v1, v0;
	_ =	sdelay $0x1  }
0x7e: {  	[tilespmem:$0x7950] =	vst v0  }
0x7f: {  	v0 =	vld.idx.msk [tilespmem:v2+s4+$0x0], $0xffff  }
0x80: {  	v1 =	vld.idx.msk [tilespmem:v62+s15+$0x0], $0xffff  }
0x81: {  	v3 =	vld.idx.msk [tilespmem:v62+s4+$0x0], $0xffff  }
0x82: {  	v63 =	vld.idx.msk [tilespmem:v2+s15+$0x0], $0xffff  }
0x83: {  	v4 =	vld.idx.msk [tilespmem:v62+s16+$0x0], $0xffff  }
0x84: {  	v2 =	vld.idx.msk [tilespmem:v2+s16+$0x0], $0xffff;
	_ =	sdelay $0x2  }
0x85: {  	v0 =	vsub.f32 v3, v0;
	v1 =	vsub.f32 v1, v63;
	_ =	sdelay $0x1  }
0x86: {  	v2 =	vsub.f32 v4, v2;
	v0 =	vmul.f32 v0, v0;
	v1 =	vmul.f32 v1, v1;
	_ =	sdelay $0x1  }
0x87: {  	v0 =	vadd.f32 v1, v0;
	v1 =	vmul.f32 v2, v2;
	_ =	sdelay $0x1  }
0x88: {  	v2 =	vadd.f32 v1, v0;
	v0 =	vld [tilespmem:$0x78F0]  }
0x89: {  	v1 =	vld [tilespmem:$0x7870];
	_ =	sdelay $0x5  }
0x8a: {  	s26 =	simm.s32 $0x10;
	s25 =	simm.s32 $0x0;
	[tilespmem:$0x7960] =	vst v2  }
.LBB2_2:
0x8b: {  	p0 =	sne.s32 s26, $0x4F0;
	v2 =	vld.idx.msk [tilespmem:v0+s16+$0x0], $0xffff;
	s28 =	smov.u32 s26;
	s26 =	sadd.s32 $0x10, s26  }
0x8c: {  	v3 =	vld.idx.msk [tilespmem:v1+s16+$0x0], $0xffff  }
0x8d: {  	v4 =	vld.idx.msk [tilespmem:v0+s4+$0x0], $0xffff  }
0x8e: {  	v5 =	vld.idx.msk [tilespmem:v1+s15+$0x0], $0xffff  }
0x8f: {  	v1 =	vld.idx.msk [tilespmem:v1+s4+$0x0], $0xffff  }
0x90: {  	v0 =	vld.idx.msk [tilespmem:v0+s15+$0x0], $0xffff;
	_ =	sdelay $0x4  }
0x91: {  	v2 =	vsub.f32 v2, v3;
	v1 =	vsub.f32 v4, v1  }
0x92: {  	v0 =	vsub.f32 v0, v5  }
0x93: {  	v2 =	vmul.f32 v2, v2;
	v1 =	vmul.f32 v1, v1  }
0x94: {  	v0 =	vmul.f32 v0, v0;
	_ =	sdelay $0x1  }
0x95: {  	v0 =	vadd.f32 v0, v1;
	_ =	sdelay $0x1  }
0x96: {  	v0 =	vadd.f32 v2, v0  }
0x97: {  	s29 =	sadd.s32 s25, s11;
	s25 =	smov.u32 s28  }
0x98: {  	[tilespmem:$0x7970] =	vst v0  }
0x99: {  	[hbm4b:s29+s4] =	stream.linear.scatter [tilespmem:s22], [sflag:$0x1], $0x80, $0x38;
	[tilespmem:$0x1F980] =	vst v63  }
0x9a: {  	_ =	swait.ge [sflag:s14], $0x80  }
0x9b: {  	[sflag:s14] =	ssyncset.done $0x0  }
0x9c: {  	[sflag:s14] =	ssyncadd.s32 $0xFFFFFF80  }
0x9d: {  	[spmem:s3] =	stream.indirect.scatter.add.f32 [tilespmem:s17], [sflag:$0x1], $0x80, s21, s23, $0xb8;
	[tilespmem:$0x1F980] =	vst v63  }
0x9e: {  	_ =	swait.ge [sflag:s14], $0x4000  }
0x9f: {  	s28 =	sadd.s32 s25, s13;
	[sflag:s14] =	ssyncset.done $0x0  }
0xa0: {  	[sflag:s14] =	ssyncadd.s32 $0xFFFFC000  }
0xa1: {  	[tilespmem:s20], [sflag:$0x1] =	stream.linear.gather [hbm4b:s28+s4], $0x80, $0x38;
	[tilespmem:$0x1F980] =	vst v63  }
0xa2: {  	_ =	swait.ge [sflag:s14], $0x80  }
0xa3: {  	[sflag:s14] =	ssyncset.done $0x0  }
0xa4: {  	s28 =	sadd.s32 s25, s12;
	[sflag:s14] =	ssyncadd.s32 $0xFFFFFF80  }
0xa5: {  	[tilespmem:s21], [sflag:$0x1] =	stream.linear.gather [hbm4b:s28+s4], $0x80, $0x38;
	[tilespmem:$0x1F980] =	vst v63  }
0xa6: {  	_ =	swait.ge [sflag:s14], $0x80  }
0xa7: {  	[sflag:s14] =	ssyncset.done $0x0  }
0xa8: {  	[sflag:s14] =	ssyncadd.s32 $0xFFFFFF80  }
0xa9: {  	v0 =	vld [tilespmem:$0x7800];
	_ =	sdelay $0x1  }
0xaa: {  	v1 =	vld [tilespmem:$0x7880];
	_ =	sdelay $0x5  }
0xab: {  	v2 =	vld.idx.msk [tilespmem:v0+s15+$0x0], $0xffff  }
0xac: {  	v3 =	vld.idx.msk [tilespmem:v0+s4+$0x0], $0xffff  }
0xad: {  	v4 =	vld.idx.msk [tilespmem:v1+s4+$0x0], $0xffff  }
0xae: {  	v5 =	vld.idx.msk [tilespmem:v1+s15+$0x0], $0xffff  }
0xaf: {  	v0 =	vld.idx.msk [tilespmem:v0+s16+$0x0], $0xffff  }
0xb0: {  	v1 =	vld.idx.msk [tilespmem:v1+s16+$0x0], $0xffff;
	_ =	sdelay $0x2  }
0xb1: {  	v3 =	vsub.f32 v4, v3  }
0xb2: {  	v2 =	vsub.f32 v5, v2  }
0xb3: {  	v4 =	vld [tilespmem:$0x7890]  }
0xb4: {  	v0 =	vsub.f32 v1, v0;
	v1 =	vmul.f32 v3, v3;
	v2 =	vmul.f32 v2, v2;
	v3 =	vld [tilespmem:$0x7810];
	_ =	sdelay $0x1  }
0xb5: {  	v1 =	vadd.f32 v2, v1;
	v0 =	vmul.f32 v0, v0;
	_ =	sdelay $0x1  }
0xb6: {  	v0 =	vadd.f32 v0, v1;
	_ =	sdelay $0x1  }
0xb7: {  	[tilespmem:$0x7900] =	vst v0  }
0xb8: {  	v0 =	vld.idx.msk [tilespmem:v4+s4+$0x0], $0xffff  }
0xb9: {  	v1 =	vld.idx.msk [tilespmem:v3+s4+$0x0], $0xffff  }
0xba: {  	v2 =	vld.idx.msk [tilespmem:v4+s15+$0x0], $0xffff  }
0xbb: {  	v5 =	vld.idx.msk [tilespmem:v3+s15+$0x0], $0xffff  }
0xbc: {  	v4 =	vld.idx.msk [tilespmem:v4+s16+$0x0], $0xffff  }
0xbd: {  	v3 =	vld.idx.msk [tilespmem:v3+s16+$0x0], $0xffff;
	_ =	sdelay $0x2  }
0xbe: {  	v0 =	vsub.f32 v0, v1  }
0xbf: {  	v1 =	vsub.f32 v2, v5  }
0xc0: {  	v0 =	vmul.f32 v0, v0;
	v2 =	vld [tilespmem:$0x7820]  }
0xc1: {  	v3 =	vsub.f32 v4, v3;
	v1 =	vmul.f32 v1, v1  }
0xc2: {  	v4 =	vld [tilespmem:$0x78A0]  }
0xc3: {  	v0 =	vadd.f32 v1, v0;
	v1 =	vmul.f32 v3, v3;
	_ =	sdelay $0x1  }
0xc4: {  	v0 =	vadd.f32 v1, v0;
	_ =	sdelay $0x1  }
0xc5: {  	[tilespmem:$0x7910] =	vst v0  }
0xc6: {  	v0 =	vld.idx.msk [tilespmem:v2+s15+$0x0], $0xffff  }
0xc7: {  	v1 =	vld.idx.msk [tilespmem:v2+s4+$0x0], $0xffff  }
0xc8: {  	v3 =	vld.idx.msk [tilespmem:v4+s4+$0x0], $0xffff  }
0xc9: {  	v5 =	vld.idx.msk [tilespmem:v4+s15+$0x0], $0xffff  }
0xca: {  	v4 =	vld.idx.msk [tilespmem:v4+s16+$0x0], $0xffff  }
0xcb: {  	v2 =	vld.idx.msk [tilespmem:v2+s16+$0x0], $0xffff;
	_ =	sdelay $0x2  }
0xcc: {  	v1 =	vsub.f32 v3, v1  }
0xcd: {  	v0 =	vsub.f32 v5, v0  }
0xce: {  	v3 =	vld [tilespmem:$0x78B0]  }
0xcf: {  	v1 =	vmul.f32 v1, v1;
	v2 =	vsub.f32 v4, v2;
	v0 =	vmul.f32 v0, v0;
	v4 =	vld [tilespmem:$0x7830];
	_ =	sdelay $0x1  }
0xd0: {  	v0 =	vadd.f32 v0, v1;
	v1 =	vmul.f32 v2, v2;
	_ =	sdelay $0x1  }
0xd1: {  	v0 =	vadd.f32 v1, v0;
	_ =	sdelay $0x1  }
0xd2: {  	[tilespmem:$0x7920] =	vst v0  }
0xd3: {  	v0 =	vld.idx.msk [tilespmem:v3+s4+$0x0], $0xffff  }
0xd4: {  	v1 =	vld.idx.msk [tilespmem:v4+s4+$0x0], $0xffff  }
0xd5: {  	v2 =	vld.idx.msk [tilespmem:v4+s15+$0x0], $0xffff  }
0xd6: {  	v5 =	vld.idx.msk [tilespmem:v3+s15+$0x0], $0xffff  }
0xd7: {  	v3 =	vld.idx.msk [tilespmem:v3+s16+$0x0], $0xffff  }
0xd8: {  	v4 =	vld.idx.msk [tilespmem:v4+s16+$0x0], $0xffff;
	_ =	sdelay $0x1  }
0xd9: {  	v0 =	vsub.f32 v0, v1;
	_ =	sdelay $0x1  }
0xda: {  	v1 =	vsub.f32 v5, v2;
	v0 =	vmul.f32 v0, v0  }
0xdb: {  	v2 =	vld [tilespmem:$0x7840]  }
0xdc: {  	v3 =	vsub.f32 v3, v4;
	v1 =	vmul.f32 v1, v1  }
0xdd: {  	v4 =	vld [tilespmem:$0x78C0]  }
0xde: {  	v0 =	vadd.f32 v1, v0;
	v1 =	vmul.f32 v3, v3;
	_ =	sdelay $0x1  }
0xdf: {  	v0 =	vadd.f32 v1, v0;
	_ =	sdelay $0x1  }
0xe0: {  	[tilespmem:$0x7930] =	vst v0  }
0xe1: {  	v0 =	vld.idx.msk [tilespmem:v2+s4+$0x0], $0xffff  }
0xe2: {  	v1 =	vld.idx.msk [tilespmem:v2+s15+$0x0], $0xffff  }
0xe3: {  	v3 =	vld.idx.msk [tilespmem:v4+s4+$0x0], $0xffff  }
0xe4: {  	v5 =	vld.idx.msk [tilespmem:v4+s15+$0x0], $0xffff  }
0xe5: {  	v4 =	vld.idx.msk [tilespmem:v4+s16+$0x0], $0xffff  }
0xe6: {  	v2 =	vld.idx.msk [tilespmem:v2+s16+$0x0], $0xffff;
	_ =	sdelay $0x2  }
0xe7: {  	v0 =	vsub.f32 v3, v0  }
0xe8: {  	v1 =	vsub.f32 v5, v1  }
0xe9: {  	v3 =	vld [tilespmem:$0x7850]  }
0xea: {  	v0 =	vmul.f32 v0, v0;
	v2 =	vsub.f32 v4, v2;
	v1 =	vmul.f32 v1, v1  }
0xeb: {  	v4 =	vld [tilespmem:$0x78D0]  }
0xec: {  	v0 =	vadd.f32 v1, v0;
	v1 =	vmul.f32 v2, v2;
	_ =	sdelay $0x1  }
0xed: {  	v0 =	vadd.f32 v1, v0;
	_ =	sdelay $0x1  }
0xee: {  	[tilespmem:$0x7940] =	vst v0  }
0xef: {  	v0 =	vld.idx.msk [tilespmem:v3+s4+$0x0], $0xffff  }
0xf0: {  	v1 =	vld.idx.msk [tilespmem:v3+s15+$0x0], $0xffff  }
0xf1: {  	v2 =	vld.idx.msk [tilespmem:v4+s15+$0x0], $0xffff  }
0xf2: {  	v5 =	vld.idx.msk [tilespmem:v4+s4+$0x0], $0xffff  }
0xf3: {  	v4 =	vld.idx.msk [tilespmem:v4+s16+$0x0], $0xffff  }
0xf4: {  	v3 =	vld.idx.msk [tilespmem:v3+s16+$0x0], $0xffff;
	_ =	sdelay $0x2  }
0xf5: {  	v1 =	vsub.f32 v2, v1  }
0xf6: {  	v0 =	vsub.f32 v5, v0  }
0xf7: {  	v1 =	vmul.f32 v1, v1;
	v2 =	vld [tilespmem:$0x7860]  }
0xf8: {  	v3 =	vsub.f32 v4, v3;
	v0 =	vmul.f32 v0, v0;
	v4 =	vld [tilespmem:$0x78E0];
	_ =	sdelay $0x1  }
0xf9: {  	v0 =	vadd.f32 v1, v0;
	v1 =	vmul.f32 v3, v3;
	_ =	sdelay $0x1  }
0xfa: {  	v0 =	vadd.f32 v1, v0;
	_ =	sdelay $0x1  }
0xfb: {  	[tilespmem:$0x7950] =	vst v0  }
0xfc: {  	v0 =	vld.idx.msk [tilespmem:v2+s4+$0x0], $0xffff  }
0xfd: {  	v1 =	vld.idx.msk [tilespmem:v4+s15+$0x0], $0xffff  }
0xfe: {  	v3 =	vld.idx.msk [tilespmem:v4+s4+$0x0], $0xffff  }
0xff: {  	v5 =	vld.idx.msk [tilespmem:v2+s15+$0x0], $0xffff  }
0x100: {  	v4 =	vld.idx.msk [tilespmem:v4+s16+$0x0], $0xffff  }
0x101: {  	v2 =	vld.idx.msk [tilespmem:v2+s16+$0x0], $0xffff;
	_ =	sdelay $0x2  }
0x102: {  	v3 =	vsub.f32 v3, v0  }
0x103: {  	v1 =	vsub.f32 v1, v5  }
0x104: {  	v0 =	vld [tilespmem:$0x78F0]  }
0x105: {  	v3 =	vmul.f32 v3, v3;
	v2 =	vsub.f32 v4, v2;
	v4 =	vmul.f32 v1, v1;
	v1 =	vld [tilespmem:$0x7870];
	_ =	sdelay $0x1  }
.Ltmp0:
0x106: {  	v3 =	vadd.f32 v4, v3;
	v2 =	vmul.f32 v2, v2;
	(pc) =	sbr.rel @p0 .LBB2_2-.Ltmp0, $3  }
0x107: {  	_ = 	snop  }
0x108: {  	v2 =	vadd.f32 v2, v3;
	_ =	sdelay $0x1  }
0x109: {  	[tilespmem:$0x7960] =	vst v2  }
0x10a: {  	_ =	sdelay $0x3  }
0x10b: {  	v2 =	vld.idx.msk [tilespmem:v0+s4+$0x0], $0xffff  }
0x10c: {  	v3 =	vld.idx.msk [tilespmem:v1+s15+$0x0], $0xffff  }
0x10d: {  	v4 =	vld.idx.msk [tilespmem:v1+s4+$0x0], $0xffff  }
0x10e: {  	v5 =	vld.idx.msk [tilespmem:v0+s15+$0x0], $0xffff  }
0x10f: {  	v60 =	vld.idx.msk [tilespmem:v0+s16+$0x0], $0xffff  }
0x110: {  	v61 =	vld.idx.msk [tilespmem:v1+s16+$0x0], $0xffff;
	_ =	sdelay $0x2  }
0x111: {  	v2 =	vsub.f32 v2, v4;
	v3 =	vsub.f32 v5, v3;
	_ =	sdelay $0x1  }
0x112: {  	v0 =	vsub.f32 v60, v61;
	v62 =	vmul.f32 v2, v2;
	v63 =	vmul.f32 v3, v3;
	_ =	sdelay $0x1  }
0x113: {  	v0 =	vmul.f32 v0, v0;
	v1 =	vadd.f32 v63, v62;
	_ =	sdelay $0x1  }
0x114: {  	v0 =	vadd.f32 v0, v1;
	_ =	sdelay $0x1  }
0x115: {  	s25 =	sadd.s32 s25, s11;
	[tilespmem:$0x7970] =	vst v0  }
0x116: {  	[hbm4b:s25+s4] =	stream.linear.scatter [tilespmem:s22], [sflag:$0x1], $0x80, $0x38;
	[tilespmem:$0x1F980] =	vst v63  }
0x117: {  	_ =	swait.ge [sflag:s14], $0x80  }
0x118: {  	[sflag:s14] =	ssyncset.done $0x0  }
0x119: {  	[sflag:s14] =	ssyncadd.s32 $0xFFFFFF80  }
0x11a: {  	[spmem:s3] =	stream.indirect.scatter.add.f32 [tilespmem:s17], [sflag:$0x1], $0x80, s21, s23, $0xb8;
	[tilespmem:$0x1F980] =	vst v63  }
0x11b: {  	_ =	swait.ge [sflag:s14], $0x4000  }
0x11c: {  	s24 =	sadd.s32 $0x1, s24;
	[sflag:s14] =	ssyncset.done $0x0  }
0x11d: {  	p0 =	sne.s32 s24, s10;
	[sflag:s14] =	ssyncadd.s32 $0xFFFFC000  }
.Ltmp1:
0x11e: {  	[bflag:$0x0] =	sbarrier.arrive $0xFFFF;
	(pc) =	sbr.rel @p0 .LBB2_1-.Ltmp1, $4  }
0x11f: {  	[hbm:s9], [sflag:s18] =	dma.local [spmem:s19], $0x2800  }
0x120: {  	_ =	swait.ge [sflag:s14], $0x2800  }
0x121: {  	[sflag:s14] =	ssyncset.done $0x0  }
0x122: {  	[sflag:s14] =	ssyncadd.s32 $0xFFFFD800  }
0x123: {  	_ =	sfence.sel $0x180000  }
0x124: {  	[bflag:$0x0] =	sbarrier.arrive $0xFFFF  }
0x125: {  	p0 =	sne.s32 s1, $0x0;
	_ =	strace $0x90000047  }
0x126: {  	s0 =	sadd.s32 @!p0 $0x100000, s0;
	[bflag:$0x2] =	sbarrier.arrive $0xFFFF  }
0x127: {  	[sflag:s0] =	ssyncadd.tile.s32 @!p0 $0x1;
	_ =	shalt  }
.Lfunc_end2:
_tile_overlayer_lowered:
.L_overlay_start_2:
0x128: {  	(tag) =	ssettag $0x2  }
0x129: {  	s0 =	rddreg [dreg:$0x0];
	s2 =	stileid.u32  }
0x12a: {  	s1 =	rddreg [dreg:$0x1];
	p0 =	sne.s32 s2, $0x0  }
0x12b: {  	s3 =	rddreg [dreg:$0x2];
	[bflag:$0x3] =	sbarrier.arrive $0xFFFF;
	s2 =	simm.s32 @!p0 $0x1C01  }
0x12c: {  	[timem:s3], [sflag:s2] =	dma.local @!p0 [hbm:s0], s1  }
0x12d: {  	s0 =	simm.s32 @!p0 $0x1  }
0x12e: {  	_ =	swait.ge @!p0 [sflag:s0], s1  }
0x12f: {  	s1 =	ssub.s32 @!p0 $0x0, s1;
	[sflag:s0] =	ssyncset.done @!p0 $0x0  }
0x130: {  	[sflag:s0] =	ssyncadd.s32 @!p0 s1  }
0x131: {  	[bflag:$0x3] =	sbarrier.arrive $0xFFFF  }
0x132: {  	_ =	shalt  }

// kernel: kernel.18.cloned.1.call-start
scs
__scs_entry_jumppad:
0x0: {  	(pc) =	sbr.rel $0x88, $3  }
0x1: {  	(tag) =	ssettag $0x0;
	lr =	simm.s32 $0x1  }
0x2: {  	[smem:$0x3F79] =	sst lr;
	_ =	strace $0xD0000000  }
0x3: {  	_ = 	snop  }
0x4: {  	_ = 	snop  }
0x5: {  	_ = 	snop  }
0x6: {  	_ = 	snop  }
0x7: {  	_ = 	snop  }
__scs_overlays_trampoline_lowered:
0x8: {  	[smem:$0x3F88] =	sst s0  }
0x9: {  	[smem:$0x3F89] =	sst s1  }
0xa: {  	[smem:$0x3F8A] =	sst s2  }
0xb: {  	[smem:$0x3F8B] =	sst s3  }
0xc: {  	[smem:$0x3F8C] =	sst s4  }
0xd: {  	[smem:$0x3F8D] =	sst s5  }
0xe: {  	[smem:$0x3F8E] =	sst s6  }
0xf: {  	[smem:$0x3F8F] =	sst s7  }
0x10: {  	[smem:$0x3F90] =	sst s8  }
0x11: {  	[smem:$0x3F91] =	sst s9;
	s0 =	simm.s32 @!p0 $0x0  }
0x12: {  	s1 =	sld [smem:$0x3F77];
	s0 =	simm.s32 @p0 $0x1  }
0x13: {  	[smem:$0x3F92] =	sst s0;
	s0 =	simm.s32 @!p1 $0x0  }
0x14: {  	s2 =	sld [smem:$0x3F76];
	s0 =	simm.s32 @p1 $0x1  }
0x15: {  	[smem:$0x3F93] =	sst s0;
	s0 =	simm.s32 @!p2 $0x0  }
0x16: {  	s3 =	sld [smem:$0x3FDB];
	s0 =	simm.s32 @p2 $0x1  }
0x17: {  	s4 =	simm.s32 $0x1BF5;
	[smem:$0x3F95] =	sst s0  }
0x18: {  	s0 =	sld [smem:$0x3F78];
	_ =	swait.ge [sflag:s4], $0x0  }
0x19: {  	s7 =	sld [smem:$0x3F79]  }
0x1a: {  	s8 =	sadd.s32 $0xFFFFE003, lr  }
0x1b: {  	s9 =	sadd.s32 $0xFFFFFEF7, lr;
	s5 =	simm.s32 $0xFFFFFFFF;
	p2 =	slt.u32 s8, $0xFFFFF086  }
0x1c: {  	p1 =	slt.u32 s9, $0xF7A;
	s5 =	simm.s32 @!p2 $0x0  }
0x1d: {  	s5 =	simm.s32 @p1 $0x1;
	p0 =	seq.s32 s7, s2  }
0x1e: {  	s7 =	smul.u32 @!p0 $0xF7A, s2;
	p2 =	seq.s32 @!p0 s5, $0x0  }
0x1f: {  	s9 =	smul.u32 $0xF7A, s1;
	s8 =	simm.s32 @!p0 $0x1BF5;
	p2 =	por !p2, p0  }
0x20: {  	[sflag:s8] =	ssyncset.s32 @!p0 $0xFFFFF086;
	s6 =	sadd.s32 @!p0 s3, s7;
	s7 =	simm.s32 @!p0 $0x108  }
0x21: {  	s3 =	sadd.s32 s3, s9;
	s6 =	sadd.s32 @!p0 $0x88, s6;
	s7 =	simm.s32 @p2 $0x1082  }
0x22: {  	[simem:s7], [sflag:s8] =	dma.local @!p0 [hbm:s6], $0xF7A  }
0x23: {  	s9 =	sor.u32 $0xD0000000, s2;
	s6 =	simm.s32 $0x108;
	_ =	swait.ge @!p0 [sflag:s8], $0x0  }
0x24: {  	s3 =	sadd.s32 $0x88, s3;
	s6 =	simm.s32 @!p1 $0x1082;
	[sflag:s4] =	ssyncset.s32 $0xFFFFF086  }
0x25: {  	[simem:s6], [sflag:s4] =	dma.local [hbm:s3], $0xF7A  }
0x26: {  	[smem:$0x3F79] =	sst s1;
	(tag) =	ssettag s2;
	_ =	strace s9  }
0x27: {  	s1 =	sld [smem:$0x3F89]  }
0x28: {  	s2 =	sld [smem:$0x3F8A]  }
0x29: {  	s4 =	sld [smem:$0x3F8C]  }
0x2a: {  	p0 =	seq.s32 s5, $0x0;
	s5 =	sld [smem:$0x3F8D]  }
0x2b: {  	s6 =	sld [smem:$0x3F8E]  }
0x2c: {  	s7 =	sld [smem:$0x3F8F]  }
0x2d: {  	s3 =	simm.s32 $0x108;
	s8 =	sld [smem:$0x3F90]  }
0x2e: {  	s3 =	simm.s32 @!p0 $0x1082;
	s9 =	sld [smem:$0x3F91]  }
0x2f: {  	lr =	sadd.s32 s0, s3;
	s0 =	sld [smem:$0x3F88]  }
0x30: {  	s3 =	sld [smem:$0x3F8B]  }
0x31: {  	[smem:$0x3F94] =	sst s10  }
0x32: {  	s10 =	sld [smem:$0x3F92];
	_ =	sdelay $0x3  }
0x33: {  	p0 =	seq.s32 s10, $0x1;
	s10 =	sld [smem:$0x3F94];
	_ =	sdelay $0x3  }
0x34: {  	[smem:$0x3F94] =	sst s10  }
0x35: {  	s10 =	sld [smem:$0x3F93];
	_ =	sdelay $0x3  }
0x36: {  	p1 =	seq.s32 s10, $0x1;
	s10 =	sld [smem:$0x3F94];
	_ =	sdelay $0x3  }
0x37: {  	[smem:$0x3F94] =	sst s10  }
0x38: {  	s10 =	sld [smem:$0x3F95]  }
0x39: {  	_ = 	snop;
	(pc) =	sbr.ind lr, $3  }
0x3a: {  	_ = 	snop  }
0x3b: {  	_ = 	snop  }
0x3c: {  	p2 =	seq.s32 s10, $0x1;
	s10 =	sld [smem:$0x3F94]  }
0x3d: {  	_ =	shalt  }
0x3e: {  	_ =	shalt  }
0x3f: {  	_ =	shalt  }
0x40: {  	_ =	shalt  }
0x41: {  	_ =	shalt  }
0x42: {  	_ =	shalt  }
0x43: {  	_ =	shalt  }
0x44: {  	_ =	shalt  }
0x45: {  	_ =	shalt  }
0x46: {  	_ =	shalt  }
0x47: {  	_ =	shalt  }
0x48: {  	_ =	shalt  }
0x49: {  	_ =	shalt  }
0x4a: {  	_ =	shalt  }
0x4b: {  	_ =	shalt  }
0x4c: {  	_ =	shalt  }
0x4d: {  	_ =	shalt  }
0x4e: {  	_ =	shalt  }
0x4f: {  	_ =	shalt  }
0x50: {  	_ =	shalt  }
0x51: {  	_ =	shalt  }
0x52: {  	_ =	shalt  }
0x53: {  	_ =	shalt  }
0x54: {  	_ =	shalt  }
0x55: {  	_ =	shalt  }
0x56: {  	_ =	shalt  }
0x57: {  	_ =	shalt  }
0x58: {  	_ =	shalt  }
0x59: {  	_ =	shalt  }
0x5a: {  	_ =	shalt  }
0x5b: {  	_ =	shalt  }
0x5c: {  	_ =	shalt  }
0x5d: {  	_ =	shalt  }
0x5e: {  	_ =	shalt  }
0x5f: {  	_ =	shalt  }
0x60: {  	_ =	shalt  }
0x61: {  	_ =	shalt  }
0x62: {  	_ =	shalt  }
0x63: {  	_ =	shalt  }
0x64: {  	_ =	shalt  }
0x65: {  	_ =	shalt  }
0x66: {  	_ =	shalt  }
0x67: {  	_ =	shalt  }
0x68: {  	_ =	shalt  }
0x69: {  	_ =	shalt  }
0x6a: {  	_ =	shalt  }
0x6b: {  	_ =	shalt  }
0x6c: {  	_ =	shalt  }
0x6d: {  	_ =	shalt  }
0x6e: {  	_ =	shalt  }
0x6f: {  	_ =	shalt  }
0x70: {  	_ =	shalt  }
0x71: {  	_ =	shalt  }
0x72: {  	_ =	shalt  }
0x73: {  	_ =	shalt  }
0x74: {  	_ =	shalt  }
0x75: {  	_ =	shalt  }
0x76: {  	_ =	shalt  }
0x77: {  	_ =	shalt  }
0x78: {  	_ =	shalt  }
0x79: {  	_ =	shalt  }
0x7a: {  	_ =	shalt  }
0x7b: {  	_ =	shalt  }
0x7c: {  	_ =	shalt  }
0x7d: {  	_ =	shalt  }
0x7e: {  	_ =	shalt  }
0x7f: {  	_ =	shalt  }
0x80: {  	_ =	shalt  }
0x81: {  	_ =	shalt  }
0x82: {  	_ =	shalt  }
0x83: {  	_ =	shalt  }
0x84: {  	_ =	shalt  }
0x85: {  	_ =	shalt  }
0x86: {  	_ =	shalt  }
0x87: {  	_ =	shalt  }
.Lfunc_end0:
.L_simem_size_0:
called_computation.1_lowered:
.L_overlay_start_0:
0x88: {  	s2 =	sld [smem:$0x3FD9]  }
0x89: {  	s3 =	sld [smem:$0x3FFE];
	_ =	sdelay $0x1  }
0x8a: {  	s1 =	srdreg.scid  }
0x8b: {  	s0 =	sand.u32 $0x1, s1  }
0x8c: {  	s17 =	sshll.u32 s0, $0xA;
	s2 =	sadd.s32 s3, s2  }
0x8d: {  	s2 =	sadd.s32 s2, s17  }
0x8e: {  	[smem:$0x3FA0] =	sst s2  }
0x8f: {  	_ = 	snop  }
0x90: {  	(tm) =	ssettm $0x1  }
0x91: {  	s18 =	sld [smem:$0x3FFB];
	_ =	sdelay $0x3  }
0x92: {  	_ =	strace s18  }
0x93: {  	s2 =	sld [smem:$0x3FFC];
	_ =	sdelay $0x3  }
0x94: {  	_ =	strace s2  }
0x95: {  	s2 =	sld [smem:$0x3FFD];
	_ =	sdelay $0x3  }
0x96: {  	_ =	strace s2  }
0x97: {  	_ =	strace $0x8FFFFFFF  }
0x98: {  	s19 =	sld [smem:$0x3FDB];
	_ =	sdelay $0x1  }
0x99: {  	s20 =	simm.s32 $_scs_section_size  }
0x9a: {  	s4 =	simm.s32 $_size__tile_overlayer_lowered;
	s5 =	simm.s32 $_tile_overlayer_lowered  }
0x9b: {  	s6 =	simm.s32 $0x1BFF;
	s21 =	sshll.u32 s5, $0x1;
	s3 =	sadd.s32 s20, s19  }
0x9c: {  	s22 =	simm.s32 $0x0;
	s4 =	sshll.u32 s4, $0x1;
	s5 =	sadd.s32 s21, s3  }
0x9d: {  	[timem:s22], [sflag:s6] =	dma.local [hbm:s5], s4  }
0x9e: {  	_ =	swait.ge [sflag:s6], s4  }
0x9f: {  	s4 =	ssub.s32 $0x0, s4;
	[sflag:s6] =	ssyncset.done $0x0  }
0xa0: {  	[sflag:s6] =	ssyncadd.s32 s4;
	_ =	sdelay $0x1  }
0xa1: {  	s23 =	simm.s32 $0x1B8B  }
0xa2: {  	_ =	swait.ge [sflag:s23], $0x1  }
0xa3: {  	[sflag:s23] =	ssyncset.done $0x0  }
0xa4: {  	[sflag:s23] =	ssyncadd.s32 $0xFFFFFFFF  }
0xa5: {  	s4 =	sld [smem:$0x0]  }
0xa6: {  	s5 =	sand.u32 $0xFFFFFFFE, s1  }
0xa7: {  	p0 =	sne.s32 s1, s5  }
0xa8: {  	s5 =	sshll.u32 @p0 s5, $0xE  }
0xa9: {  	s5 =	sadd.s32 @p0 $0x11B8D, s5;
	s6 =	sshll.u32 @p0 s4, $0x11  }
0xaa: {  	s5 =	sor.u32 @p0 s6, s5  }
0xab: {  	[sflag:s5] =	ssyncadd.remote.s32 @p0 $0x1;
	_ =	sdelay $0x1  }
0xac: {  	s5 =	simm.s32 @p0 $0x1B8D  }
0xad: {  	_ =	swait.eq @p0 [sflag:s5], $0x1  }
0xae: {  	[sflag:s5] =	ssyncadd.s32 @p0 $0xFFFFFFFF  }
0xaf: {  	s6 =	sshll.u32 @!p0 s1, $0xE  }
0xb0: {  	s6 =	sor.u32 @!p0 $0x4000, s6;
	s5 =	simm.s32 @!p0 $0x1B8D  }
0xb1: {  	s4 =	sshll.u32 @!p0 s4, $0x11;
	s6 =	sadd.s32 @!p0 $0x11B8D, s6;
	_ =	swait.eq @!p0 [sflag:s5], $0x1  }
0xb2: {  	s4 =	sor.u32 @!p0 s4, s6;
	[sflag:s5] =	ssyncadd.s32 @!p0 $0xFFFFFFFF  }
0xb3: {  	s25 =	simm.s32 $0x1B8E;
	s24 =	sld [smem:$0x3FFE];
	[sflag:s4] =	ssyncadd.remote.s32 @!p0 $0x1  }
0xb4: {  	s26 =	simm.s32 $execute0_lowered;
	[smem:$0x3FD2] =	sst s25  }
0xb5: {  	s5 =	sshll.u32 s26, $0x1;
	_ =	strace $0x80000049;
	[dreg:$0x1] =	wrdreg $0xFFFFFFFF  }
0xb6: {  	s28 =	simm.s32 $_size_execute0_lowered;
	s3 =	sadd.s32 s3, s5;
	[dreg:$0x0] =	wrdreg $0x0  }
0xb7: {  	s5 =	sshll.u32 s28, $0x1;
	[dreg:$0x2] =	wrdreg s3  }
0xb8: {  	[dreg:$0x3] =	wrdreg s5  }
0xb9: {  	[dreg:$0x4] =	wrdreg $0xC0  }
0xba: {  	_ =	task [dreg:s22], $0x5FFFF  }
0xbb: {  	[dreg:$0x1] =	wrdreg $0xFFFFFFFF  }
0xbc: {  	[dreg:$0x0] =	wrdreg $0x60  }
0xbd: {  	[dreg:$0x2] =	wrdreg s24  }
0xbe: {  	[dreg:$0x3] =	wrdreg $0xA  }
0xbf: {  	_ =	task.clear_ibuf [dreg:s22], $0x4FFFF;
	_ =	strace $0x90000049  }
0xc0: {  	s29 =	simm.s32 $0xA;
	_ =	strace $0x8000004B  }
0xc1: {  	_ =	swait.ge [sflag:s29], $0x1  }
0xc2: {  	[sflag:s29] =	ssyncadd.s32 $0xFFFFFFFF  }
0xc3: {  	_ =	strace $0x9000004B  }
0xc4: {  	_ =	sfence  }
0xc5: {  	s30 =	sld [smem:$0x0];
	_ =	sdelay $0x2  }
0xc6: {  	s31 =	sshll.u32 s1, $0xD;
	s1 =	sshrl.u32 s1, $0x2  }
0xc7: {  	s4 =	sand.u32 $0x4000, s31;
	s1 =	sadd.s32 s1, s30  }
0xc8: {  	s0 =	sor.u32 s4, s0;
	s1 =	sshll.u32 s1, $0x11  }
0xc9: {  	s0 =	sor.u32 s1, s0  }
0xca: {  	s0 =	sadd.s32 $0x8F2B, s0  }
0xcb: {  	[sflag:s0] =	ssyncadd.remote.s32 $0x1  }
0xcc: {  	_ =	sfence.sel $0xFFFF  }
0xcd: {  	[dreg:$0x0] =	wrdreg $0xFFFFFFFF;
	(pc) =	sbr.abs _section_cstart, $3  }
0xce: {  	[dreg:$0x1] =	wrdreg $0xFFFFFFFF  }
0xcf: {  	_ =	task.clear_ibuf [dreg:s22], $0x2FFFF;
	_ =	strace $0x9FFFFFFF  }
0xd0: {  	(tm) =	ssettm $0x7FFFFFFF  }
0xd1: {  	_ =	shalt  }
tec
execute0_lowered:
.L_overlay_start_1:
0x0: {  	(tag) =	ssettag $0x1  }
0x1: {  	s5 =	rddreg [dreg:$0x0]  }
0x2: {  	s0 =	rddreg [dreg:$0x1];
	s2 =	simm.s32 $0x0  }
0x3: {  	s1 =	stileid.u32;
	s3 =	srdreg.scid;
	s13 =	simm.s32 $0x4100  }
0x4: {  	s14 =	simm.s32 $0x1;
	s15 =	simm.s32 $0x2;
	s16 =	simm.s32 $0x0  }
0x5: {  	[smem:$0x7FF] =	sst s2;
	s6 =	smul.u32 $0xA00, s1;
	s7 =	sand.u32 $0x1, s3  }
0x6: {  	s3 =	sadd.s32 $0xC6C00, s5;
	s8 =	smul.u32 $0x50000, s1;
	s4 =	sadd.s32 $0xEEC00, s5  }
0x7: {  	_ =	strace $0x8000004A;
	s9 =	ssub.s32 $0x2, s7;
	s11 =	smul.u32 $0x28000, s7  }
0x8: {  	s29 =	smul.u32 $0x500, s7;
	s10 =	sshrl.u32 s9, $0x1;
	s8 =	sadd.s32 s8, s5  }
0x9: {  	s12 =	sadd.s32 s6, s5;
	s9 =	ssub.s32 s9, s10;
	s30 =	sadd.s32 s11, s8  }
0xa: {  	s31 =	sadd.s32 s29, s12;
	s10 =	simm.s32 $0x3;
	s11 =	simm.s32 $0x80  }
0xb: {  	s12 =	simm.s32 $0x100;
	s5 =	smax.u32 s9, $0x1;
	s6 =	sadd.s32 $0x616C00, s30  }
0xc: {  	s7 =	sadd.s32 $0x116C00, s30;
	s8 =	sadd.s32 $0x8C00, s31;
	s9 =	sadd.s32 $0x12C00, s31  }
.LBB2_1:
0xd: {  	s17 =	sadd.s32 $0x0, s9  }
0xe: {  	[tilespmem:s2], [sflag:$0x3] =	stream.linear.gather [hbm4b:s17+s2], $0x80, $0x38;
	[tilespmem:$0x8100] =	vst v63  }
0xf: {  	_ =	swait.ge [sflag:s10], $0x80  }
0x10: {  	[sflag:s10] =	ssyncset.done $0x0  }
0x11: {  	s31 =	sadd.s32 $0x0, s8;
	[sflag:s10] =	ssyncadd.s32 $0xFFFFFF80  }
0x12: {  	[tilespmem:s11], [sflag:$0x3] =	stream.linear.gather [hbm4b:s31+s2], $0x80, $0x38;
	[tilespmem:$0x8100] =	vst v63  }
0x13: {  	_ =	swait.ge [sflag:s10], $0x80  }
0x14: {  	[sflag:s10] =	ssyncset.done $0x0  }
0x15: {  	[sflag:s10] =	ssyncadd.s32 $0xFFFFFF80  }
0x16: {  	[tilespmem:s12], [sflag:$0x1] =	stream.indirect.gather [hbm4b:s3+s11], $0x80, s2, s11, $0xb8;
	[tilespmem:$0x8100] =	vst v63  }
0x17: {  	_ = 	snop  }
0x18: {  	[tilespmem:s13], [sflag:$0x2] =	stream.indirect.gather [hbm4b:s4+s11], $0x80, s11, s11, $0xb8;
	[tilespmem:$0x8100] =	vst v63  }
0x19: {  	_ =	swait.ge [sflag:s14], $0x4000  }
0x1a: {  	[sflag:s14] =	ssyncset.done $0x0  }
0x1b: {  	[sflag:s14] =	ssyncadd.s32 $0xFFFFC000  }
0x1c: {  	_ =	swait.ge [sflag:s15], $0x4000  }
0x1d: {  	[sflag:s15] =	ssyncset.done $0x0  }
0x1e: {  	[sflag:s15] =	ssyncadd.s32 $0xFFFFC000  }
0x1f: {  	[hbm4b:s7+s2] =	stream.linear.scatter [tilespmem:s12], [sflag:$0x3], $0x4000, $0x38;
	[tilespmem:$0x8100] =	vst v63  }
0x20: {  	_ =	swait.ge [sflag:s10], $0x4000  }
0x21: {  	[sflag:s10] =	ssyncset.done $0x0  }
0x22: {  	[sflag:s10] =	ssyncadd.s32 $0xFFFFC000  }
0x23: {  	[hbm4b:s6+s2] =	stream.linear.scatter [tilespmem:s13], [sflag:$0x3], $0x4000, $0x38;
	[tilespmem:$0x8100] =	vst v63  }
0x24: {  	s19 =	simm.s32 $0x10;
	s20 =	simm.s32 $0x20;
	_ =	swait.ge [sflag:s10], $0x4000  }
0x25: {  	s18 =	sadd.s32 $0x800, s7;
	s17 =	sadd.s32 $0x800, s6;
	[sflag:s10] =	ssyncset.done $0x0  }
.LBB2_2:
0x26: {  	s21 =	sadd.s32 s19, s9  }
0x27: {  	[sflag:s10] =	ssyncadd.s32 $0xFFFFC000;
	s22 =	smov.u32 s20;
	s23 =	sadd.s32 $0x10, s20  }
0x28: {  	[tilespmem:s2], [sflag:$0x3] =	stream.linear.gather [hbm4b:s21+s2], $0x80, $0x38;
	[tilespmem:$0x8100] =	vst v63  }
0x29: {  	p0 =	sne.s32 s20, $0x4F0;
	_ =	swait.ge [sflag:s10], $0x80  }
0x2a: {  	[sflag:s10] =	ssyncset.done $0x0  }
0x2b: {  	s20 =	sadd.s32 s19, s8;
	s19 =	smov.u32 s22;
	[sflag:s10] =	ssyncadd.s32 $0xFFFFFF80  }
0x2c: {  	[tilespmem:s11], [sflag:$0x3] =	stream.linear.gather [hbm4b:s20+s2], $0x80, $0x38;
	[tilespmem:$0x8100] =	vst v63  }
0x2d: {  	_ =	swait.ge [sflag:s10], $0x80  }
0x2e: {  	[sflag:s10] =	ssyncset.done $0x0  }
0x2f: {  	[sflag:s10] =	ssyncadd.s32 $0xFFFFFF80  }
0x30: {  	[tilespmem:s12], [sflag:$0x1] =	stream.indirect.gather [hbm4b:s3+s11], $0x80, s2, s11, $0xb8;
	[tilespmem:$0x8100] =	vst v63  }
0x31: {  	_ = 	snop  }
0x32: {  	[tilespmem:s13], [sflag:$0x2] =	stream.indirect.gather [hbm4b:s4+s11], $0x80, s11, s11, $0xb8;
	[tilespmem:$0x8100] =	vst v63  }
0x33: {  	_ =	swait.ge [sflag:s14], $0x4000  }
0x34: {  	[sflag:s14] =	ssyncset.done $0x0  }
0x35: {  	[sflag:s14] =	ssyncadd.s32 $0xFFFFC000  }
0x36: {  	_ =	swait.ge [sflag:s15], $0x4000  }
0x37: {  	[sflag:s15] =	ssyncset.done $0x0  }
0x38: {  	[sflag:s15] =	ssyncadd.s32 $0xFFFFC000  }
0x39: {  	[hbm4b:s18+s2] =	stream.linear.scatter [tilespmem:s12], [sflag:$0x3], $0x4000, $0x38;
	[tilespmem:$0x8100] =	vst v63  }
0x3a: {  	_ =	swait.ge [sflag:s10], $0x4000  }
.Ltmp0:
0x3b: {  	[sflag:s10] =	ssyncset.done $0x0;
	(pc) =	sbr.rel @p0 .LBB2_2-.Ltmp0, $4  }
0x3c: {  	[sflag:s10] =	ssyncadd.s32 $0xFFFFC000  }
0x3d: {  	[hbm4b:s17+s2] =	stream.linear.scatter [tilespmem:s13], [sflag:$0x3], $0x4000, $0x38;
	[tilespmem:$0x8100] =	vst v63  }
0x3e: {  	s20 =	smov.u32 s23;
	_ =	swait.ge [sflag:s10], $0x4000  }
0x3f: {  	s18 =	sadd.s32 $0x800, s18;
	s17 =	sadd.s32 $0x800, s17;
	[sflag:s10] =	ssyncset.done $0x0  }
0x40: {  	s20 =	sadd.s32 s19, s9;
	[sflag:s10] =	ssyncadd.s32 $0xFFFFC000  }
0x41: {  	[tilespmem:s2], [sflag:$0x3] =	stream.linear.gather [hbm4b:s20+s2], $0x80, $0x38;
	[tilespmem:$0x8100] =	vst v63  }
0x42: {  	_ =	swait.ge [sflag:s10], $0x80  }
0x43: {  	[sflag:s10] =	ssyncset.done $0x0  }
0x44: {  	s31 =	sadd.s32 s19, s8;
	[sflag:s10] =	ssyncadd.s32 $0xFFFFFF80  }
0x45: {  	[tilespmem:s11], [sflag:$0x3] =	stream.linear.gather [hbm4b:s31+s2], $0x80, $0x38;
	[tilespmem:$0x8100] =	vst v63  }
0x46: {  	_ =	swait.ge [sflag:s10], $0x80  }
0x47: {  	[sflag:s10] =	ssyncset.done $0x0  }
0x48: {  	[sflag:s10] =	ssyncadd.s32 $0xFFFFFF80  }
0x49: {  	[tilespmem:s12], [sflag:$0x1] =	stream.indirect.gather [hbm4b:s3+s11], $0x80, s2, s11, $0xb8;
	[tilespmem:$0x8100] =	vst v63  }
0x4a: {  	_ = 	snop  }
0x4b: {  	[tilespmem:s13], [sflag:$0x2] =	stream.indirect.gather [hbm4b:s4+s11], $0x80, s11, s11, $0xb8;
	[tilespmem:$0x8100] =	vst v63  }
0x4c: {  	_ =	swait.ge [sflag:s14], $0x4000  }
0x4d: {  	[sflag:s14] =	ssyncset.done $0x0  }
0x4e: {  	[sflag:s14] =	ssyncadd.s32 $0xFFFFC000  }
0x4f: {  	_ =	swait.ge [sflag:s15], $0x4000  }
0x50: {  	[sflag:s15] =	ssyncset.done $0x0  }
0x51: {  	[sflag:s15] =	ssyncadd.s32 $0xFFFFC000  }
0x52: {  	[hbm4b:s18+s2] =	stream.linear.scatter [tilespmem:s12], [sflag:$0x3], $0x4000, $0x38;
	[tilespmem:$0x8100] =	vst v63  }
0x53: {  	s16 =	sadd.s32 $0x1, s16;
	_ =	swait.ge [sflag:s10], $0x4000  }
0x54: {  	p0 =	sne.s32 s16, s5;
	[sflag:s10] =	ssyncset.done $0x0  }
.Ltmp1:
0x55: {  	[sflag:s10] =	ssyncadd.s32 $0xFFFFC000;
	(pc) =	sbr.rel @p0 .LBB2_1-.Ltmp1, $4  }
0x56: {  	[hbm4b:s17+s2] =	stream.linear.scatter [tilespmem:s13], [sflag:$0x3], $0x4000, $0x38;
	[tilespmem:$0x8100] =	vst v63  }
0x57: {  	_ =	swait.ge [sflag:s10], $0x4000  }
0x58: {  	[sflag:s10] =	ssyncset.done $0x0  }
0x59: {  	[sflag:s10] =	ssyncadd.s32 $0xFFFFC000  }
0x5a: {  	_ =	sfence.sel $0x180000  }
0x5b: {  	[bflag:$0x0] =	sbarrier.arrive $0xFFFF  }
0x5c: {  	p0 =	sne.s32 s1, $0x0;
	_ =	strace $0x9000004A  }
0x5d: {  	s0 =	sadd.s32 @!p0 $0x100000, s0;
	[bflag:$0x2] =	sbarrier.arrive $0xFFFF  }
0x5e: {  	[sflag:s0] =	ssyncadd.tile.s32 @!p0 $0x1;
	_ =	shalt  }
.Lfunc_end2:
_tile_overlayer_lowered:
.L_overlay_start_2:
0x5f: {  	(tag) =	ssettag $0x2  }
0x60: {  	s0 =	rddreg [dreg:$0x0];
	s2 =	stileid.u32  }
0x61: {  	s1 =	rddreg [dreg:$0x1];
	p0 =	sne.s32 s2, $0x0  }
0x62: {  	s3 =	rddreg [dreg:$0x2];
	[bflag:$0x3] =	sbarrier.arrive $0xFFFF;
	s2 =	simm.s32 @!p0 $0x1C03  }
0x63: {  	[timem:s3], [sflag:s2] =	dma.local @!p0 [hbm:s0], s1  }
0x64: {  	s0 =	simm.s32 @!p0 $0x3  }
0x65: {  	_ =	swait.ge @!p0 [sflag:s0], s1  }
0x66: {  	s1 =	ssub.s32 @!p0 $0x0, s1;
	[sflag:s0] =	ssyncset.done @!p0 $0x0  }
0x67: {  	[sflag:s0] =	ssyncadd.s32 @!p0 s1  }
0x68: {  	[bflag:$0x3] =	sbarrier.arrive $0xFFFF  }
0x69: {  	_ =	shalt  }

// kernel: kernel.21.cloned.1.call-start
scs
__scs_entry_jumppad:
0x0: {  	(pc) =	sbr.rel $0x88, $3  }
0x1: {  	(tag) =	ssettag $0x0;
	lr =	simm.s32 $0x1  }
0x2: {  	[smem:$0x3F79] =	sst lr;
	_ =	strace $0xD0000000  }
0x3: {  	_ = 	snop  }
0x4: {  	_ = 	snop  }
0x5: {  	_ = 	snop  }
0x6: {  	_ = 	snop  }
0x7: {  	_ = 	snop  }
__scs_overlays_trampoline_lowered:
0x8: {  	[smem:$0x3F88] =	sst s0  }
0x9: {  	[smem:$0x3F89] =	sst s1  }
0xa: {  	[smem:$0x3F8A] =	sst s2  }
0xb: {  	[smem:$0x3F8B] =	sst s3  }
0xc: {  	[smem:$0x3F8C] =	sst s4  }
0xd: {  	[smem:$0x3F8D] =	sst s5  }
0xe: {  	[smem:$0x3F8E] =	sst s6  }
0xf: {  	[smem:$0x3F8F] =	sst s7  }
0x10: {  	[smem:$0x3F90] =	sst s8  }
0x11: {  	[smem:$0x3F91] =	sst s9;
	s0 =	simm.s32 @!p0 $0x0  }
0x12: {  	s1 =	sld [smem:$0x3F77];
	s0 =	simm.s32 @p0 $0x1  }
0x13: {  	[smem:$0x3F92] =	sst s0;
	s0 =	simm.s32 @!p1 $0x0  }
0x14: {  	s2 =	sld [smem:$0x3F76];
	s0 =	simm.s32 @p1 $0x1  }
0x15: {  	[smem:$0x3F93] =	sst s0;
	s0 =	simm.s32 @!p2 $0x0  }
0x16: {  	s3 =	sld [smem:$0x3FDB];
	s0 =	simm.s32 @p2 $0x1  }
0x17: {  	s4 =	simm.s32 $0x1BF5;
	[smem:$0x3F95] =	sst s0  }
0x18: {  	s0 =	sld [smem:$0x3F78];
	_ =	swait.ge [sflag:s4], $0x0  }
0x19: {  	s7 =	sld [smem:$0x3F79]  }
0x1a: {  	s8 =	sadd.s32 $0xFFFFE003, lr  }
0x1b: {  	s9 =	sadd.s32 $0xFFFFFEF7, lr;
	s5 =	simm.s32 $0xFFFFFFFF;
	p2 =	slt.u32 s8, $0xFFFFF086  }
0x1c: {  	p1 =	slt.u32 s9, $0xF7A;
	s5 =	simm.s32 @!p2 $0x0  }
0x1d: {  	s5 =	simm.s32 @p1 $0x1;
	p0 =	seq.s32 s7, s2  }
0x1e: {  	s7 =	smul.u32 @!p0 $0xF7A, s2;
	p2 =	seq.s32 @!p0 s5, $0x0  }
0x1f: {  	s9 =	smul.u32 $0xF7A, s1;
	s8 =	simm.s32 @!p0 $0x1BF5;
	p2 =	por !p2, p0  }
0x20: {  	[sflag:s8] =	ssyncset.s32 @!p0 $0xFFFFF086;
	s6 =	sadd.s32 @!p0 s3, s7;
	s7 =	simm.s32 @!p0 $0x108  }
0x21: {  	s3 =	sadd.s32 s3, s9;
	s6 =	sadd.s32 @!p0 $0x88, s6;
	s7 =	simm.s32 @p2 $0x1082  }
0x22: {  	[simem:s7], [sflag:s8] =	dma.local @!p0 [hbm:s6], $0xF7A  }
0x23: {  	s9 =	sor.u32 $0xD0000000, s2;
	s6 =	simm.s32 $0x108;
	_ =	swait.ge @!p0 [sflag:s8], $0x0  }
0x24: {  	s3 =	sadd.s32 $0x88, s3;
	s6 =	simm.s32 @!p1 $0x1082;
	[sflag:s4] =	ssyncset.s32 $0xFFFFF086  }
0x25: {  	[simem:s6], [sflag:s4] =	dma.local [hbm:s3], $0xF7A  }
0x26: {  	[smem:$0x3F79] =	sst s1;
	(tag) =	ssettag s2;
	_ =	strace s9  }
0x27: {  	s1 =	sld [smem:$0x3F89]  }
0x28: {  	s2 =	sld [smem:$0x3F8A]  }
0x29: {  	s4 =	sld [smem:$0x3F8C]  }
0x2a: {  	p0 =	seq.s32 s5, $0x0;
	s5 =	sld [smem:$0x3F8D]  }
0x2b: {  	s6 =	sld [smem:$0x3F8E]  }
0x2c: {  	s7 =	sld [smem:$0x3F8F]  }
0x2d: {  	s3 =	simm.s32 $0x108;
	s8 =	sld [smem:$0x3F90]  }
0x2e: {  	s3 =	simm.s32 @!p0 $0x1082;
	s9 =	sld [smem:$0x3F91]  }
0x2f: {  	lr =	sadd.s32 s0, s3;
	s0 =	sld [smem:$0x3F88]  }
0x30: {  	s3 =	sld [smem:$0x3F8B]  }
0x31: {  	[smem:$0x3F94] =	sst s10  }
0x32: {  	s10 =	sld [smem:$0x3F92];
	_ =	sdelay $0x3  }
0x33: {  	p0 =	seq.s32 s10, $0x1;
	s10 =	sld [smem:$0x3F94];
	_ =	sdelay $0x3  }
0x34: {  	[smem:$0x3F94] =	sst s10  }
0x35: {  	s10 =	sld [smem:$0x3F93];
	_ =	sdelay $0x3  }
0x36: {  	p1 =	seq.s32 s10, $0x1;
	s10 =	sld [smem:$0x3F94];
	_ =	sdelay $0x3  }
0x37: {  	[smem:$0x3F94] =	sst s10  }
0x38: {  	s10 =	sld [smem:$0x3F95]  }
0x39: {  	_ = 	snop;
	(pc) =	sbr.ind lr, $3  }
0x3a: {  	_ = 	snop  }
0x3b: {  	_ = 	snop  }
0x3c: {  	p2 =	seq.s32 s10, $0x1;
	s10 =	sld [smem:$0x3F94]  }
0x3d: {  	_ =	shalt  }
0x3e: {  	_ =	shalt  }
0x3f: {  	_ =	shalt  }
0x40: {  	_ =	shalt  }
0x41: {  	_ =	shalt  }
0x42: {  	_ =	shalt  }
0x43: {  	_ =	shalt  }
0x44: {  	_ =	shalt  }
0x45: {  	_ =	shalt  }
0x46: {  	_ =	shalt  }
0x47: {  	_ =	shalt  }
0x48: {  	_ =	shalt  }
0x49: {  	_ =	shalt  }
0x4a: {  	_ =	shalt  }
0x4b: {  	_ =	shalt  }
0x4c: {  	_ =	shalt  }
0x4d: {  	_ =	shalt  }
0x4e: {  	_ =	shalt  }
0x4f: {  	_ =	shalt  }
0x50: {  	_ =	shalt  }
0x51: {  	_ =	shalt  }
0x52: {  	_ =	shalt  }
0x53: {  	_ =	shalt  }
0x54: {  	_ =	shalt  }
0x55: {  	_ =	shalt  }
0x56: {  	_ =	shalt  }
0x57: {  	_ =	shalt  }
0x58: {  	_ =	shalt  }
0x59: {  	_ =	shalt  }
0x5a: {  	_ =	shalt  }
0x5b: {  	_ =	shalt  }
0x5c: {  	_ =	shalt  }
0x5d: {  	_ =	shalt  }
0x5e: {  	_ =	shalt  }
0x5f: {  	_ =	shalt  }
0x60: {  	_ =	shalt  }
0x61: {  	_ =	shalt  }
0x62: {  	_ =	shalt  }
0x63: {  	_ =	shalt  }
0x64: {  	_ =	shalt  }
0x65: {  	_ =	shalt  }
0x66: {  	_ =	shalt  }
0x67: {  	_ =	shalt  }
0x68: {  	_ =	shalt  }
0x69: {  	_ =	shalt  }
0x6a: {  	_ =	shalt  }
0x6b: {  	_ =	shalt  }
0x6c: {  	_ =	shalt  }
0x6d: {  	_ =	shalt  }
0x6e: {  	_ =	shalt  }
0x6f: {  	_ =	shalt  }
0x70: {  	_ =	shalt  }
0x71: {  	_ =	shalt  }
0x72: {  	_ =	shalt  }
0x73: {  	_ =	shalt  }
0x74: {  	_ =	shalt  }
0x75: {  	_ =	shalt  }
0x76: {  	_ =	shalt  }
0x77: {  	_ =	shalt  }
0x78: {  	_ =	shalt  }
0x79: {  	_ =	shalt  }
0x7a: {  	_ =	shalt  }
0x7b: {  	_ =	shalt  }
0x7c: {  	_ =	shalt  }
0x7d: {  	_ =	shalt  }
0x7e: {  	_ =	shalt  }
0x7f: {  	_ =	shalt  }
0x80: {  	_ =	shalt  }
0x81: {  	_ =	shalt  }
0x82: {  	_ =	shalt  }
0x83: {  	_ =	shalt  }
0x84: {  	_ =	shalt  }
0x85: {  	_ =	shalt  }
0x86: {  	_ =	shalt  }
0x87: {  	_ =	shalt  }
.Lfunc_end0:
.L_simem_size_0:
called_computation.2_lowered:
.L_overlay_start_0:
0x88: {  	s2 =	sld [smem:$0x3FD9]  }
0x89: {  	s3 =	sld [smem:$0x3FFE];
	_ =	sdelay $0x1  }
0x8a: {  	s1 =	srdreg.scid  }
0x8b: {  	s0 =	sand.u32 $0x1, s1  }
0x8c: {  	s16 =	sshll.u32 s0, $0xA;
	s2 =	sadd.s32 s3, s2  }
0x8d: {  	s2 =	sadd.s32 s2, s16  }
0x8e: {  	[smem:$0x3FA0] =	sst s2  }
0x8f: {  	_ = 	snop  }
0x90: {  	(tm) =	ssettm $0x1  }
0x91: {  	s17 =	sld [smem:$0x3FFB];
	_ =	sdelay $0x3  }
0x92: {  	_ =	strace s17  }
0x93: {  	s2 =	sld [smem:$0x3FFC];
	_ =	sdelay $0x3  }
0x94: {  	_ =	strace s2  }
0x95: {  	s2 =	sld [smem:$0x3FFD];
	_ =	sdelay $0x3  }
0x96: {  	_ =	strace s2  }
0x97: {  	_ =	strace $0x8FFFFFFF  }
0x98: {  	s18 =	sld [smem:$0x3FDB];
	_ =	sdelay $0x1  }
0x99: {  	s19 =	simm.s32 $_scs_section_size  }
0x9a: {  	s4 =	simm.s32 $_size__tile_overlayer_lowered;
	s5 =	simm.s32 $_tile_overlayer_lowered  }
0x9b: {  	s22 =	simm.s32 $0x1BFF;
	s21 =	sshll.u32 s5, $0x1;
	s2 =	sadd.s32 s19, s18  }
0x9c: {  	s6 =	simm.s32 $0x0;
	s20 =	sshll.u32 s4, $0x1;
	s4 =	sadd.s32 s21, s2  }
0x9d: {  	[timem:s6], [sflag:s22] =	dma.local [hbm:s4], s20  }
0x9e: {  	_ =	swait.ge [sflag:s22], s20  }
0x9f: {  	s3 =	ssub.s32 $0x0, s20;
	[sflag:s22] =	ssyncset.done $0x0  }
0xa0: {  	[sflag:s22] =	ssyncadd.s32 s3;
	_ =	sdelay $0x1  }
0xa1: {  	s23 =	simm.s32 $0x1B8B  }
0xa2: {  	_ =	swait.ge [sflag:s23], $0x1  }
0xa3: {  	[sflag:s23] =	ssyncset.done $0x0  }
0xa4: {  	s25 =	simm.s32 $0x1B8E;
	s24 =	sld [smem:$0x3FFE];
	[sflag:s23] =	ssyncadd.s32 $0xFFFFFFFF  }
0xa5: {  	s26 =	simm.s32 $execute0_lowered;
	[smem:$0x3FD2] =	sst s25  }
0xa6: {  	s4 =	sshll.u32 s26, $0x1;
	_ =	strace $0x8000004C;
	[dreg:$0x1] =	wrdreg $0xFFFFFFFF  }
0xa7: {  	s28 =	simm.s32 $_size_execute0_lowered;
	s2 =	sadd.s32 s2, s4;
	[dreg:$0x0] =	wrdreg $0x0  }
0xa8: {  	s4 =	sshll.u32 s28, $0x1;
	[dreg:$0x2] =	wrdreg s2  }
0xa9: {  	[dreg:$0x3] =	wrdreg s4  }
0xaa: {  	[dreg:$0x4] =	wrdreg $0xC0  }
0xab: {  	_ =	task [dreg:s6], $0x5FFFF  }
0xac: {  	[dreg:$0x1] =	wrdreg $0xFFFFFFFF  }
0xad: {  	[dreg:$0x0] =	wrdreg $0x60  }
0xae: {  	[dreg:$0x2] =	wrdreg s24  }
0xaf: {  	[dreg:$0x3] =	wrdreg $0x40800  }
0xb0: {  	[dreg:$0x4] =	wrdreg $0x9  }
0xb1: {  	_ =	task.clear_ibuf [dreg:s6], $0x5FFFF;
	_ =	strace $0x9000004C  }
0xb2: {  	s29 =	simm.s32 $0x9;
	_ =	strace $0x8000004E  }
0xb3: {  	_ =	swait.ge [sflag:s29], $0x1  }
0xb4: {  	[sflag:s29] =	ssyncadd.s32 $0xFFFFFFFF  }
0xb5: {  	_ =	strace $0x9000004E  }
0xb6: {  	_ =	sfence  }
0xb7: {  	s30 =	sld [smem:$0x0];
	_ =	sdelay $0x2  }
0xb8: {  	s31 =	sshll.u32 s1, $0xD;
	s1 =	sshrl.u32 s1, $0x2  }
0xb9: {  	s3 =	sand.u32 $0x4000, s31;
	s1 =	sadd.s32 s1, s30  }
0xba: {  	s0 =	sor.u32 s3, s0;
	s1 =	sshll.u32 s1, $0x11  }
0xbb: {  	s0 =	sor.u32 s1, s0  }
0xbc: {  	s0 =	sadd.s32 $0x8F2B, s0  }
0xbd: {  	[sflag:s0] =	ssyncadd.remote.s32 $0x1  }
0xbe: {  	_ =	sfence.sel $0xFFFF  }
0xbf: {  	[dreg:$0x0] =	wrdreg $0xFFFFFFFF;
	(pc) =	sbr.abs _section_cstart, $3  }
0xc0: {  	[dreg:$0x1] =	wrdreg $0xFFFFFFFF  }
0xc1: {  	_ =	task.clear_ibuf [dreg:s6], $0x2FFFF;
	_ =	strace $0x9FFFFFFF  }
0xc2: {  	(tm) =	ssettm $0x7FFFFFFF  }
0xc3: {  	_ =	shalt  }
tec
execute0_lowered:
.L_overlay_start_1:
0x0: {  	(tag) =	ssettag $0x1  }
0x1: {  	s0 =	srdreg.scid  }
0x2: {  	s4 =	rddreg [dreg:$0x0];
	s5 =	sand.u32 $0x1, s0  }
0x3: {  	s0 =	stileid.u32;
	s6 =	smul.u32 $0x28000, s5  }
0x4: {  	s2 =	rddreg [dreg:$0x1];
	s7 =	smul.u32 $0x2800, s0  }
0x5: {  	s1 =	rddreg [dreg:$0x2];
	s3 =	simm.s32 $0x0;
	s8 =	smul.u32 $0x280000, s5  }
0x6: {  	[smem:$0x7FF] =	sst s3;
	s25 =	smul.u32 $0x14000, s0  }
0x7: {  	s13 =	simm.s32 $0x0;
	s9 =	smul.u32 $0x140000, s5;
	_ =	strace $0x8000004D  }
0x8: {  	s5 =	ssub.s32 $0x2, s5;
	s11 =	smul.u32 $0x50000, s0;
	s30 =	sshll.u32 s0, $0x6  }
0x9: {  	s31 =	smul.u32 $0x28000, s0;
	s28 =	sshrl.u32 s5, $0x1;
	s6 =	sadd.s32 s7, s6  }
0xa: {  	s8 =	sadd.s32 s8, s4;
	s26 =	sshrl.u32 s25, $0x3;
	s7 =	sadd.s32 s25, s9  }
0xb: {  	s9 =	ssub.s32 s5, s28;
	s29 =	sshrl.u32 s11, $0x2;
	s5 =	sor.u32 $0x1C01, s30  }
0xc: {  	s11 =	simm.s32 $0x1;
	s6 =	sshrl.u32 s6, $0x3;
	s7 =	sshrl.u32 s7, $0x3  }
0xd: {  	s12 =	sadd.s32 s29, s2;
	s8 =	sadd.s32 s31, s8;
	s10 =	sadd.s32 s6, s4  }
0xe: {  	s6 =	sadd.s32 s26, s4;
	s7 =	sadd.s32 s7, s4;
	s8 =	sadd.s32 $0x1016C00, s8  }
0xf: {  	s4 =	sadd.s32 $0x1CC00, s6;
	s6 =	sadd.s32 $0xC6C00, s7;
	s7 =	smax.u32 s9, $0x1  }
0x10: {  	s9 =	sadd.s32 $0x8C00, s10;
	s10 =	sshrl.u32 s12, $0x3;
	s12 =	simm.s32 $0x80  }
.LBB2_1:
0x11: {  	[spmem:s10], [sflag:s5] =	dma.local [hbm:s4], $0x2800  }
0x12: {  	_ =	swait.ge [sflag:s11], $0x2800  }
0x13: {  	[sflag:s11] =	ssyncset.done $0x0  }
0x14: {  	[sflag:s11] =	ssyncadd.s32 $0xFFFFD800  }
0x15: {  	s14 =	sadd.s32 $0x0, s9;
	[bflag:$0x0] =	sbarrier.arrive $0xFFFF  }
0x16: {  	[tilespmem:s3], [sflag:$0x1] =	stream.linear.gather [hbm4b:s14+s3], $0x80, $0x38;
	[tilespmem:$0x18080] =	vst v63  }
0x17: {  	_ =	swait.ge [sflag:s11], $0x80  }
0x18: {  	[sflag:s11] =	ssyncset.done $0x0  }
0x19: {  	[sflag:s11] =	ssyncadd.s32 $0xFFFFFF80  }
0x1a: {  	[tilespmem:s12], [sflag:$0x1] =	stream.linear.gather [hbm4b:s8+s3], $0x4000, $0x38;
	[tilespmem:$0x18080] =	vst v63  }
0x1b: {  	_ =	swait.ge [sflag:s11], $0x4000  }
0x1c: {  	[sflag:s11] =	ssyncset.done $0x0  }
0x1d: {  	[sflag:s11] =	ssyncadd.s32 $0xFFFFC000  }
0x1e: {  	[spmem:s2] =	stream.indirect.scatter.add.f32 [tilespmem:s12], [sflag:$0x1], $0x80, s3, s12, $0xb8;
	[tilespmem:$0x18080] =	vst v63  }
0x1f: {  	s15 =	simm.s32 $0x10;
	_ =	swait.ge [sflag:s11], $0x4000  }
0x20: {  	s16 =	simm.s32 $0x20;
	s14 =	sadd.s32 $0x800, s8;
	[sflag:s11] =	ssyncset.done $0x0  }
.LBB2_2:
0x21: {  	s17 =	sadd.s32 s15, s9  }
0x22: {  	[sflag:s11] =	ssyncadd.s32 $0xFFFFC000;
	s15 =	smov.u32 s16;
	s18 =	sadd.s32 $0x10, s16  }
0x23: {  	[tilespmem:s3], [sflag:$0x1] =	stream.linear.gather [hbm4b:s17+s3], $0x80, $0x38;
	[tilespmem:$0x18080] =	vst v63  }
0x24: {  	p0 =	sne.s32 s16, $0x4F0;
	_ =	swait.ge [sflag:s11], $0x80  }
0x25: {  	[sflag:s11] =	ssyncset.done $0x0  }
0x26: {  	[sflag:s11] =	ssyncadd.s32 $0xFFFFFF80  }
0x27: {  	[tilespmem:s12], [sflag:$0x1] =	stream.linear.gather [hbm4b:s14+s3], $0x4000, $0x38;
	[tilespmem:$0x18080] =	vst v63  }
0x28: {  	_ =	swait.ge [sflag:s11], $0x4000  }
.Ltmp0:
0x29: {  	[sflag:s11] =	ssyncset.done $0x0;
	(pc) =	sbr.rel @p0 .LBB2_2-.Ltmp0, $4  }
0x2a: {  	[sflag:s11] =	ssyncadd.s32 $0xFFFFC000  }
0x2b: {  	[spmem:s2] =	stream.indirect.scatter.add.f32 [tilespmem:s12], [sflag:$0x1], $0x80, s3, s12, $0xb8;
	[tilespmem:$0x18080] =	vst v63  }
0x2c: {  	_ =	swait.ge [sflag:s11], $0x4000  }
0x2d: {  	s16 =	smov.u32 s18;
	s14 =	sadd.s32 $0x800, s14;
	[sflag:s11] =	ssyncset.done $0x0  }
0x2e: {  	s15 =	sadd.s32 s15, s9;
	[sflag:s11] =	ssyncadd.s32 $0xFFFFC000  }
0x2f: {  	[tilespmem:s3], [sflag:$0x1] =	stream.linear.gather [hbm4b:s15+s3], $0x80, $0x38;
	[tilespmem:$0x18080] =	vst v63  }
0x30: {  	_ =	swait.ge [sflag:s11], $0x80  }
0x31: {  	[sflag:s11] =	ssyncset.done $0x0  }
0x32: {  	[sflag:s11] =	ssyncadd.s32 $0xFFFFFF80  }
0x33: {  	[tilespmem:s12], [sflag:$0x1] =	stream.linear.gather [hbm4b:s14+s3], $0x4000, $0x38;
	[tilespmem:$0x18080] =	vst v63  }
0x34: {  	_ =	swait.ge [sflag:s11], $0x4000  }
0x35: {  	[sflag:s11] =	ssyncset.done $0x0  }
0x36: {  	[sflag:s11] =	ssyncadd.s32 $0xFFFFC000  }
0x37: {  	[spmem:s2] =	stream.indirect.scatter.add.f32 [tilespmem:s12], [sflag:$0x1], $0x80, s3, s12, $0xb8;
	[tilespmem:$0x18080] =	vst v63  }
0x38: {  	_ =	swait.ge [sflag:s11], $0x4000  }
0x39: {  	s13 =	sadd.s32 $0x1, s13;
	[sflag:s11] =	ssyncset.done $0x0  }
0x3a: {  	p0 =	sne.s32 s13, s7;
	[sflag:s11] =	ssyncadd.s32 $0xFFFFC000  }
.Ltmp1:
0x3b: {  	[bflag:$0x0] =	sbarrier.arrive $0xFFFF;
	(pc) =	sbr.rel @p0 .LBB2_1-.Ltmp1, $4  }
0x3c: {  	[hbm:s6], [sflag:s5] =	dma.local [spmem:s10], $0x2800  }
0x3d: {  	_ =	swait.ge [sflag:s11], $0x2800  }
0x3e: {  	[sflag:s11] =	ssyncset.done $0x0  }
0x3f: {  	[sflag:s11] =	ssyncadd.s32 $0xFFFFD800  }
0x40: {  	_ =	sfence.sel $0x180000  }
0x41: {  	[bflag:$0x0] =	sbarrier.arrive $0xFFFF  }
0x42: {  	p0 =	sne.s32 s0, $0x0;
	_ =	strace $0x9000004D  }
0x43: {  	s0 =	sadd.s32 @!p0 $0x100000, s1;
	[bflag:$0x2] =	sbarrier.arrive $0xFFFF  }
0x44: {  	[sflag:s0] =	ssyncadd.tile.s32 @!p0 $0x1;
	_ =	shalt  }
.Lfunc_end2:
_tile_overlayer_lowered:
.L_overlay_start_2:
0x45: {  	(tag) =	ssettag $0x2  }
0x46: {  	s0 =	rddreg [dreg:$0x0];
	s2 =	stileid.u32  }
0x47: {  	s1 =	rddreg [dreg:$0x1];
	p0 =	sne.s32 s2, $0x0  }
0x48: {  	s3 =	rddreg [dreg:$0x2];
	[bflag:$0x3] =	sbarrier.arrive $0xFFFF;
	s2 =	simm.s32 @!p0 $0x1C01  }
0x49: {  	[timem:s3], [sflag:s2] =	dma.local @!p0 [hbm:s0], s1  }
0x4a: {  	s0 =	simm.s32 @!p0 $0x1  }
0x4b: {  	_ =	swait.ge @!p0 [sflag:s0], s1  }
0x4c: {  	s1 =	ssub.s32 @!p0 $0x0, s1;
	[sflag:s0] =	ssyncset.done @!p0 $0x0  }
0x4d: {  	[sflag:s0] =	ssyncadd.s32 @!p0 s1  }
0x4e: {  	[bflag:$0x3] =	sbarrier.arrive $0xFFFF  }
0x4f: {  	_ =	shalt  }

// kernel: kernel.24.cloned.1.call-start
scs
__scs_entry_jumppad:
0x0: {  	(pc) =	sbr.rel $0x88, $3  }
0x1: {  	(tag) =	ssettag $0x0;
	lr =	simm.s32 $0x1  }
0x2: {  	[smem:$0x3F79] =	sst lr;
	_ =	strace $0xD0000000  }
0x3: {  	_ = 	snop  }
0x4: {  	_ = 	snop  }
0x5: {  	_ = 	snop  }
0x6: {  	_ = 	snop  }
0x7: {  	_ = 	snop  }
__scs_overlays_trampoline_lowered:
0x8: {  	[smem:$0x3F88] =	sst s0  }
0x9: {  	[smem:$0x3F89] =	sst s1  }
0xa: {  	[smem:$0x3F8A] =	sst s2  }
0xb: {  	[smem:$0x3F8B] =	sst s3  }
0xc: {  	[smem:$0x3F8C] =	sst s4  }
0xd: {  	[smem:$0x3F8D] =	sst s5  }
0xe: {  	[smem:$0x3F8E] =	sst s6  }
0xf: {  	[smem:$0x3F8F] =	sst s7  }
0x10: {  	[smem:$0x3F90] =	sst s8  }
0x11: {  	[smem:$0x3F91] =	sst s9;
	s0 =	simm.s32 @!p0 $0x0  }
0x12: {  	s1 =	sld [smem:$0x3F77];
	s0 =	simm.s32 @p0 $0x1  }
0x13: {  	[smem:$0x3F92] =	sst s0;
	s0 =	simm.s32 @!p1 $0x0  }
0x14: {  	s2 =	sld [smem:$0x3F76];
	s0 =	simm.s32 @p1 $0x1  }
0x15: {  	[smem:$0x3F93] =	sst s0;
	s0 =	simm.s32 @!p2 $0x0  }
0x16: {  	s3 =	sld [smem:$0x3FDB];
	s0 =	simm.s32 @p2 $0x1  }
0x17: {  	s4 =	simm.s32 $0x1BF5;
	[smem:$0x3F95] =	sst s0  }
0x18: {  	s0 =	sld [smem:$0x3F78];
	_ =	swait.ge [sflag:s4], $0x0  }
0x19: {  	s7 =	sld [smem:$0x3F79]  }
0x1a: {  	s8 =	sadd.s32 $0xFFFFE003, lr  }
0x1b: {  	s9 =	sadd.s32 $0xFFFFFEF7, lr;
	s5 =	simm.s32 $0xFFFFFFFF;
	p2 =	slt.u32 s8, $0xFFFFF086  }
0x1c: {  	p1 =	slt.u32 s9, $0xF7A;
	s5 =	simm.s32 @!p2 $0x0  }
0x1d: {  	s5 =	simm.s32 @p1 $0x1;
	p0 =	seq.s32 s7, s2  }
0x1e: {  	s7 =	smul.u32 @!p0 $0xF7A, s2;
	p2 =	seq.s32 @!p0 s5, $0x0  }
0x1f: {  	s9 =	smul.u32 $0xF7A, s1;
	s8 =	simm.s32 @!p0 $0x1BF5;
	p2 =	por !p2, p0  }
0x20: {  	[sflag:s8] =	ssyncset.s32 @!p0 $0xFFFFF086;
	s6 =	sadd.s32 @!p0 s3, s7;
	s7 =	simm.s32 @!p0 $0x108  }
0x21: {  	s3 =	sadd.s32 s3, s9;
	s6 =	sadd.s32 @!p0 $0x88, s6;
	s7 =	simm.s32 @p2 $0x1082  }
0x22: {  	[simem:s7], [sflag:s8] =	dma.local @!p0 [hbm:s6], $0xF7A  }
0x23: {  	s9 =	sor.u32 $0xD0000000, s2;
	s6 =	simm.s32 $0x108;
	_ =	swait.ge @!p0 [sflag:s8], $0x0  }
0x24: {  	s3 =	sadd.s32 $0x88, s3;
	s6 =	simm.s32 @!p1 $0x1082;
	[sflag:s4] =	ssyncset.s32 $0xFFFFF086  }
0x25: {  	[simem:s6], [sflag:s4] =	dma.local [hbm:s3], $0xF7A  }
0x26: {  	[smem:$0x3F79] =	sst s1;
	(tag) =	ssettag s2;
	_ =	strace s9  }
0x27: {  	s1 =	sld [smem:$0x3F89]  }
0x28: {  	s2 =	sld [smem:$0x3F8A]  }
0x29: {  	s4 =	sld [smem:$0x3F8C]  }
0x2a: {  	p0 =	seq.s32 s5, $0x0;
	s5 =	sld [smem:$0x3F8D]  }
0x2b: {  	s6 =	sld [smem:$0x3F8E]  }
0x2c: {  	s7 =	sld [smem:$0x3F8F]  }
0x2d: {  	s3 =	simm.s32 $0x108;
	s8 =	sld [smem:$0x3F90]  }
0x2e: {  	s3 =	simm.s32 @!p0 $0x1082;
	s9 =	sld [smem:$0x3F91]  }
0x2f: {  	lr =	sadd.s32 s0, s3;
	s0 =	sld [smem:$0x3F88]  }
0x30: {  	s3 =	sld [smem:$0x3F8B]  }
0x31: {  	[smem:$0x3F94] =	sst s10  }
0x32: {  	s10 =	sld [smem:$0x3F92];
	_ =	sdelay $0x3  }
0x33: {  	p0 =	seq.s32 s10, $0x1;
	s10 =	sld [smem:$0x3F94];
	_ =	sdelay $0x3  }
0x34: {  	[smem:$0x3F94] =	sst s10  }
0x35: {  	s10 =	sld [smem:$0x3F93];
	_ =	sdelay $0x3  }
0x36: {  	p1 =	seq.s32 s10, $0x1;
	s10 =	sld [smem:$0x3F94];
	_ =	sdelay $0x3  }
0x37: {  	[smem:$0x3F94] =	sst s10  }
0x38: {  	s10 =	sld [smem:$0x3F95]  }
0x39: {  	_ = 	snop;
	(pc) =	sbr.ind lr, $3  }
0x3a: {  	_ = 	snop  }
0x3b: {  	_ = 	snop  }
0x3c: {  	p2 =	seq.s32 s10, $0x1;
	s10 =	sld [smem:$0x3F94]  }
0x3d: {  	_ =	shalt  }
0x3e: {  	_ =	shalt  }
0x3f: {  	_ =	shalt  }
0x40: {  	_ =	shalt  }
0x41: {  	_ =	shalt  }
0x42: {  	_ =	shalt  }
0x43: {  	_ =	shalt  }
0x44: {  	_ =	shalt  }
0x45: {  	_ =	shalt  }
0x46: {  	_ =	shalt  }
0x47: {  	_ =	shalt  }
0x48: {  	_ =	shalt  }
0x49: {  	_ =	shalt  }
0x4a: {  	_ =	shalt  }
0x4b: {  	_ =	shalt  }
0x4c: {  	_ =	shalt  }
0x4d: {  	_ =	shalt  }
0x4e: {  	_ =	shalt  }
0x4f: {  	_ =	shalt  }
0x50: {  	_ =	shalt  }
0x51: {  	_ =	shalt  }
0x52: {  	_ =	shalt  }
0x53: {  	_ =	shalt  }
0x54: {  	_ =	shalt  }
0x55: {  	_ =	shalt  }
0x56: {  	_ =	shalt  }
0x57: {  	_ =	shalt  }
0x58: {  	_ =	shalt  }
0x59: {  	_ =	shalt  }
0x5a: {  	_ =	shalt  }
0x5b: {  	_ =	shalt  }
0x5c: {  	_ =	shalt  }
0x5d: {  	_ =	shalt  }
0x5e: {  	_ =	shalt  }
0x5f: {  	_ =	shalt  }
0x60: {  	_ =	shalt  }
0x61: {  	_ =	shalt  }
0x62: {  	_ =	shalt  }
0x63: {  	_ =	shalt  }
0x64: {  	_ =	shalt  }
0x65: {  	_ =	shalt  }
0x66: {  	_ =	shalt  }
0x67: {  	_ =	shalt  }
0x68: {  	_ =	shalt  }
0x69: {  	_ =	shalt  }
0x6a: {  	_ =	shalt  }
0x6b: {  	_ =	shalt  }
0x6c: {  	_ =	shalt  }
0x6d: {  	_ =	shalt  }
0x6e: {  	_ =	shalt  }
0x6f: {  	_ =	shalt  }
0x70: {  	_ =	shalt  }
0x71: {  	_ =	shalt  }
0x72: {  	_ =	shalt  }
0x73: {  	_ =	shalt  }
0x74: {  	_ =	shalt  }
0x75: {  	_ =	shalt  }
0x76: {  	_ =	shalt  }
0x77: {  	_ =	shalt  }
0x78: {  	_ =	shalt  }
0x79: {  	_ =	shalt  }
0x7a: {  	_ =	shalt  }
0x7b: {  	_ =	shalt  }
0x7c: {  	_ =	shalt  }
0x7d: {  	_ =	shalt  }
0x7e: {  	_ =	shalt  }
0x7f: {  	_ =	shalt  }
0x80: {  	_ =	shalt  }
0x81: {  	_ =	shalt  }
0x82: {  	_ =	shalt  }
0x83: {  	_ =	shalt  }
0x84: {  	_ =	shalt  }
0x85: {  	_ =	shalt  }
0x86: {  	_ =	shalt  }
0x87: {  	_ =	shalt  }
.Lfunc_end0:
.L_simem_size_0:
called_computation.3_lowered:
.L_overlay_start_0:
0x88: {  	s2 =	sld [smem:$0x3FD9]  }
0x89: {  	s3 =	sld [smem:$0x3FFE];
	_ =	sdelay $0x1  }
0x8a: {  	s1 =	srdreg.scid  }
0x8b: {  	s0 =	sand.u32 $0x1, s1  }
0x8c: {  	s16 =	sshll.u32 s0, $0xA;
	s2 =	sadd.s32 s3, s2  }
0x8d: {  	s2 =	sadd.s32 s2, s16  }
0x8e: {  	[smem:$0x3FA0] =	sst s2  }
0x8f: {  	_ = 	snop  }
0x90: {  	(tm) =	ssettm $0x1  }
0x91: {  	s17 =	sld [smem:$0x3FFB];
	_ =	sdelay $0x3  }
0x92: {  	_ =	strace s17  }
0x93: {  	s2 =	sld [smem:$0x3FFC];
	_ =	sdelay $0x3  }
0x94: {  	_ =	strace s2  }
0x95: {  	s2 =	sld [smem:$0x3FFD];
	_ =	sdelay $0x3  }
0x96: {  	_ =	strace s2  }
0x97: {  	_ =	strace $0x8FFFFFFF  }
0x98: {  	s18 =	sld [smem:$0x3FDB];
	_ =	sdelay $0x1  }
0x99: {  	s19 =	simm.s32 $_scs_section_size  }
0x9a: {  	s4 =	simm.s32 $_size__tile_overlayer_lowered;
	s5 =	simm.s32 $_tile_overlayer_lowered  }
0x9b: {  	s22 =	simm.s32 $0x1BFF;
	s21 =	sshll.u32 s5, $0x1;
	s2 =	sadd.s32 s19, s18  }
0x9c: {  	s6 =	simm.s32 $0x0;
	s20 =	sshll.u32 s4, $0x1;
	s4 =	sadd.s32 s21, s2  }
0x9d: {  	[timem:s6], [sflag:s22] =	dma.local [hbm:s4], s20  }
0x9e: {  	_ =	swait.ge [sflag:s22], s20  }
0x9f: {  	s3 =	ssub.s32 $0x0, s20;
	[sflag:s22] =	ssyncset.done $0x0  }
0xa0: {  	[sflag:s22] =	ssyncadd.s32 s3;
	_ =	sdelay $0x1  }
0xa1: {  	s23 =	simm.s32 $0x1B8B  }
0xa2: {  	_ =	swait.ge [sflag:s23], $0x1  }
0xa3: {  	[sflag:s23] =	ssyncset.done $0x0  }
0xa4: {  	s25 =	simm.s32 $0x1B8E;
	s24 =	sld [smem:$0x3FFE];
	[sflag:s23] =	ssyncadd.s32 $0xFFFFFFFF  }
0xa5: {  	s26 =	simm.s32 $execute0_lowered;
	[smem:$0x3FD2] =	sst s25  }
0xa6: {  	s4 =	sshll.u32 s26, $0x1;
	_ =	strace $0x8000004F;
	[dreg:$0x1] =	wrdreg $0xFFFFFFFF  }
0xa7: {  	s28 =	simm.s32 $_size_execute0_lowered;
	s2 =	sadd.s32 s2, s4;
	[dreg:$0x0] =	wrdreg $0x0  }
0xa8: {  	s4 =	sshll.u32 s28, $0x1;
	[dreg:$0x2] =	wrdreg s2  }
0xa9: {  	[dreg:$0x3] =	wrdreg s4  }
0xaa: {  	[dreg:$0x4] =	wrdreg $0xC0  }
0xab: {  	_ =	task [dreg:s6], $0x5FFFF  }
0xac: {  	[dreg:$0x1] =	wrdreg $0xFFFFFFFF  }
0xad: {  	[dreg:$0x0] =	wrdreg $0x60  }
0xae: {  	[dreg:$0x2] =	wrdreg s24  }
0xaf: {  	[dreg:$0x3] =	wrdreg $0x9  }
0xb0: {  	_ =	task.clear_ibuf [dreg:s6], $0x4FFFF;
	_ =	strace $0x9000004F  }
0xb1: {  	s29 =	simm.s32 $0x9;
	_ =	strace $0x80000051  }
0xb2: {  	_ =	swait.ge [sflag:s29], $0x1  }
0xb3: {  	[sflag:s29] =	ssyncadd.s32 $0xFFFFFFFF  }
0xb4: {  	_ =	strace $0x90000051  }
0xb5: {  	_ =	sfence  }
0xb6: {  	s30 =	sld [smem:$0x0];
	_ =	sdelay $0x2  }
0xb7: {  	s31 =	sshll.u32 s1, $0xD;
	s1 =	sshrl.u32 s1, $0x2  }
0xb8: {  	s3 =	sand.u32 $0x4000, s31;
	s1 =	sadd.s32 s1, s30  }
0xb9: {  	s0 =	sor.u32 s3, s0;
	s1 =	sshll.u32 s1, $0x11  }
0xba: {  	s0 =	sor.u32 s1, s0  }
0xbb: {  	s0 =	sadd.s32 $0x8F2B, s0  }
0xbc: {  	[sflag:s0] =	ssyncadd.remote.s32 $0x1  }
0xbd: {  	_ =	sfence.sel $0xFFFF  }
0xbe: {  	[dreg:$0x0] =	wrdreg $0xFFFFFFFF;
	(pc) =	sbr.abs _section_cstart, $3  }
0xbf: {  	[dreg:$0x1] =	wrdreg $0xFFFFFFFF  }
0xc0: {  	_ =	task.clear_ibuf [dreg:s6], $0x2FFFF;
	_ =	strace $0x9FFFFFFF  }
0xc1: {  	(tm) =	ssettm $0x7FFFFFFF  }
tec
execute0_lowered:
.L_overlay_start_1:
0x0: {  	(tag) =	ssettag $0x1  }
0x1: {  	s5 =	rddreg [dreg:$0x0]  }
0x2: {  	s0 =	rddreg [dreg:$0x1];
	s2 =	simm.s32 $0x0  }
0x3: {  	s1 =	stileid.u32;
	s3 =	srdreg.scid;
	s13 =	simm.s32 $0x4100  }
0x4: {  	s14 =	simm.s32 $0x1;
	s15 =	simm.s32 $0x2;
	s16 =	simm.s32 $0x0  }
0x5: {  	[smem:$0x7FF] =	sst s2;
	s6 =	smul.u32 $0xA00, s1;
	s7 =	sand.u32 $0x1, s3  }
0x6: {  	s3 =	sadd.s32 $0xC6C00, s5;
	s8 =	smul.u32 $0x50000, s1;
	s4 =	sadd.s32 $0xEEC00, s5  }
0x7: {  	_ =	strace $0x80000050;
	s9 =	ssub.s32 $0x2, s7;
	s11 =	smul.u32 $0x28000, s7  }
0x8: {  	s29 =	smul.u32 $0x500, s7;
	s10 =	sshrl.u32 s9, $0x1;
	s8 =	sadd.s32 s8, s5  }
0x9: {  	s12 =	sadd.s32 s6, s5;
	s9 =	ssub.s32 s9, s10;
	s30 =	sadd.s32 s11, s8  }
0xa: {  	s31 =	sadd.s32 s29, s12;
	s10 =	simm.s32 $0x3;
	s11 =	simm.s32 $0x80  }
0xb: {  	s12 =	simm.s32 $0x100;
	s5 =	smax.u32 s9, $0x1;
	s6 =	sadd.s32 $0x616C00, s30  }
0xc: {  	s7 =	sadd.s32 $0x116C00, s30;
	s8 =	sadd.s32 $0x8C00, s31;
	s9 =	sadd.s32 $0x12C00, s31  }
.LBB2_1:
0xd: {  	s17 =	sadd.s32 $0x0, s9  }
0xe: {  	[tilespmem:s2], [sflag:$0x3] =	stream.linear.gather [hbm4b:s17+s2], $0x80, $0x38;
	[tilespmem:$0x8100] =	vst v63  }
0xf: {  	_ =	swait.ge [sflag:s10], $0x80  }
0x10: {  	[sflag:s10] =	ssyncset.done $0x0  }
0x11: {  	s31 =	sadd.s32 $0x0, s8;
	[sflag:s10] =	ssyncadd.s32 $0xFFFFFF80  }
0x12: {  	[tilespmem:s11], [sflag:$0x3] =	stream.linear.gather [hbm4b:s31+s2], $0x80, $0x38;
	[tilespmem:$0x8100] =	vst v63  }
0x13: {  	_ =	swait.ge [sflag:s10], $0x80  }
0x14: {  	[sflag:s10] =	ssyncset.done $0x0  }
0x15: {  	[sflag:s10] =	ssyncadd.s32 $0xFFFFFF80  }
0x16: {  	[tilespmem:s12], [sflag:$0x1] =	stream.indirect.gather [hbm4b:s3+s11], $0x80, s2, s11, $0xb8;
	[tilespmem:$0x8100] =	vst v63  }
0x17: {  	_ = 	snop  }
0x18: {  	[tilespmem:s13], [sflag:$0x2] =	stream.indirect.gather [hbm4b:s4+s11], $0x80, s11, s11, $0xb8;
	[tilespmem:$0x8100] =	vst v63  }
0x19: {  	_ =	swait.ge [sflag:s14], $0x4000  }
0x1a: {  	[sflag:s14] =	ssyncset.done $0x0  }
0x1b: {  	[sflag:s14] =	ssyncadd.s32 $0xFFFFC000  }
0x1c: {  	_ =	swait.ge [sflag:s15], $0x4000  }
0x1d: {  	[sflag:s15] =	ssyncset.done $0x0  }
0x1e: {  	[sflag:s15] =	ssyncadd.s32 $0xFFFFC000  }
0x1f: {  	[hbm4b:s7+s2] =	stream.linear.scatter [tilespmem:s12], [sflag:$0x3], $0x4000, $0x38;
	[tilespmem:$0x8100] =	vst v63  }
0x20: {  	_ =	swait.ge [sflag:s10], $0x4000  }
0x21: {  	[sflag:s10] =	ssyncset.done $0x0  }
0x22: {  	[sflag:s10] =	ssyncadd.s32 $0xFFFFC000  }
0x23: {  	[hbm4b:s6+s2] =	stream.linear.scatter [tilespmem:s13], [sflag:$0x3], $0x4000, $0x38;
	[tilespmem:$0x8100] =	vst v63  }
0x24: {  	s19 =	simm.s32 $0x10;
	s20 =	simm.s32 $0x20;
	_ =	swait.ge [sflag:s10], $0x4000  }
0x25: {  	s18 =	sadd.s32 $0x800, s7;
	s17 =	sadd.s32 $0x800, s6;
	[sflag:s10] =	ssyncset.done $0x0  }
.LBB2_2:
0x26: {  	s21 =	sadd.s32 s19, s9  }
0x27: {  	[sflag:s10] =	ssyncadd.s32 $0xFFFFC000;
	s22 =	smov.u32 s20;
	s23 =	sadd.s32 $0x10, s20  }
0x28: {  	[tilespmem:s2], [sflag:$0x3] =	stream.linear.gather [hbm4b:s21+s2], $0x80, $0x38;
	[tilespmem:$0x8100] =	vst v63  }
0x29: {  	p0 =	sne.s32 s20, $0x4F0;
	_ =	swait.ge [sflag:s10], $0x80  }
0x2a: {  	[sflag:s10] =	ssyncset.done $0x0  }
0x2b: {  	s20 =	sadd.s32 s19, s8;
	s19 =	smov.u32 s22;
	[sflag:s10] =	ssyncadd.s32 $0xFFFFFF80  }
0x2c: {  	[tilespmem:s11], [sflag:$0x3] =	stream.linear.gather [hbm4b:s20+s2], $0x80, $0x38;
	[tilespmem:$0x8100] =	vst v63  }
0x2d: {  	_ =	swait.ge [sflag:s10], $0x80  }
0x2e: {  	[sflag:s10] =	ssyncset.done $0x0  }
0x2f: {  	[sflag:s10] =	ssyncadd.s32 $0xFFFFFF80  }
0x30: {  	[tilespmem:s12], [sflag:$0x1] =	stream.indirect.gather [hbm4b:s3+s11], $0x80, s2, s11, $0xb8;
	[tilespmem:$0x8100] =	vst v63  }
0x31: {  	_ = 	snop  }
0x32: {  	[tilespmem:s13], [sflag:$0x2] =	stream.indirect.gather [hbm4b:s4+s11], $0x80, s11, s11, $0xb8;
	[tilespmem:$0x8100] =	vst v63  }
0x33: {  	_ =	swait.ge [sflag:s14], $0x4000  }
0x34: {  	[sflag:s14] =	ssyncset.done $0x0  }
0x35: {  	[sflag:s14] =	ssyncadd.s32 $0xFFFFC000  }
0x36: {  	_ =	swait.ge [sflag:s15], $0x4000  }
0x37: {  	[sflag:s15] =	ssyncset.done $0x0  }
0x38: {  	[sflag:s15] =	ssyncadd.s32 $0xFFFFC000  }
0x39: {  	[hbm4b:s18+s2] =	stream.linear.scatter [tilespmem:s12], [sflag:$0x3], $0x4000, $0x38;
	[tilespmem:$0x8100] =	vst v63  }
0x3a: {  	_ =	swait.ge [sflag:s10], $0x4000  }
.Ltmp0:
0x3b: {  	[sflag:s10] =	ssyncset.done $0x0;
	(pc) =	sbr.rel @p0 .LBB2_2-.Ltmp0, $4  }
0x3c: {  	[sflag:s10] =	ssyncadd.s32 $0xFFFFC000  }
0x3d: {  	[hbm4b:s17+s2] =	stream.linear.scatter [tilespmem:s13], [sflag:$0x3], $0x4000, $0x38;
	[tilespmem:$0x8100] =	vst v63  }
0x3e: {  	s20 =	smov.u32 s23;
	_ =	swait.ge [sflag:s10], $0x4000  }
0x3f: {  	s18 =	sadd.s32 $0x800, s18;
	s17 =	sadd.s32 $0x800, s17;
	[sflag:s10] =	ssyncset.done $0x0  }
0x40: {  	s20 =	sadd.s32 s19, s9;
	[sflag:s10] =	ssyncadd.s32 $0xFFFFC000  }
0x41: {  	[tilespmem:s2], [sflag:$0x3] =	stream.linear.gather [hbm4b:s20+s2], $0x80, $0x38;
	[tilespmem:$0x8100] =	vst v63  }
0x42: {  	_ =	swait.ge [sflag:s10], $0x80  }
0x43: {  	[sflag:s10] =	ssyncset.done $0x0  }
0x44: {  	s31 =	sadd.s32 s19, s8;
	[sflag:s10] =	ssyncadd.s32 $0xFFFFFF80  }
0x45: {  	[tilespmem:s11], [sflag:$0x3] =	stream.linear.gather [hbm4b:s31+s2], $0x80, $0x38;
	[tilespmem:$0x8100] =	vst v63  }
0x46: {  	_ =	swait.ge [sflag:s10], $0x80  }
0x47: {  	[sflag:s10] =	ssyncset.done $0x0  }
0x48: {  	[sflag:s10] =	ssyncadd.s32 $0xFFFFFF80  }
0x49: {  	[tilespmem:s12], [sflag:$0x1] =	stream.indirect.gather [hbm4b:s3+s11], $0x80, s2, s11, $0xb8;
	[tilespmem:$0x8100] =	vst v63  }
0x4a: {  	_ = 	snop  }
0x4b: {  	[tilespmem:s13], [sflag:$0x2] =	stream.indirect.gather [hbm4b:s4+s11], $0x80, s11, s11, $0xb8;
	[tilespmem:$0x8100] =	vst v63  }
0x4c: {  	_ =	swait.ge [sflag:s14], $0x4000  }
0x4d: {  	[sflag:s14] =	ssyncset.done $0x0  }
0x4e: {  	[sflag:s14] =	ssyncadd.s32 $0xFFFFC000  }
0x4f: {  	_ =	swait.ge [sflag:s15], $0x4000  }
0x50: {  	[sflag:s15] =	ssyncset.done $0x0  }
0x51: {  	[sflag:s15] =	ssyncadd.s32 $0xFFFFC000  }
0x52: {  	[hbm4b:s18+s2] =	stream.linear.scatter [tilespmem:s12], [sflag:$0x3], $0x4000, $0x38;
	[tilespmem:$0x8100] =	vst v63  }
0x53: {  	s16 =	sadd.s32 $0x1, s16;
	_ =	swait.ge [sflag:s10], $0x4000  }
0x54: {  	p0 =	sne.s32 s16, s5;
	[sflag:s10] =	ssyncset.done $0x0  }
.Ltmp1:
0x55: {  	[sflag:s10] =	ssyncadd.s32 $0xFFFFC000;
	(pc) =	sbr.rel @p0 .LBB2_1-.Ltmp1, $4  }
0x56: {  	[hbm4b:s17+s2] =	stream.linear.scatter [tilespmem:s13], [sflag:$0x3], $0x4000, $0x38;
	[tilespmem:$0x8100] =	vst v63  }
0x57: {  	_ =	swait.ge [sflag:s10], $0x4000  }
0x58: {  	[sflag:s10] =	ssyncset.done $0x0  }
0x59: {  	[sflag:s10] =	ssyncadd.s32 $0xFFFFC000  }
0x5a: {  	_ =	sfence.sel $0x180000  }
0x5b: {  	[bflag:$0x0] =	sbarrier.arrive $0xFFFF  }
0x5c: {  	p0 =	sne.s32 s1, $0x0;
	_ =	strace $0x90000050  }
0x5d: {  	s0 =	sadd.s32 @!p0 $0x100000, s0;
	[bflag:$0x2] =	sbarrier.arrive $0xFFFF  }
0x5e: {  	[sflag:s0] =	ssyncadd.tile.s32 @!p0 $0x1;
	_ =	shalt  }
.Lfunc_end2:
_tile_overlayer_lowered:
.L_overlay_start_2:
0x5f: {  	(tag) =	ssettag $0x2  }
0x60: {  	s0 =	rddreg [dreg:$0x0];
	s2 =	stileid.u32  }
0x61: {  	s1 =	rddreg [dreg:$0x1];
	p0 =	sne.s32 s2, $0x0  }
0x62: {  	s3 =	rddreg [dreg:$0x2];
	[bflag:$0x3] =	sbarrier.arrive $0xFFFF;
	s2 =	simm.s32 @!p0 $0x1C03  }
0x63: {  	[timem:s3], [sflag:s2] =	dma.local @!p0 [hbm:s0], s1  }
0x64: {  	s0 =	simm.s32 @!p0 $0x3  }
0x65: {  	_ =	swait.ge @!p0 [sflag:s0], s1  }
0x66: {  	s1 =	ssub.s32 @!p0 $0x0, s1;
	[sflag:s0] =	ssyncset.done @!p0 $0x0  }
0x67: {  	[sflag:s0] =	ssyncadd.s32 @!p0 s1  }
0x68: {  	[bflag:$0x3] =	sbarrier.arrive $0xFFFF  }
0x69: {  	_ =	shalt  }

// kernel: kernel.27.cloned.1.call-start
scs
__scs_entry_jumppad:
0x0: {  	(pc) =	sbr.rel $0x88, $3  }
0x1: {  	(tag) =	ssettag $0x0;
	lr =	simm.s32 $0x1  }
0x2: {  	[smem:$0x3F79] =	sst lr;
	_ =	strace $0xD0000000  }
0x3: {  	_ = 	snop  }
0x4: {  	_ = 	snop  }
0x5: {  	_ = 	snop  }
0x6: {  	_ = 	snop  }
0x7: {  	_ = 	snop  }
__scs_overlays_trampoline_lowered:
0x8: {  	[smem:$0x3F88] =	sst s0  }
0x9: {  	[smem:$0x3F89] =	sst s1  }
0xa: {  	[smem:$0x3F8A] =	sst s2  }
0xb: {  	[smem:$0x3F8B] =	sst s3  }
0xc: {  	[smem:$0x3F8C] =	sst s4  }
0xd: {  	[smem:$0x3F8D] =	sst s5  }
0xe: {  	[smem:$0x3F8E] =	sst s6  }
0xf: {  	[smem:$0x3F8F] =	sst s7  }
0x10: {  	[smem:$0x3F90] =	sst s8  }
0x11: {  	[smem:$0x3F91] =	sst s9;
	s0 =	simm.s32 @!p0 $0x0  }
0x12: {  	s1 =	sld [smem:$0x3F77];
	s0 =	simm.s32 @p0 $0x1  }
0x13: {  	[smem:$0x3F92] =	sst s0;
	s0 =	simm.s32 @!p1 $0x0  }
0x14: {  	s2 =	sld [smem:$0x3F76];
	s0 =	simm.s32 @p1 $0x1  }
0x15: {  	[smem:$0x3F93] =	sst s0;
	s0 =	simm.s32 @!p2 $0x0  }
0x16: {  	s3 =	sld [smem:$0x3FDB];
	s0 =	simm.s32 @p2 $0x1  }
0x17: {  	s4 =	simm.s32 $0x1BF5;
	[smem:$0x3F95] =	sst s0  }
0x18: {  	s0 =	sld [smem:$0x3F78];
	_ =	swait.ge [sflag:s4], $0x0  }
0x19: {  	s7 =	sld [smem:$0x3F79]  }
0x1a: {  	s8 =	sadd.s32 $0xFFFFE003, lr  }
0x1b: {  	s9 =	sadd.s32 $0xFFFFFEF7, lr;
	s5 =	simm.s32 $0xFFFFFFFF;
	p2 =	slt.u32 s8, $0xFFFFF086  }
0x1c: {  	p1 =	slt.u32 s9, $0xF7A;
	s5 =	simm.s32 @!p2 $0x0  }
0x1d: {  	s5 =	simm.s32 @p1 $0x1;
	p0 =	seq.s32 s7, s2  }
0x1e: {  	s7 =	smul.u32 @!p0 $0xF7A, s2;
	p2 =	seq.s32 @!p0 s5, $0x0  }
0x1f: {  	s9 =	smul.u32 $0xF7A, s1;
	s8 =	simm.s32 @!p0 $0x1BF5;
	p2 =	por !p2, p0  }
0x20: {  	[sflag:s8] =	ssyncset.s32 @!p0 $0xFFFFF086;
	s6 =	sadd.s32 @!p0 s3, s7;
	s7 =	simm.s32 @!p0 $0x108  }
0x21: {  	s3 =	sadd.s32 s3, s9;
	s6 =	sadd.s32 @!p0 $0x88, s6;
	s7 =	simm.s32 @p2 $0x1082  }
0x22: {  	[simem:s7], [sflag:s8] =	dma.local @!p0 [hbm:s6], $0xF7A  }
0x23: {  	s9 =	sor.u32 $0xD0000000, s2;
	s6 =	simm.s32 $0x108;
	_ =	swait.ge @!p0 [sflag:s8], $0x0  }
0x24: {  	s3 =	sadd.s32 $0x88, s3;
	s6 =	simm.s32 @!p1 $0x1082;
	[sflag:s4] =	ssyncset.s32 $0xFFFFF086  }
0x25: {  	[simem:s6], [sflag:s4] =	dma.local [hbm:s3], $0xF7A  }
0x26: {  	[smem:$0x3F79] =	sst s1;
	(tag) =	ssettag s2;
	_ =	strace s9  }
0x27: {  	s1 =	sld [smem:$0x3F89]  }
0x28: {  	s2 =	sld [smem:$0x3F8A]  }
0x29: {  	s4 =	sld [smem:$0x3F8C]  }
0x2a: {  	p0 =	seq.s32 s5, $0x0;
	s5 =	sld [smem:$0x3F8D]  }
0x2b: {  	s6 =	sld [smem:$0x3F8E]  }
0x2c: {  	s7 =	sld [smem:$0x3F8F]  }
0x2d: {  	s3 =	simm.s32 $0x108;
	s8 =	sld [smem:$0x3F90]  }
0x2e: {  	s3 =	simm.s32 @!p0 $0x1082;
	s9 =	sld [smem:$0x3F91]  }
0x2f: {  	lr =	sadd.s32 s0, s3;
	s0 =	sld [smem:$0x3F88]  }
0x30: {  	s3 =	sld [smem:$0x3F8B]  }
0x31: {  	[smem:$0x3F94] =	sst s10  }
0x32: {  	s10 =	sld [smem:$0x3F92];
	_ =	sdelay $0x3  }
0x33: {  	p0 =	seq.s32 s10, $0x1;
	s10 =	sld [smem:$0x3F94];
	_ =	sdelay $0x3  }
0x34: {  	[smem:$0x3F94] =	sst s10  }
0x35: {  	s10 =	sld [smem:$0x3F93];
	_ =	sdelay $0x3  }
0x36: {  	p1 =	seq.s32 s10, $0x1;
	s10 =	sld [smem:$0x3F94];
	_ =	sdelay $0x3  }
0x37: {  	[smem:$0x3F94] =	sst s10  }
0x38: {  	s10 =	sld [smem:$0x3F95]  }
0x39: {  	_ = 	snop;
	(pc) =	sbr.ind lr, $3  }
0x3a: {  	_ = 	snop  }
0x3b: {  	_ = 	snop  }
0x3c: {  	p2 =	seq.s32 s10, $0x1;
	s10 =	sld [smem:$0x3F94]  }
0x3d: {  	_ =	shalt  }
0x3e: {  	_ =	shalt  }
0x3f: {  	_ =	shalt  }
0x40: {  	_ =	shalt  }
0x41: {  	_ =	shalt  }
0x42: {  	_ =	shalt  }
0x43: {  	_ =	shalt  }
0x44: {  	_ =	shalt  }
0x45: {  	_ =	shalt  }
0x46: {  	_ =	shalt  }
0x47: {  	_ =	shalt  }
0x48: {  	_ =	shalt  }
0x49: {  	_ =	shalt  }
0x4a: {  	_ =	shalt  }
0x4b: {  	_ =	shalt  }
0x4c: {  	_ =	shalt  }
0x4d: {  	_ =	shalt  }
0x4e: {  	_ =	shalt  }
0x4f: {  	_ =	shalt  }
0x50: {  	_ =	shalt  }
0x51: {  	_ =	shalt  }
0x52: {  	_ =	shalt  }
0x53: {  	_ =	shalt  }
0x54: {  	_ =	shalt  }
0x55: {  	_ =	shalt  }
0x56: {  	_ =	shalt  }
0x57: {  	_ =	shalt  }
0x58: {  	_ =	shalt  }
0x59: {  	_ =	shalt  }
0x5a: {  	_ =	shalt  }
0x5b: {  	_ =	shalt  }
0x5c: {  	_ =	shalt  }
0x5d: {  	_ =	shalt  }
0x5e: {  	_ =	shalt  }
0x5f: {  	_ =	shalt  }
0x60: {  	_ =	shalt  }
0x61: {  	_ =	shalt  }
0x62: {  	_ =	shalt  }
0x63: {  	_ =	shalt  }
0x64: {  	_ =	shalt  }
0x65: {  	_ =	shalt  }
0x66: {  	_ =	shalt  }
0x67: {  	_ =	shalt  }
0x68: {  	_ =	shalt  }
0x69: {  	_ =	shalt  }
0x6a: {  	_ =	shalt  }
0x6b: {  	_ =	shalt  }
0x6c: {  	_ =	shalt  }
0x6d: {  	_ =	shalt  }
0x6e: {  	_ =	shalt  }
0x6f: {  	_ =	shalt  }
0x70: {  	_ =	shalt  }
0x71: {  	_ =	shalt  }
0x72: {  	_ =	shalt  }
0x73: {  	_ =	shalt  }
0x74: {  	_ =	shalt  }
0x75: {  	_ =	shalt  }
0x76: {  	_ =	shalt  }
0x77: {  	_ =	shalt  }
0x78: {  	_ =	shalt  }
0x79: {  	_ =	shalt  }
0x7a: {  	_ =	shalt  }
0x7b: {  	_ =	shalt  }
0x7c: {  	_ =	shalt  }
0x7d: {  	_ =	shalt  }
0x7e: {  	_ =	shalt  }
0x7f: {  	_ =	shalt  }
0x80: {  	_ =	shalt  }
0x81: {  	_ =	shalt  }
0x82: {  	_ =	shalt  }
0x83: {  	_ =	shalt  }
0x84: {  	_ =	shalt  }
0x85: {  	_ =	shalt  }
0x86: {  	_ =	shalt  }
0x87: {  	_ =	shalt  }
.Lfunc_end0:
.L_simem_size_0:
called_computation.4_lowered:
.L_overlay_start_0:
0x88: {  	s2 =	sld [smem:$0x3FD9]  }
0x89: {  	s3 =	sld [smem:$0x3FFE];
	_ =	sdelay $0x1  }
0x8a: {  	s1 =	srdreg.scid  }
0x8b: {  	s0 =	sand.u32 $0x1, s1  }
0x8c: {  	s16 =	sshll.u32 s0, $0xA;
	s2 =	sadd.s32 s3, s2  }
0x8d: {  	s2 =	sadd.s32 s2, s16  }
0x8e: {  	[smem:$0x3FA0] =	sst s2  }
0x8f: {  	_ = 	snop  }
0x90: {  	(tm) =	ssettm $0x1  }
0x91: {  	s17 =	sld [smem:$0x3FFB];
	_ =	sdelay $0x3  }
0x92: {  	_ =	strace s17  }
0x93: {  	s2 =	sld [smem:$0x3FFC];
	_ =	sdelay $0x3  }
0x94: {  	_ =	strace s2  }
0x95: {  	s2 =	sld [smem:$0x3FFD];
	_ =	sdelay $0x3  }
0x96: {  	_ =	strace s2  }
0x97: {  	_ =	strace $0x8FFFFFFF  }
0x98: {  	s18 =	sld [smem:$0x3FDB];
	_ =	sdelay $0x1  }
0x99: {  	s19 =	simm.s32 $_scs_section_size  }
0x9a: {  	s4 =	simm.s32 $_size__tile_overlayer_lowered;
	s5 =	simm.s32 $_tile_overlayer_lowered  }
0x9b: {  	s22 =	simm.s32 $0x1BFF;
	s21 =	sshll.u32 s5, $0x1;
	s2 =	sadd.s32 s19, s18  }
0x9c: {  	s6 =	simm.s32 $0x0;
	s20 =	sshll.u32 s4, $0x1;
	s4 =	sadd.s32 s21, s2  }
0x9d: {  	[timem:s6], [sflag:s22] =	dma.local [hbm:s4], s20  }
0x9e: {  	_ =	swait.ge [sflag:s22], s20  }
0x9f: {  	s3 =	ssub.s32 $0x0, s20;
	[sflag:s22] =	ssyncset.done $0x0  }
0xa0: {  	[sflag:s22] =	ssyncadd.s32 s3;
	_ =	sdelay $0x1  }
0xa1: {  	s23 =	simm.s32 $0x1B8B  }
0xa2: {  	_ =	swait.ge [sflag:s23], $0x1  }
0xa3: {  	[sflag:s23] =	ssyncset.done $0x0  }
0xa4: {  	s25 =	simm.s32 $0x1B8E;
	s24 =	sld [smem:$0x3FFE];
	[sflag:s23] =	ssyncadd.s32 $0xFFFFFFFF  }
0xa5: {  	s26 =	simm.s32 $execute0_lowered;
	[smem:$0x3FD2] =	sst s25  }
0xa6: {  	s4 =	sshll.u32 s26, $0x1;
	_ =	strace $0x80000052;
	[dreg:$0x1] =	wrdreg $0xFFFFFFFF  }
0xa7: {  	s28 =	simm.s32 $_size_execute0_lowered;
	s2 =	sadd.s32 s2, s4;
	[dreg:$0x0] =	wrdreg $0x0  }
0xa8: {  	s4 =	sshll.u32 s28, $0x1;
	[dreg:$0x2] =	wrdreg s2  }
0xa9: {  	[dreg:$0x3] =	wrdreg s4  }
0xaa: {  	[dreg:$0x4] =	wrdreg $0xC0  }
0xab: {  	_ =	task [dreg:s6], $0x5FFFF  }
0xac: {  	[dreg:$0x1] =	wrdreg $0xFFFFFFFF  }
0xad: {  	[dreg:$0x0] =	wrdreg $0x60  }
0xae: {  	[dreg:$0x2] =	wrdreg s24  }
0xaf: {  	[dreg:$0x3] =	wrdreg $0x40800  }
0xb0: {  	[dreg:$0x4] =	wrdreg $0x9  }
0xb1: {  	_ =	task.clear_ibuf [dreg:s6], $0x5FFFF;
	_ =	strace $0x90000052  }
0xb2: {  	s29 =	simm.s32 $0x9;
	_ =	strace $0x80000054  }
0xb3: {  	_ =	swait.ge [sflag:s29], $0x1  }
0xb4: {  	[sflag:s29] =	ssyncadd.s32 $0xFFFFFFFF  }
0xb5: {  	_ =	strace $0x90000054  }
0xb6: {  	_ =	sfence  }
0xb7: {  	s30 =	sld [smem:$0x0];
	_ =	sdelay $0x2  }
0xb8: {  	s31 =	sshll.u32 s1, $0xD;
	s1 =	sshrl.u32 s1, $0x2  }
0xb9: {  	s3 =	sand.u32 $0x4000, s31;
	s1 =	sadd.s32 s1, s30  }
0xba: {  	s0 =	sor.u32 s3, s0;
	s1 =	sshll.u32 s1, $0x11  }
0xbb: {  	s0 =	sor.u32 s1, s0  }
0xbc: {  	s0 =	sadd.s32 $0x8F2B, s0  }
0xbd: {  	[sflag:s0] =	ssyncadd.remote.s32 $0x1  }
0xbe: {  	_ =	sfence.sel $0xFFFF  }
0xbf: {  	[dreg:$0x0] =	wrdreg $0xFFFFFFFF;
	(pc) =	sbr.abs _section_cstart, $3  }
0xc0: {  	[dreg:$0x1] =	wrdreg $0xFFFFFFFF  }
0xc1: {  	_ =	task.clear_ibuf [dreg:s6], $0x2FFFF;
	_ =	strace $0x9FFFFFFF  }
0xc2: {  	(tm) =	ssettm $0x7FFFFFFF  }
0xc3: {  	_ =	shalt  }
tec
execute0_lowered:
.L_overlay_start_1:
0x0: {  	(tag) =	ssettag $0x1  }
0x1: {  	s0 =	srdreg.scid  }
0x2: {  	s4 =	rddreg [dreg:$0x0];
	s5 =	sand.u32 $0x1, s0  }
0x3: {  	s0 =	stileid.u32;
	s6 =	smul.u32 $0x28000, s5  }
0x4: {  	s2 =	rddreg [dreg:$0x1];
	s7 =	smul.u32 $0x2800, s0  }
0x5: {  	s1 =	rddreg [dreg:$0x2];
	s3 =	simm.s32 $0x0;
	s8 =	smul.u32 $0x280000, s5  }
0x6: {  	[smem:$0x7FF] =	sst s3;
	s25 =	smul.u32 $0x14000, s0  }
0x7: {  	s13 =	simm.s32 $0x0;
	s9 =	smul.u32 $0x140000, s5;
	_ =	strace $0x80000053  }
0x8: {  	s5 =	ssub.s32 $0x2, s5;
	s11 =	smul.u32 $0x50000, s0;
	s30 =	sshll.u32 s0, $0x6  }
0x9: {  	s31 =	smul.u32 $0x28000, s0;
	s28 =	sshrl.u32 s5, $0x1;
	s6 =	sadd.s32 s7, s6  }
0xa: {  	s8 =	sadd.s32 s8, s4;
	s26 =	sshrl.u32 s25, $0x3;
	s7 =	sadd.s32 s25, s9  }
0xb: {  	s9 =	ssub.s32 s5, s28;
	s29 =	sshrl.u32 s11, $0x2;
	s5 =	sor.u32 $0x1C01, s30  }
0xc: {  	s11 =	simm.s32 $0x1;
	s6 =	sshrl.u32 s6, $0x3;
	s7 =	sshrl.u32 s7, $0x3  }
0xd: {  	s12 =	sadd.s32 s29, s2;
	s8 =	sadd.s32 s31, s8;
	s10 =	sadd.s32 s6, s4  }
0xe: {  	s6 =	sadd.s32 s26, s4;
	s7 =	sadd.s32 s7, s4;
	s8 =	sadd.s32 $0x1016C00, s8  }
0xf: {  	s4 =	sadd.s32 $0x1CC00, s6;
	s6 =	sadd.s32 $0xC6C00, s7;
	s7 =	smax.u32 s9, $0x1  }
0x10: {  	s9 =	sadd.s32 $0x8C00, s10;
	s10 =	sshrl.u32 s12, $0x3;
	s12 =	simm.s32 $0x80  }
.LBB2_1:
0x11: {  	[spmem:s10], [sflag:s5] =	dma.local [hbm:s4], $0x2800  }
0x12: {  	_ =	swait.ge [sflag:s11], $0x2800  }
0x13: {  	[sflag:s11] =	ssyncset.done $0x0  }
0x14: {  	[sflag:s11] =	ssyncadd.s32 $0xFFFFD800  }
0x15: {  	s14 =	sadd.s32 $0x0, s9;
	[bflag:$0x0] =	sbarrier.arrive $0xFFFF  }
0x16: {  	[tilespmem:s3], [sflag:$0x1] =	stream.linear.gather [hbm4b:s14+s3], $0x80, $0x38;
	[tilespmem:$0x18080] =	vst v63  }
0x17: {  	_ =	swait.ge [sflag:s11], $0x80  }
0x18: {  	[sflag:s11] =	ssyncset.done $0x0  }
0x19: {  	[sflag:s11] =	ssyncadd.s32 $0xFFFFFF80  }
0x1a: {  	[tilespmem:s12], [sflag:$0x1] =	stream.linear.gather [hbm4b:s8+s3], $0x4000, $0x38;
	[tilespmem:$0x18080] =	vst v63  }
0x1b: {  	_ =	swait.ge [sflag:s11], $0x4000  }
0x1c: {  	[sflag:s11] =	ssyncset.done $0x0  }
0x1d: {  	[sflag:s11] =	ssyncadd.s32 $0xFFFFC000  }
0x1e: {  	[spmem:s2] =	stream.indirect.scatter.add.f32 [tilespmem:s12], [sflag:$0x1], $0x80, s3, s12, $0xb8;
	[tilespmem:$0x18080] =	vst v63  }
0x1f: {  	s15 =	simm.s32 $0x10;
	_ =	swait.ge [sflag:s11], $0x4000  }
0x20: {  	s16 =	simm.s32 $0x20;
	s14 =	sadd.s32 $0x800, s8;
	[sflag:s11] =	ssyncset.done $0x0  }
.LBB2_2:
0x21: {  	s17 =	sadd.s32 s15, s9  }
0x22: {  	[sflag:s11] =	ssyncadd.s32 $0xFFFFC000;
	s15 =	smov.u32 s16;
	s18 =	sadd.s32 $0x10, s16  }
0x23: {  	[tilespmem:s3], [sflag:$0x1] =	stream.linear.gather [hbm4b:s17+s3], $0x80, $0x38;
	[tilespmem:$0x18080] =	vst v63  }
0x24: {  	p0 =	sne.s32 s16, $0x4F0;
	_ =	swait.ge [sflag:s11], $0x80  }
0x25: {  	[sflag:s11] =	ssyncset.done $0x0  }
0x26: {  	[sflag:s11] =	ssyncadd.s32 $0xFFFFFF80  }
0x27: {  	[tilespmem:s12], [sflag:$0x1] =	stream.linear.gather [hbm4b:s14+s3], $0x4000, $0x38;
	[tilespmem:$0x18080] =	vst v63  }
0x28: {  	_ =	swait.ge [sflag:s11], $0x4000  }
.Ltmp0:
0x29: {  	[sflag:s11] =	ssyncset.done $0x0;
	(pc) =	sbr.rel @p0 .LBB2_2-.Ltmp0, $4  }
0x2a: {  	[sflag:s11] =	ssyncadd.s32 $0xFFFFC000  }
0x2b: {  	[spmem:s2] =	stream.indirect.scatter.add.f32 [tilespmem:s12], [sflag:$0x1], $0x80, s3, s12, $0xb8;
	[tilespmem:$0x18080] =	vst v63  }
0x2c: {  	_ =	swait.ge [sflag:s11], $0x4000  }
0x2d: {  	s16 =	smov.u32 s18;
	s14 =	sadd.s32 $0x800, s14;
	[sflag:s11] =	ssyncset.done $0x0  }
0x2e: {  	s15 =	sadd.s32 s15, s9;
	[sflag:s11] =	ssyncadd.s32 $0xFFFFC000  }
0x2f: {  	[tilespmem:s3], [sflag:$0x1] =	stream.linear.gather [hbm4b:s15+s3], $0x80, $0x38;
	[tilespmem:$0x18080] =	vst v63  }
0x30: {  	_ =	swait.ge [sflag:s11], $0x80  }
0x31: {  	[sflag:s11] =	ssyncset.done $0x0  }
0x32: {  	[sflag:s11] =	ssyncadd.s32 $0xFFFFFF80  }
0x33: {  	[tilespmem:s12], [sflag:$0x1] =	stream.linear.gather [hbm4b:s14+s3], $0x4000, $0x38;
	[tilespmem:$0x18080] =	vst v63  }
0x34: {  	_ =	swait.ge [sflag:s11], $0x4000  }
0x35: {  	[sflag:s11] =	ssyncset.done $0x0  }
0x36: {  	[sflag:s11] =	ssyncadd.s32 $0xFFFFC000  }
0x37: {  	[spmem:s2] =	stream.indirect.scatter.add.f32 [tilespmem:s12], [sflag:$0x1], $0x80, s3, s12, $0xb8;
	[tilespmem:$0x18080] =	vst v63  }
0x38: {  	_ =	swait.ge [sflag:s11], $0x4000  }
0x39: {  	s13 =	sadd.s32 $0x1, s13;
	[sflag:s11] =	ssyncset.done $0x0  }
0x3a: {  	p0 =	sne.s32 s13, s7;
	[sflag:s11] =	ssyncadd.s32 $0xFFFFC000  }
.Ltmp1:
0x3b: {  	[bflag:$0x0] =	sbarrier.arrive $0xFFFF;
	(pc) =	sbr.rel @p0 .LBB2_1-.Ltmp1, $4  }
0x3c: {  	[hbm:s6], [sflag:s5] =	dma.local [spmem:s10], $0x2800  }
0x3d: {  	_ =	swait.ge [sflag:s11], $0x2800  }
0x3e: {  	[sflag:s11] =	ssyncset.done $0x0  }
0x3f: {  	[sflag:s11] =	ssyncadd.s32 $0xFFFFD800  }
0x40: {  	_ =	sfence.sel $0x180000  }
0x41: {  	[bflag:$0x0] =	sbarrier.arrive $0xFFFF  }
0x42: {  	p0 =	sne.s32 s0, $0x0;
	_ =	strace $0x90000053  }
0x43: {  	s0 =	sadd.s32 @!p0 $0x100000, s1;
	[bflag:$0x2] =	sbarrier.arrive $0xFFFF  }
0x44: {  	[sflag:s0] =	ssyncadd.tile.s32 @!p0 $0x1;
	_ =	shalt  }
.Lfunc_end2:
_tile_overlayer_lowered:
.L_overlay_start_2:
0x45: {  	(tag) =	ssettag $0x2  }
0x46: {  	s0 =	rddreg [dreg:$0x0];
	s2 =	stileid.u32  }
0x47: {  	s1 =	rddreg [dreg:$0x1];
	p0 =	sne.s32 s2, $0x0  }
0x48: {  	s3 =	rddreg [dreg:$0x2];
	[bflag:$0x3] =	sbarrier.arrive $0xFFFF;
	s2 =	simm.s32 @!p0 $0x1C01  }
0x49: {  	[timem:s3], [sflag:s2] =	dma.local @!p0 [hbm:s0], s1  }
0x4a: {  	s0 =	simm.s32 @!p0 $0x1  }
0x4b: {  	_ =	swait.ge @!p0 [sflag:s0], s1  }
0x4c: {  	s1 =	ssub.s32 @!p0 $0x0, s1;
	[sflag:s0] =	ssyncset.done @!p0 $0x0  }
0x4d: {  	[sflag:s0] =	ssyncadd.s32 @!p0 s1  }
0x4e: {  	[bflag:$0x3] =	sbarrier.arrive $0xFFFF  }
0x4f: {  	_ =	shalt  }

</sc_bundles>
